<compile_context>
chip_gen: v7x
topology: tpu7x:2x2x1
jax: 0.10.2.dev20260603
libtpu: 0.0.44.dev20260713+nightly
codegen_flags: <defaults>
</compile_context>

<pallas_src>
import functools

import jax
import jax.numpy as jnp
from jax import lax
from jax.experimental import pallas as pl
from jax.experimental.pallas import tpu as pltpu
from jax.experimental.pallas import tpu_sc as plsc

B = 16384
DIM = 64
MD = 32
PD = 32
LW = 128

NC = 2
NS = 16
NW = NC * NS
BPW = B // NW
CH = 64
NCH = BPW // CH


def _sc_gather_body(all_idx,
                    user_emb, item_emb, emb_manu, emb_part,
                    out_u, out_i, out_m, out_p,
                    vu_idx, vi_idx, vm_idx, vp_idx,
                    ru0, ri0, rm0, rp0, ru1, ri1, rm1, rp1,
                    s0, s1, s2, s3):
    wid = lax.axis_index("c") * NS + lax.axis_index("s")
    base = wid * BPW

    pltpu.sync_copy(all_idx.at[0, wid], vu_idx)
    pltpu.sync_copy(all_idx.at[1, wid], vi_idx)
    pltpu.sync_copy(all_idx.at[2, wid], vm_idx)
    pltpu.sync_copy(all_idx.at[3, wid], vp_idx)

    bufs = ((ru0, ri0, rm0, rp0), (ru1, ri1, rm1, rp1))
    tabs = (user_emb, item_emb, emb_manu, emb_part)
    outs = (out_u, out_i, out_m, out_p)
    idxs = (vu_idx, vi_idx, vm_idx, vp_idx)
    sems = (s0, s1, s2, s3)

    def fire(j):
        bset = bufs[j % 2]
        return [pltpu.async_copy(tabs[t].at[idxs[t].at[j]], bset[t], sems[t])
                for t in range(4)]

    pending = fire(0)
    for j in range(NCH):
        nxt = fire(j + 1) if j + 1 < NCH else None
        for c in pending:
            c.wait()
        bset = bufs[j % 2]
        off = base + j * CH
        for t in range(4):
            pltpu.sync_copy(bset[t], outs[t].at[pl.ds(off, CH)])
        pending = nxt


def _make_sc_gather():
    return functools.partial(
        pl.kernel,
        mesh=plsc.VectorSubcoreMesh(core_axis_name="c", subcore_axis_name="s"),
        out_type=[
            jax.ShapeDtypeStruct((B, LW), jnp.float32),
            jax.ShapeDtypeStruct((B, LW), jnp.float32),
            jax.ShapeDtypeStruct((B, LW), jnp.float32),
            jax.ShapeDtypeStruct((B, LW), jnp.float32),
        ],
        scratch_types=(
            [pltpu.VMEM((NCH, CH), jnp.int32) for _ in range(4)]
            + [pltpu.VMEM((CH, LW), jnp.float32) for _ in range(8)]
            + [pltpu.SemaphoreType.DMA for _ in range(4)]
        ),
    )(_sc_gather_body)


def _mlp_body(year, u128, ic128, m128, p128,
              Wy1, by1, Wy2, by2, Wp, bp, Wm1, bm1, Wm2, bm2,
              Whe, bhe, Whi, bhi,
              out_e, out_i):
    f32 = jnp.float32
    relu = lambda a: jnp.maximum(a, 0.0)
    u = u128[:, 0:64]
    ic = ic128[:, 64:128]
    m = m128[:, 0:32]
    p = p128[:, 32:64]
    y1 = relu(year[...] * Wy1[...] + by1[...].reshape(1, -1))
    y = relu(jnp.dot(y1, Wy2[...], preferred_element_type=f32)
             + by2[...].reshape(1, -1))
    cin = jnp.concatenate([y, m, p], axis=1)
    cont = relu(jnp.dot(cin, Wp[...], preferred_element_type=f32)
                + bp[...].reshape(1, -1))
    x = jnp.concatenate([u, ic, cont], axis=1)
    h1 = relu(jnp.dot(x, Wm1[...], preferred_element_type=f32)
              + bm1[...].reshape(1, -1))
    h = relu(jnp.dot(h1, Wm2[...], preferred_element_type=f32)
             + bm2[...].reshape(1, -1))
    out_e[...] = jnp.dot(h, Whe[...], preferred_element_type=f32) + bhe[...]
    out_i[...] = jnp.dot(h, Whi[...], preferred_element_type=f32) + bhi[...]


def kernel(users, items, item_year, item_manu, item_part,
           user_emb, item_emb, emb_manu, emb_part,
           W_y1, b_y1, W_y2, b_y2, W_proj, b_proj,
           W_m1, b_m1, W_m2, b_m2, W_he, b_he, W_hi, b_hi, W_g, b_g):
    i32 = jnp.int32
    all_idx = jnp.stack([users.astype(i32), items.astype(i32),
                         item_manu.astype(i32), item_part.astype(i32)]
                        ).reshape(4, NW, NCH, CH)

    ui_pack = jnp.concatenate([user_emb, item_emb], axis=1)
    mp_pack = jnp.pad(jnp.concatenate([emb_manu, emb_part], axis=1),
                      ((0, 0), (0, LW - MD - PD)))

    u_g, ic_g, m_g, p_g = _make_sc_gather()(
        all_idx, ui_pack, ui_pack, mp_pack, mp_pack)

    bs = 4096
    grid = (B // bs,)
    row_spec = lambda d: pl.BlockSpec((bs, d), lambda gi: (gi, 0))
    full = lambda a: pl.BlockSpec(a.shape, lambda gi: (0,) * a.ndim)

    out_e, out_i = pl.pallas_call(
        _mlp_body,
        grid=grid,
        in_specs=[
            row_spec(1), row_spec(LW), row_spec(LW), row_spec(LW), row_spec(LW),
            full(W_y1), full(b_y1), full(W_y2), full(b_y2),
            full(W_proj), full(b_proj), full(W_m1), full(b_m1),
            full(W_m2), full(b_m2),
            full(W_he), full(b_he), full(W_hi), full(b_hi),
        ],
        out_specs=[pl.BlockSpec((bs, 1), lambda gi: (gi, 0)),
                   pl.BlockSpec((bs, 1), lambda gi: (gi, 0))],
        out_shape=[jax.ShapeDtypeStruct((B, 1), jnp.float32),
                   jax.ShapeDtypeStruct((B, 1), jnp.float32)],
    )(item_year, u_g, ic_g, m_g, p_g,
      W_y1, b_y1, W_y2, b_y2, W_proj, b_proj,
      W_m1, b_m1, W_m2, b_m2, W_he, b_he, W_hi, b_hi)

    return (out_e, out_i)

# --- scband reference (transcript-rebuilt; emitter-appended) ---
"""Pipeline reference for scband-hybrid-ncf-77781857731127 (READ-ONLY COPY).

The authoritative reference and input builder live on the scoring server;
editing this copy changes nothing except your own understanding.
"""

import jax, jax.numpy as jnp
import numpy as np

B = 16384
NU = 100000
NI = 100000
NM = 100000
NP = 100000
DIM = 64
YD = 8
MD = 32
PD = 32


def _lin(k, fan_in, fan_out):
    k1, k2 = jax.random.split(k)
    s = 1.0 / np.sqrt(fan_in)
    W = jax.random.uniform(k1, (fan_in, fan_out), minval=-s, maxval=s, dtype=jnp.float32)
    b = jax.random.uniform(k2, (fan_out,), minval=-s, maxval=s, dtype=jnp.float32)
    return W, b


def setup_inputs(seed: int = 0) -> dict:
    key = jax.random.key(seed)
    ks = jax.random.split(key, 20)
    inp = {}
    inp["users"] = jax.random.randint(ks[0], (B,), 0, NU)
    inp["items"] = jax.random.randint(ks[1], (B,), 0, NI)
    inp["item_year"] = jax.random.normal(ks[2], (B, 1), dtype=jnp.float32)
    inp["item_manu"] = jax.random.randint(ks[3], (B,), 0, NM)
    inp["item_part"] = jax.random.randint(ks[4], (B,), 0, NP)
    inp["user_emb"] = jax.random.normal(ks[5], (NU, DIM), dtype=jnp.float32) * 0.01
    inp["item_emb"] = jax.random.normal(ks[6], (NI, DIM), dtype=jnp.float32) * 0.01
    inp["emb_manu"] = jax.random.normal(ks[7], (NM, MD), dtype=jnp.float32) * 0.02
    inp["emb_part"] = jax.random.normal(ks[8], (NP, PD), dtype=jnp.float32) * 0.02
    inp["W_y1"], inp["b_y1"] = _lin(ks[9], 1, YD)
    inp["W_y2"], inp["b_y2"] = _lin(ks[10], YD, YD)
    inp["W_proj"], inp["b_proj"] = _lin(ks[11], YD + MD + PD, DIM)
    inp["W_m1"], inp["b_m1"] = _lin(ks[12], DIM * 3, 128)
    inp["W_m2"], inp["b_m2"] = _lin(ks[13], 128, 64)
    inp["W_he"], inp["b_he"] = _lin(ks[14], 64, 1)
    inp["W_hi"], inp["b_hi"] = _lin(ks[15], 64, 1)
    inp["W_g"], inp["b_g"] = _lin(ks[16], DIM * 2, 1)
    return inp


def reference(users, items, item_year, item_manu, item_part,
              user_emb, item_emb, emb_manu, emb_part,
              W_y1, b_y1, W_y2, b_y2, W_proj, b_proj,
              W_m1, b_m1, W_m2, b_m2, W_he, b_he, W_hi, b_hi, W_g, b_g):
    relu = jax.nn.relu
    u = jnp.take(user_emb, users, axis=0)
    i_collab = jnp.take(item_emb, items, axis=0)
    # content tower
    y = relu(relu(item_year @ W_y1 + b_y1) @ W_y2 + b_y2)
    m = jnp.take(emb_manu, item_manu, axis=0)
    p = jnp.take(emb_part, item_part, axis=0)
    i_cont = relu(jnp.concatenate([y, m, p], axis=-1) @ W_proj + b_proj)
    # gate (computed as in the original forward, fused item repr unused downstream)
    g = jax.nn.sigmoid(jnp.concatenate([i_collab, i_cont], axis=-1) @ W_g + b_g)
    i = g * i_collab + (1.0 - g) * i_cont
    x = jnp.concatenate([u, i_collab, i_cont], axis=-1)
    h = relu(relu(x @ W_m1 + b_m1) @ W_m2 + b_m2)
    out_exp = h @ W_he + b_he
    out_impl_logit = h @ W_hi + b_hi
    return (out_exp, out_impl_logit)

if __name__ == "__main__":
    import jax
    _d = setup_inputs()
    print(jax.jit(kernel)(*tuple(_d.values())))

</pallas_src>

<mosaic_0001>
#map = affine_map<(d0, d1) -> (0, 0, 0, 0)>
#map1 = affine_map<(d0, d1) -> (0, 0)>
module attributes {stable_mosaic.version = 14 : i64} {
  func.func @_sc_gather_body(%arg0: i32, %arg1: i32, %arg2: memref<4x32x8x64xi32, #tpu.memory_space<hbm>>, %arg3: memref<100000x128xf32, #tpu.memory_space<hbm>>, %arg4: memref<100000x128xf32, #tpu.memory_space<hbm>>, %arg5: memref<100000x128xf32, #tpu.memory_space<hbm>>, %arg6: memref<100000x128xf32, #tpu.memory_space<hbm>>, %arg7: memref<16384x128xf32, #tpu.memory_space<hbm>>, %arg8: memref<16384x128xf32, #tpu.memory_space<hbm>>, %arg9: memref<16384x128xf32, #tpu.memory_space<hbm>>, %arg10: memref<16384x128xf32, #tpu.memory_space<hbm>>, %arg11: memref<8x64xi32, #tpu.memory_space<vmem>>, %arg12: memref<8x64xi32, #tpu.memory_space<vmem>>, %arg13: memref<8x64xi32, #tpu.memory_space<vmem>>, %arg14: memref<8x64xi32, #tpu.memory_space<vmem>>, %arg15: memref<64x128xf32, #tpu.memory_space<vmem>>, %arg16: memref<64x128xf32, #tpu.memory_space<vmem>>, %arg17: memref<64x128xf32, #tpu.memory_space<vmem>>, %arg18: memref<64x128xf32, #tpu.memory_space<vmem>>, %arg19: memref<64x128xf32, #tpu.memory_space<vmem>>, %arg20: memref<64x128xf32, #tpu.memory_space<vmem>>, %arg21: memref<64x128xf32, #tpu.memory_space<vmem>>, %arg22: memref<64x128xf32, #tpu.memory_space<vmem>>, %arg23: memref<!tpu.dma_semaphore, #tpu.memory_space<semaphore_mem>>, %arg24: memref<!tpu.dma_semaphore, #tpu.memory_space<semaphore_mem>>, %arg25: memref<!tpu.dma_semaphore, #tpu.memory_space<semaphore_mem>>, %arg26: memref<!tpu.dma_semaphore, #tpu.memory_space<semaphore_mem>>) attributes {dimension_semantics = [#tpu.dimension_semantics<core_parallel>, #tpu.dimension_semantics<subcore_parallel>], iteration_bounds = array<i64: 2, 16>, scalar_prefetch = 0 : i64, scratch_operands = 16 : i64, tpu.core_type = #tpu.core_type<sc_vector_subcore>, window_params = [{transform_indices = #map}, {transform_indices = #map1}, {transform_indices = #map1}, {transform_indices = #map1}, {transform_indices = #map1}, {transform_indices = #map1}, {transform_indices = #map1}, {transform_indices = #map1}, {transform_indices = #map1}]} {
    %mul3A = arith.constant 16 : i32
    %mul3A_0 = arith.muli %arg0, %mul3A : i32
    %add3A = arith.addi %mul3A_0, %arg1 : i32
    %mul3A_1 = arith.constant 512 : i32
    %mul3A_2 = arith.muli %add3A, %mul3A_1 : i32
    %run_scoped3A = arith.constant 0 : i32
    "tpu.region"() ({
      %run_scoped3A_468 = tpu.sem_alloc : memref<!tpu.dma_semaphore, #tpu.memory_space<semaphore_mem>>
      %dma_start3A_469 = arith.constant 0 : i32
      %dma_start3A_470 = arith.constant 0 : i32
      %dma_start3A_471 = tpu.memref_slice %arg2[%run_scoped3A, %add3A, %dma_start3A_469, %dma_start3A_470] : memref<4x32x8x64xi32, #tpu.memory_space<hbm>> -> memref<1x1x8x64xi32, #tpu.memory_space<hbm>>
      %dma_start3A_472 = tpu.memref_squeeze %dma_start3A_471 : memref<1x1x8x64xi32, #tpu.memory_space<hbm>> -> memref<8x64xi32, #tpu.memory_space<hbm>>
      %dma_start3A_473 = arith.constant 0 : i32
      %dma_start3A_474 = arith.constant 0 : i32
      %dma_start3A_475 = tpu.memref_slice %arg2[%run_scoped3A, %add3A, %dma_start3A_473, %dma_start3A_474] : memref<4x32x8x64xi32, #tpu.memory_space<hbm>> -> memref<1x1x8x64xi32, #tpu.memory_space<hbm>>
      %dma_start3A_476 = tpu.memref_squeeze %dma_start3A_475 : memref<1x1x8x64xi32, #tpu.memory_space<hbm>> -> memref<8x64xi32, #tpu.memory_space<hbm>>
      tpu.enqueue_dma source(%dma_start3A_476 : memref<8x64xi32, #tpu.memory_space<hbm>>) target(%arg11 : memref<8x64xi32, #tpu.memory_space<vmem>>) target_semaphore(%run_scoped3A_468 : memref<!tpu.dma_semaphore, #tpu.memory_space<semaphore_mem>>)
      %dma_wait3A_477 = arith.constant 0 : i32
      %dma_wait3A_478 = arith.constant 0 : i32
      %dma_wait3A_479 = tpu.memref_slice %arg2[%run_scoped3A, %add3A, %dma_wait3A_477, %dma_wait3A_478] : memref<4x32x8x64xi32, #tpu.memory_space<hbm>> -> memref<1x1x8x64xi32, #tpu.memory_space<hbm>>
      %dma_wait3A_480 = tpu.memref_squeeze %dma_wait3A_479 : memref<1x1x8x64xi32, #tpu.memory_space<hbm>> -> memref<8x64xi32, #tpu.memory_space<hbm>>
      %dma_wait3A_481 = arith.constant 0 : i32
      %dma_wait3A_482 = arith.constant 0 : i32
      %dma_wait3A_483 = tpu.memref_slice %arg2[%run_scoped3A, %add3A, %dma_wait3A_481, %dma_wait3A_482] : memref<4x32x8x64xi32, #tpu.memory_space<hbm>> -> memref<1x1x8x64xi32, #tpu.memory_space<hbm>>
      %dma_wait3A_484 = tpu.memref_squeeze %dma_wait3A_483 : memref<1x1x8x64xi32, #tpu.memory_space<hbm>> -> memref<8x64xi32, #tpu.memory_space<hbm>>
      tpu.wait_dma2 semaphore(%run_scoped3A_468 : memref<!tpu.dma_semaphore, #tpu.memory_space<semaphore_mem>>) src(%dma_wait3A_484 : memref<8x64xi32, #tpu.memory_space<hbm>>) dst(%arg11 : memref<8x64xi32, #tpu.memory_space<vmem>>)
      tpu.yield
    }) : () -> ()
    %run_scoped3A_3 = arith.constant 1 : i32
    "tpu.region"() ({
      %run_scoped3A_468 = tpu.sem_alloc : memref<!tpu.dma_semaphore, #tpu.memory_space<semaphore_mem>>
      %dma_start3A_469 = arith.constant 0 : i32
      %dma_start3A_470 = arith.constant 0 : i32
      %dma_start3A_471 = tpu.memref_slice %arg2[%run_scoped3A_3, %add3A, %dma_start3A_469, %dma_start3A_470] : memref<4x32x8x64xi32, #tpu.memory_space<hbm>> -> memref<1x1x8x64xi32, #tpu.memory_space<hbm>>
      %dma_start3A_472 = tpu.memref_squeeze %dma_start3A_471 : memref<1x1x8x64xi32, #tpu.memory_space<hbm>> -> memref<8x64xi32, #tpu.memory_space<hbm>>
      %dma_start3A_473 = arith.constant 0 : i32
      %dma_start3A_474 = arith.constant 0 : i32
      %dma_start3A_475 = tpu.memref_slice %arg2[%run_scoped3A_3, %add3A, %dma_start3A_473, %dma_start3A_474] : memref<4x32x8x64xi32, #tpu.memory_space<hbm>> -> memref<1x1x8x64xi32, #tpu.memory_space<hbm>>
      %dma_start3A_476 = tpu.memref_squeeze %dma_start3A_475 : memref<1x1x8x64xi32, #tpu.memory_space<hbm>> -> memref<8x64xi32, #tpu.memory_space<hbm>>
      tpu.enqueue_dma source(%dma_start3A_476 : memref<8x64xi32, #tpu.memory_space<hbm>>) target(%arg12 : memref<8x64xi32, #tpu.memory_space<vmem>>) target_semaphore(%run_scoped3A_468 : memref<!tpu.dma_semaphore, #tpu.memory_space<semaphore_mem>>)
      %dma_wait3A_477 = arith.constant 0 : i32
      %dma_wait3A_478 = arith.constant 0 : i32
      %dma_wait3A_479 = tpu.memref_slice %arg2[%run_scoped3A_3, %add3A, %dma_wait3A_477, %dma_wait3A_478] : memref<4x32x8x64xi32, #tpu.memory_space<hbm>> -> memref<1x1x8x64xi32, #tpu.memory_space<hbm>>
      %dma_wait3A_480 = tpu.memref_squeeze %dma_wait3A_479 : memref<1x1x8x64xi32, #tpu.memory_space<hbm>> -> memref<8x64xi32, #tpu.memory_space<hbm>>
      %dma_wait3A_481 = arith.constant 0 : i32
      %dma_wait3A_482 = arith.constant 0 : i32
      %dma_wait3A_483 = tpu.memref_slice %arg2[%run_scoped3A_3, %add3A, %dma_wait3A_481, %dma_wait3A_482] : memref<4x32x8x64xi32, #tpu.memory_space<hbm>> -> memref<1x1x8x64xi32, #tpu.memory_space<hbm>>
      %dma_wait3A_484 = tpu.memref_squeeze %dma_wait3A_483 : memref<1x1x8x64xi32, #tpu.memory_space<hbm>> -> memref<8x64xi32, #tpu.memory_space<hbm>>
      tpu.wait_dma2 semaphore(%run_scoped3A_468 : memref<!tpu.dma_semaphore, #tpu.memory_space<semaphore_mem>>) src(%dma_wait3A_484 : memref<8x64xi32, #tpu.memory_space<hbm>>) dst(%arg12 : memref<8x64xi32, #tpu.memory_space<vmem>>)
      tpu.yield
    }) : () -> ()
    %run_scoped3A_4 = arith.constant 2 : i32
    "tpu.region"() ({
      %run_scoped3A_468 = tpu.sem_alloc : memref<!tpu.dma_semaphore, #tpu.memory_space<semaphore_mem>>
      %dma_start3A_469 = arith.constant 0 : i32
      %dma_start3A_470 = arith.constant 0 : i32
      %dma_start3A_471 = tpu.memref_slice %arg2[%run_scoped3A_4, %add3A, %dma_start3A_469, %dma_start3A_470] : memref<4x32x8x64xi32, #tpu.memory_space<hbm>> -> memref<1x1x8x64xi32, #tpu.memory_space<hbm>>
      %dma_start3A_472 = tpu.memref_squeeze %dma_start3A_471 : memref<1x1x8x64xi32, #tpu.memory_space<hbm>> -> memref<8x64xi32, #tpu.memory_space<hbm>>
      %dma_start3A_473 = arith.constant 0 : i32
      %dma_start3A_474 = arith.constant 0 : i32
      %dma_start3A_475 = tpu.memref_slice %arg2[%run_scoped3A_4, %add3A, %dma_start3A_473, %dma_start3A_474] : memref<4x32x8x64xi32, #tpu.memory_space<hbm>> -> memref<1x1x8x64xi32, #tpu.memory_space<hbm>>
      %dma_start3A_476 = tpu.memref_squeeze %dma_start3A_475 : memref<1x1x8x64xi32, #tpu.memory_space<hbm>> -> memref<8x64xi32, #tpu.memory_space<hbm>>
      tpu.enqueue_dma source(%dma_start3A_476 : memref<8x64xi32, #tpu.memory_space<hbm>>) target(%arg13 : memref<8x64xi32, #tpu.memory_space<vmem>>) target_semaphore(%run_scoped3A_468 : memref<!tpu.dma_semaphore, #tpu.memory_space<semaphore_mem>>)
      %dma_wait3A_477 = arith.constant 0 : i32
      %dma_wait3A_478 = arith.constant 0 : i32
      %dma_wait3A_479 = tpu.memref_slice %arg2[%run_scoped3A_4, %add3A, %dma_wait3A_477, %dma_wait3A_478] : memref<4x32x8x64xi32, #tpu.memory_space<hbm>> -> memref<1x1x8x64xi32, #tpu.memory_space<hbm>>
      %dma_wait3A_480 = tpu.memref_squeeze %dma_wait3A_479 : memref<1x1x8x64xi32, #tpu.memory_space<hbm>> -> memref<8x64xi32, #tpu.memory_space<hbm>>
      %dma_wait3A_481 = arith.constant 0 : i32
      %dma_wait3A_482 = arith.constant 0 : i32
      %dma_wait3A_483 = tpu.memref_slice %arg2[%run_scoped3A_4, %add3A, %dma_wait3A_481, %dma_wait3A_482] : memref<4x32x8x64xi32, #tpu.memory_space<hbm>> -> memref<1x1x8x64xi32, #tpu.memory_space<hbm>>
      %dma_wait3A_484 = tpu.memref_squeeze %dma_wait3A_483 : memref<1x1x8x64xi32, #tpu.memory_space<hbm>> -> memref<8x64xi32, #tpu.memory_space<hbm>>
      tpu.wait_dma2 semaphore(%run_scoped3A_468 : memref<!tpu.dma_semaphore, #tpu.memory_space<semaphore_mem>>) src(%dma_wait3A_484 : memref<8x64xi32, #tpu.memory_space<hbm>>) dst(%arg13 : memref<8x64xi32, #tpu.memory_space<vmem>>)
      tpu.yield
    }) : () -> ()
    %run_scoped3A_5 = arith.constant 3 : i32
    "tpu.region"() ({
      %run_scoped3A_468 = tpu.sem_alloc : memref<!tpu.dma_semaphore, #tpu.memory_space<semaphore_mem>>
      %dma_start3A_469 = arith.constant 0 : i32
      %dma_start3A_470 = arith.constant 0 : i32
      %dma_start3A_471 = tpu.memref_slice %arg2[%run_scoped3A_5, %add3A, %dma_start3A_469, %dma_start3A_470] : memref<4x32x8x64xi32, #tpu.memory_space<hbm>> -> memref<1x1x8x64xi32, #tpu.memory_space<hbm>>
      %dma_start3A_472 = tpu.memref_squeeze %dma_start3A_471 : memref<1x1x8x64xi32, #tpu.memory_space<hbm>> -> memref<8x64xi32, #tpu.memory_space<hbm>>
      %dma_start3A_473 = arith.constant 0 : i32
      %dma_start3A_474 = arith.constant 0 : i32
      %dma_start3A_475 = tpu.memref_slice %arg2[%run_scoped3A_5, %add3A, %dma_start3A_473, %dma_start3A_474] : memref<4x32x8x64xi32, #tpu.memory_space<hbm>> -> memref<1x1x8x64xi32, #tpu.memory_space<hbm>>
      %dma_start3A_476 = tpu.memref_squeeze %dma_start3A_475 : memref<1x1x8x64xi32, #tpu.memory_space<hbm>> -> memref<8x64xi32, #tpu.memory_space<hbm>>
      tpu.enqueue_dma source(%dma_start3A_476 : memref<8x64xi32, #tpu.memory_space<hbm>>) target(%arg14 : memref<8x64xi32, #tpu.memory_space<vmem>>) target_semaphore(%run_scoped3A_468 : memref<!tpu.dma_semaphore, #tpu.memory_space<semaphore_mem>>)
      %dma_wait3A_477 = arith.constant 0 : i32
      %dma_wait3A_478 = arith.constant 0 : i32
      %dma_wait3A_479 = tpu.memref_slice %arg2[%run_scoped3A_5, %add3A, %dma_wait3A_477, %dma_wait3A_478] : memref<4x32x8x64xi32, #tpu.memory_space<hbm>> -> memref<1x1x8x64xi32, #tpu.memory_space<hbm>>
      %dma_wait3A_480 = tpu.memref_squeeze %dma_wait3A_479 : memref<1x1x8x64xi32, #tpu.memory_space<hbm>> -> memref<8x64xi32, #tpu.memory_space<hbm>>
      %dma_wait3A_481 = arith.constant 0 : i32
      %dma_wait3A_482 = arith.constant 0 : i32
      %dma_wait3A_483 = tpu.memref_slice %arg2[%run_scoped3A_5, %add3A, %dma_wait3A_481, %dma_wait3A_482] : memref<4x32x8x64xi32, #tpu.memory_space<hbm>> -> memref<1x1x8x64xi32, #tpu.memory_space<hbm>>
      %dma_wait3A_484 = tpu.memref_squeeze %dma_wait3A_483 : memref<1x1x8x64xi32, #tpu.memory_space<hbm>> -> memref<8x64xi32, #tpu.memory_space<hbm>>
      tpu.wait_dma2 semaphore(%run_scoped3A_468 : memref<!tpu.dma_semaphore, #tpu.memory_space<semaphore_mem>>) src(%dma_wait3A_484 : memref<8x64xi32, #tpu.memory_space<hbm>>) dst(%arg14 : memref<8x64xi32, #tpu.memory_space<vmem>>)
      tpu.yield
    }) : () -> ()
    %dma_start3A = arith.constant 0 : i32
    %dma_start3A_6 = arith.constant 0 : i32
    %dma_start3A_7 = tpu.memref_slice %arg11[%dma_start3A, %dma_start3A_6] : memref<8x64xi32, #tpu.memory_space<vmem>> -> memref<1x64xi32, #tpu.memory_space<vmem>>
    %dma_start3A_8 = tpu.memref_squeeze %dma_start3A_7 : memref<1x64xi32, #tpu.memory_space<vmem>> -> memref<64xi32, #tpu.memory_space<vmem>>
    %dma_start3A_9 = arith.constant 0 : i32
    %dma_start3A_10 = arith.constant 0 : i32
    %dma_start3A_11 = tpu.memref_slice %arg3[%dma_start3A_9, %dma_start3A_10] : memref<100000x128xf32, #tpu.memory_space<hbm>> -> memref<100000x128xf32, #tpu.memory_space<hbm>>
    tpu.enqueue_indirect_dma source(%dma_start3A_11 : memref<100000x128xf32, #tpu.memory_space<hbm>>) target(%arg15 : memref<64x128xf32, #tpu.memory_space<vmem>>) offsets(%dma_start3A_8 : memref<64xi32, #tpu.memory_space<vmem>>) semaphore(%arg23 : memref<!tpu.dma_semaphore, #tpu.memory_space<semaphore_mem>>)
    %dma_start3A_12 = arith.constant 0 : i32
    %dma_start3A_13 = arith.constant 0 : i32
    %dma_start3A_14 = tpu.memref_slice %arg12[%dma_start3A_12, %dma_start3A_13] : memref<8x64xi32, #tpu.memory_space<vmem>> -> memref<1x64xi32, #tpu.memory_space<vmem>>
    %dma_start3A_15 = tpu.memref_squeeze %dma_start3A_14 : memref<1x64xi32, #tpu.memory_space<vmem>> -> memref<64xi32, #tpu.memory_space<vmem>>
    %dma_start3A_16 = arith.constant 0 : i32
    %dma_start3A_17 = arith.constant 0 : i32
    %dma_start3A_18 = tpu.memref_slice %arg4[%dma_start3A_16, %dma_start3A_17] : memref<100000x128xf32, #tpu.memory_space<hbm>> -> memref<100000x128xf32, #tpu.memory_space<hbm>>
    tpu.enqueue_indirect_dma source(%dma_start3A_18 : memref<100000x128xf32, #tpu.memory_space<hbm>>) target(%arg16 : memref<64x128xf32, #tpu.memory_space<vmem>>) offsets(%dma_start3A_15 : memref<64xi32, #tpu.memory_space<vmem>>) semaphore(%arg24 : memref<!tpu.dma_semaphore, #tpu.memory_space<semaphore_mem>>)
    %dma_start3A_19 = arith.constant 0 : i32
    %dma_start3A_20 = arith.constant 0 : i32
    %dma_start3A_21 = tpu.memref_slice %arg13[%dma_start3A_19, %dma_start3A_20] : memref<8x64xi32, #tpu.memory_space<vmem>> -> memref<1x64xi32, #tpu.memory_space<vmem>>
    %dma_start3A_22 = tpu.memref_squeeze %dma_start3A_21 : memref<1x64xi32, #tpu.memory_space<vmem>> -> memref<64xi32, #tpu.memory_space<vmem>>
    %dma_start3A_23 = arith.constant 0 : i32
    %dma_start3A_24 = arith.constant 0 : i32
    %dma_start3A_25 = tpu.memref_slice %arg5[%dma_start3A_23, %dma_start3A_24] : memref<100000x128xf32, #tpu.memory_space<hbm>> -> memref<100000x128xf32, #tpu.memory_space<hbm>>
    tpu.enqueue_indirect_dma source(%dma_start3A_25 : memref<100000x128xf32, #tpu.memory_space<hbm>>) target(%arg17 : memref<64x128xf32, #tpu.memory_space<vmem>>) offsets(%dma_start3A_22 : memref<64xi32, #tpu.memory_space<vmem>>) semaphore(%arg25 : memref<!tpu.dma_semaphore, #tpu.memory_space<semaphore_mem>>)
    %dma_start3A_26 = arith.constant 0 : i32
    %dma_start3A_27 = arith.constant 0 : i32
    %dma_start3A_28 = tpu.memref_slice %arg14[%dma_start3A_26, %dma_start3A_27] : memref<8x64xi32, #tpu.memory_space<vmem>> -> memref<1x64xi32, #tpu.memory_space<vmem>>
    %dma_start3A_29 = tpu.memref_squeeze %dma_start3A_28 : memref<1x64xi32, #tpu.memory_space<vmem>> -> memref<64xi32, #tpu.memory_space<vmem>>
    %dma_start3A_30 = arith.constant 0 : i32
    %dma_start3A_31 = arith.constant 0 : i32
    %dma_start3A_32 = tpu.memref_slice %arg6[%dma_start3A_30, %dma_start3A_31] : memref<100000x128xf32, #tpu.memory_space<hbm>> -> memref<100000x128xf32, #tpu.memory_space<hbm>>
    tpu.enqueue_indirect_dma source(%dma_start3A_32 : memref<100000x128xf32, #tpu.memory_space<hbm>>) target(%arg18 : memref<64x128xf32, #tpu.memory_space<vmem>>) offsets(%dma_start3A_29 : memref<64xi32, #tpu.memory_space<vmem>>) semaphore(%arg26 : memref<!tpu.dma_semaphore, #tpu.memory_space<semaphore_mem>>)
    %dma_start3A_33 = arith.constant 1 : i32
    %dma_start3A_34 = arith.constant 0 : i32
    %dma_start3A_35 = tpu.memref_slice %arg11[%dma_start3A_33, %dma_start3A_34] : memref<8x64xi32, #tpu.memory_space<vmem>> -> memref<1x64xi32, #tpu.memory_space<vmem>>
    %dma_start3A_36 = tpu.memref_squeeze %dma_start3A_35 : memref<1x64xi32, #tpu.memory_space<vmem>> -> memref<64xi32, #tpu.memory_space<vmem>>
    %dma_start3A_37 = arith.constant 0 : i32
    %dma_start3A_38 = arith.constant 0 : i32
    %dma_start3A_39 = tpu.memref_slice %arg3[%dma_start3A_37, %dma_start3A_38] : memref<100000x128xf32, #tpu.memory_space<hbm>> -> memref<100000x128xf32, #tpu.memory_space<hbm>>
    tpu.enqueue_indirect_dma source(%dma_start3A_39 : memref<100000x128xf32, #tpu.memory_space<hbm>>) target(%arg19 : memref<64x128xf32, #tpu.memory_space<vmem>>) offsets(%dma_start3A_36 : memref<64xi32, #tpu.memory_space<vmem>>) semaphore(%arg23 : memref<!tpu.dma_semaphore, #tpu.memory_space<semaphore_mem>>)
    %dma_start3A_40 = arith.constant 1 : i32
    %dma_start3A_41 = arith.constant 0 : i32
    %dma_start3A_42 = tpu.memref_slice %arg12[%dma_start3A_40, %dma_start3A_41] : memref<8x64xi32, #tpu.memory_space<vmem>> -> memref<1x64xi32, #tpu.memory_space<vmem>>
    %dma_start3A_43 = tpu.memref_squeeze %dma_start3A_42 : memref<1x64xi32, #tpu.memory_space<vmem>> -> memref<64xi32, #tpu.memory_space<vmem>>
    %dma_start3A_44 = arith.constant 0 : i32
    %dma_start3A_45 = arith.constant 0 : i32
    %dma_start3A_46 = tpu.memref_slice %arg4[%dma_start3A_44, %dma_start3A_45] : memref<100000x128xf32, #tpu.memory_space<hbm>> -> memref<100000x128xf32, #tpu.memory_space<hbm>>
    tpu.enqueue_indirect_dma source(%dma_start3A_46 : memref<100000x128xf32, #tpu.memory_space<hbm>>) target(%arg20 : memref<64x128xf32, #tpu.memory_space<vmem>>) offsets(%dma_start3A_43 : memref<64xi32, #tpu.memory_space<vmem>>) semaphore(%arg24 : memref<!tpu.dma_semaphore, #tpu.memory_space<semaphore_mem>>)
    %dma_start3A_47 = arith.constant 1 : i32
    %dma_start3A_48 = arith.constant 0 : i32
    %dma_start3A_49 = tpu.memref_slice %arg13[%dma_start3A_47, %dma_start3A_48] : memref<8x64xi32, #tpu.memory_space<vmem>> -> memref<1x64xi32, #tpu.memory_space<vmem>>
    %dma_start3A_50 = tpu.memref_squeeze %dma_start3A_49 : memref<1x64xi32, #tpu.memory_space<vmem>> -> memref<64xi32, #tpu.memory_space<vmem>>
    %dma_start3A_51 = arith.constant 0 : i32
    %dma_start3A_52 = arith.constant 0 : i32
    %dma_start3A_53 = tpu.memref_slice %arg5[%dma_start3A_51, %dma_start3A_52] : memref<100000x128xf32, #tpu.memory_space<hbm>> -> memref<100000x128xf32, #tpu.memory_space<hbm>>
    tpu.enqueue_indirect_dma source(%dma_start3A_53 : memref<100000x128xf32, #tpu.memory_space<hbm>>) target(%arg21 : memref<64x128xf32, #tpu.memory_space<vmem>>) offsets(%dma_start3A_50 : memref<64xi32, #tpu.memory_space<vmem>>) semaphore(%arg25 : memref<!tpu.dma_semaphore, #tpu.memory_space<semaphore_mem>>)
    %dma_start3A_54 = arith.constant 1 : i32
    %dma_start3A_55 = arith.constant 0 : i32
    %dma_start3A_56 = tpu.memref_slice %arg14[%dma_start3A_54, %dma_start3A_55] : memref<8x64xi32, #tpu.memory_space<vmem>> -> memref<1x64xi32, #tpu.memory_space<vmem>>
    %dma_start3A_57 = tpu.memref_squeeze %dma_start3A_56 : memref<1x64xi32, #tpu.memory_space<vmem>> -> memref<64xi32, #tpu.memory_space<vmem>>
    %dma_start3A_58 = arith.constant 0 : i32
    %dma_start3A_59 = arith.constant 0 : i32
    %dma_start3A_60 = tpu.memref_slice %arg6[%dma_start3A_58, %dma_start3A_59] : memref<100000x128xf32, #tpu.memory_space<hbm>> -> memref<100000x128xf32, #tpu.memory_space<hbm>>
    tpu.enqueue_indirect_dma source(%dma_start3A_60 : memref<100000x128xf32, #tpu.memory_space<hbm>>) target(%arg22 : memref<64x128xf32, #tpu.memory_space<vmem>>) offsets(%dma_start3A_57 : memref<64xi32, #tpu.memory_space<vmem>>) semaphore(%arg26 : memref<!tpu.dma_semaphore, #tpu.memory_space<semaphore_mem>>)
    %dma_wait3A = arith.constant 0 : i32
    %dma_wait3A_61 = arith.constant 0 : i32
    %dma_wait3A_62 = tpu.memref_slice %arg11[%dma_wait3A, %dma_wait3A_61] : memref<8x64xi32, #tpu.memory_space<vmem>> -> memref<1x64xi32, #tpu.memory_space<vmem>>
    %dma_wait3A_63 = tpu.memref_squeeze %dma_wait3A_62 : memref<1x64xi32, #tpu.memory_space<vmem>> -> memref<64xi32, #tpu.memory_space<vmem>>
    %dma_wait3A_64 = arith.constant 0 : i32
    %dma_wait3A_65 = arith.constant 0 : i32
    %dma_wait3A_66 = tpu.memref_slice %arg3[%dma_wait3A_64, %dma_wait3A_65] : memref<100000x128xf32, #tpu.memory_space<hbm>> -> memref<100000x128xf32, #tpu.memory_space<hbm>>
    tpu.wait_indirect_dma semaphore(%arg23 : memref<!tpu.dma_semaphore, #tpu.memory_space<semaphore_mem>>) src(%dma_wait3A_66 : memref<100000x128xf32, #tpu.memory_space<hbm>>) dst(%arg15 : memref<64x128xf32, #tpu.memory_space<vmem>>)
    %dma_wait3A_67 = arith.constant 0 : i32
    %dma_wait3A_68 = arith.constant 0 : i32
    %dma_wait3A_69 = tpu.memref_slice %arg12[%dma_wait3A_67, %dma_wait3A_68] : memref<8x64xi32, #tpu.memory_space<vmem>> -> memref<1x64xi32, #tpu.memory_space<vmem>>
    %dma_wait3A_70 = tpu.memref_squeeze %dma_wait3A_69 : memref<1x64xi32, #tpu.memory_space<vmem>> -> memref<64xi32, #tpu.memory_space<vmem>>
    %dma_wait3A_71 = arith.constant 0 : i32
    %dma_wait3A_72 = arith.constant 0 : i32
    %dma_wait3A_73 = tpu.memref_slice %arg4[%dma_wait3A_71, %dma_wait3A_72] : memref<100000x128xf32, #tpu.memory_space<hbm>> -> memref<100000x128xf32, #tpu.memory_space<hbm>>
    tpu.wait_indirect_dma semaphore(%arg24 : memref<!tpu.dma_semaphore, #tpu.memory_space<semaphore_mem>>) src(%dma_wait3A_73 : memref<100000x128xf32, #tpu.memory_space<hbm>>) dst(%arg16 : memref<64x128xf32, #tpu.memory_space<vmem>>)
    %dma_wait3A_74 = arith.constant 0 : i32
    %dma_wait3A_75 = arith.constant 0 : i32
    %dma_wait3A_76 = tpu.memref_slice %arg13[%dma_wait3A_74, %dma_wait3A_75] : memref<8x64xi32, #tpu.memory_space<vmem>> -> memref<1x64xi32, #tpu.memory_space<vmem>>
    %dma_wait3A_77 = tpu.memref_squeeze %dma_wait3A_76 : memref<1x64xi32, #tpu.memory_space<vmem>> -> memref<64xi32, #tpu.memory_space<vmem>>
    %dma_wait3A_78 = arith.constant 0 : i32
    %dma_wait3A_79 = arith.constant 0 : i32
    %dma_wait3A_80 = tpu.memref_slice %arg5[%dma_wait3A_78, %dma_wait3A_79] : memref<100000x128xf32, #tpu.memory_space<hbm>> -> memref<100000x128xf32, #tpu.memory_space<hbm>>
    tpu.wait_indirect_dma semaphore(%arg25 : memref<!tpu.dma_semaphore, #tpu.memory_space<semaphore_mem>>) src(%dma_wait3A_80 : memref<100000x128xf32, #tpu.memory_space<hbm>>) dst(%arg17 : memref<64x128xf32, #tpu.memory_space<vmem>>)
    %dma_wait3A_81 = arith.constant 0 : i32
    %dma_wait3A_82 = arith.constant 0 : i32
    %dma_wait3A_83 = tpu.memref_slice %arg14[%dma_wait3A_81, %dma_wait3A_82] : memref<8x64xi32, #tpu.memory_space<vmem>> -> memref<1x64xi32, #tpu.memory_space<vmem>>
    %dma_wait3A_84 = tpu.memref_squeeze %dma_wait3A_83 : memref<1x64xi32, #tpu.memory_space<vmem>> -> memref<64xi32, #tpu.memory_space<vmem>>
    %dma_wait3A_85 = arith.constant 0 : i32
    %dma_wait3A_86 = arith.constant 0 : i32
    %dma_wait3A_87 = tpu.memref_slice %arg6[%dma_wait3A_85, %dma_wait3A_86] : memref<100000x128xf32, #tpu.memory_space<hbm>> -> memref<100000x128xf32, #tpu.memory_space<hbm>>
    tpu.wait_indirect_dma semaphore(%arg26 : memref<!tpu.dma_semaphore, #tpu.memory_space<semaphore_mem>>) src(%dma_wait3A_87 : memref<100000x128xf32, #tpu.memory_space<hbm>>) dst(%arg18 : memref<64x128xf32, #tpu.memory_space<vmem>>)
    %add3A_88 = arith.constant 0 : i32
    %add3A_89 = arith.addi %mul3A_2, %add3A_88 : i32
    "tpu.region"() ({
      %run_scoped3A_468 = tpu.sem_alloc : memref<!tpu.dma_semaphore, #tpu.memory_space<semaphore_mem>>
      %dma_start3A_469 = arith.constant 0 : i32
      %dma_start3A_470 = tpu.memref_slice %arg7[%add3A_89, %dma_start3A_469] : memref<16384x128xf32, #tpu.memory_space<hbm>> -> memref<64x128xf32, #tpu.memory_space<hbm>>
      %dma_start3A_471 = arith.constant 0 : i32
      %dma_start3A_472 = tpu.memref_slice %arg7[%add3A_89, %dma_start3A_471] : memref<16384x128xf32, #tpu.memory_space<hbm>> -> memref<64x128xf32, #tpu.memory_space<hbm>>
      tpu.enqueue_dma source(%arg15 : memref<64x128xf32, #tpu.memory_space<vmem>>) target(%dma_start3A_472 : memref<64x128xf32, #tpu.memory_space<hbm>>) target_semaphore(%run_scoped3A_468 : memref<!tpu.dma_semaphore, #tpu.memory_space<semaphore_mem>>)
      %dma_wait3A_473 = arith.constant 0 : i32
      %dma_wait3A_474 = tpu.memref_slice %arg7[%add3A_89, %dma_wait3A_473] : memref<16384x128xf32, #tpu.memory_space<hbm>> -> memref<64x128xf32, #tpu.memory_space<hbm>>
      %dma_wait3A_475 = arith.constant 0 : i32
      %dma_wait3A_476 = tpu.memref_slice %arg7[%add3A_89, %dma_wait3A_475] : memref<16384x128xf32, #tpu.memory_space<hbm>> -> memref<64x128xf32, #tpu.memory_space<hbm>>
      tpu.wait_dma2 semaphore(%run_scoped3A_468 : memref<!tpu.dma_semaphore, #tpu.memory_space<semaphore_mem>>) src(%arg15 : memref<64x128xf32, #tpu.memory_space<vmem>>) dst(%dma_wait3A_476 : memref<64x128xf32, #tpu.memory_space<hbm>>)
      tpu.yield
    }) : () -> ()
    "tpu.region"() ({
      %run_scoped3A_468 = tpu.sem_alloc : memref<!tpu.dma_semaphore, #tpu.memory_space<semaphore_mem>>
      %dma_start3A_469 = arith.constant 0 : i32
      %dma_start3A_470 = tpu.memref_slice %arg8[%add3A_89, %dma_start3A_469] : memref<16384x128xf32, #tpu.memory_space<hbm>> -> memref<64x128xf32, #tpu.memory_space<hbm>>
      %dma_start3A_471 = arith.constant 0 : i32
      %dma_start3A_472 = tpu.memref_slice %arg8[%add3A_89, %dma_start3A_471] : memref<16384x128xf32, #tpu.memory_space<hbm>> -> memref<64x128xf32, #tpu.memory_space<hbm>>
      tpu.enqueue_dma source(%arg16 : memref<64x128xf32, #tpu.memory_space<vmem>>) target(%dma_start3A_472 : memref<64x128xf32, #tpu.memory_space<hbm>>) target_semaphore(%run_scoped3A_468 : memref<!tpu.dma_semaphore, #tpu.memory_space<semaphore_mem>>)
      %dma_wait3A_473 = arith.constant 0 : i32
      %dma_wait3A_474 = tpu.memref_slice %arg8[%add3A_89, %dma_wait3A_473] : memref<16384x128xf32, #tpu.memory_space<hbm>> -> memref<64x128xf32, #tpu.memory_space<hbm>>
      %dma_wait3A_475 = arith.constant 0 : i32
      %dma_wait3A_476 = tpu.memref_slice %arg8[%add3A_89, %dma_wait3A_475] : memref<16384x128xf32, #tpu.memory_space<hbm>> -> memref<64x128xf32, #tpu.memory_space<hbm>>
      tpu.wait_dma2 semaphore(%run_scoped3A_468 : memref<!tpu.dma_semaphore, #tpu.memory_space<semaphore_mem>>) src(%arg16 : memref<64x128xf32, #tpu.memory_space<vmem>>) dst(%dma_wait3A_476 : memref<64x128xf32, #tpu.memory_space<hbm>>)
      tpu.yield
    }) : () -> ()
    "tpu.region"() ({
      %run_scoped3A_468 = tpu.sem_alloc : memref<!tpu.dma_semaphore, #tpu.memory_space<semaphore_mem>>
      %dma_start3A_469 = arith.constant 0 : i32
      %dma_start3A_470 = tpu.memref_slice %arg9[%add3A_89, %dma_start3A_469] : memref<16384x128xf32, #tpu.memory_space<hbm>> -> memref<64x128xf32, #tpu.memory_space<hbm>>
      %dma_start3A_471 = arith.constant 0 : i32
      %dma_start3A_472 = tpu.memref_slice %arg9[%add3A_89, %dma_start3A_471] : memref<16384x128xf32, #tpu.memory_space<hbm>> -> memref<64x128xf32, #tpu.memory_space<hbm>>
      tpu.enqueue_dma source(%arg17 : memref<64x128xf32, #tpu.memory_space<vmem>>) target(%dma_start3A_472 : memref<64x128xf32, #tpu.memory_space<hbm>>) target_semaphore(%run_scoped3A_468 : memref<!tpu.dma_semaphore, #tpu.memory_space<semaphore_mem>>)
      %dma_wait3A_473 = arith.constant 0 : i32
      %dma_wait3A_474 = tpu.memref_slice %arg9[%add3A_89, %dma_wait3A_473] : memref<16384x128xf32, #tpu.memory_space<hbm>> -> memref<64x128xf32, #tpu.memory_space<hbm>>
      %dma_wait3A_475 = arith.constant 0 : i32
      %dma_wait3A_476 = tpu.memref_slice %arg9[%add3A_89, %dma_wait3A_475] : memref<16384x128xf32, #tpu.memory_space<hbm>> -> memref<64x128xf32, #tpu.memory_space<hbm>>
      tpu.wait_dma2 semaphore(%run_scoped3A_468 : memref<!tpu.dma_semaphore, #tpu.memory_space<semaphore_mem>>) src(%arg17 : memref<64x128xf32, #tpu.memory_space<vmem>>) dst(%dma_wait3A_476 : memref<64x128xf32, #tpu.memory_space<hbm>>)
      tpu.yield
    }) : () -> ()
    "tpu.region"() ({
      %run_scoped3A_468 = tpu.sem_alloc : memref<!tpu.dma_semaphore, #tpu.memory_space<semaphore_mem>>
      %dma_start3A_469 = arith.constant 0 : i32
      %dma_start3A_470 = tpu.memref_slice %arg10[%add3A_89, %dma_start3A_469] : memref<16384x128xf32, #tpu.memory_space<hbm>> -> memref<64x128xf32, #tpu.memory_space<hbm>>
      %dma_start3A_471 = arith.constant 0 : i32
      %dma_start3A_472 = tpu.memref_slice %arg10[%add3A_89, %dma_start3A_471] : memref<16384x128xf32, #tpu.memory_space<hbm>> -> memref<64x128xf32, #tpu.memory_space<hbm>>
      tpu.enqueue_dma source(%arg18 : memref<64x128xf32, #tpu.memory_space<vmem>>) target(%dma_start3A_472 : memref<64x128xf32, #tpu.memory_space<hbm>>) target_semaphore(%run_scoped3A_468 : memref<!tpu.dma_semaphore, #tpu.memory_space<semaphore_mem>>)
      %dma_wait3A_473 = arith.constant 0 : i32
      %dma_wait3A_474 = tpu.memref_slice %arg10[%add3A_89, %dma_wait3A_473] : memref<16384x128xf32, #tpu.memory_space<hbm>> -> memref<64x128xf32, #tpu.memory_space<hbm>>
      %dma_wait3A_475 = arith.constant 0 : i32
      %dma_wait3A_476 = tpu.memref_slice %arg10[%add3A_89, %dma_wait3A_475] : memref<16384x128xf32, #tpu.memory_space<hbm>> -> memref<64x128xf32, #tpu.memory_space<hbm>>
      tpu.wait_dma2 semaphore(%run_scoped3A_468 : memref<!tpu.dma_semaphore, #tpu.memory_space<semaphore_mem>>) src(%arg18 : memref<64x128xf32, #tpu.memory_space<vmem>>) dst(%dma_wait3A_476 : memref<64x128xf32, #tpu.memory_space<hbm>>)
      tpu.yield
    }) : () -> ()
    %dma_start3A_90 = arith.constant 2 : i32
    %dma_start3A_91 = arith.constant 0 : i32
    %dma_start3A_92 = tpu.memref_slice %arg11[%dma_start3A_90, %dma_start3A_91] : memref<8x64xi32, #tpu.memory_space<vmem>> -> memref<1x64xi32, #tpu.memory_space<vmem>>
    %dma_start3A_93 = tpu.memref_squeeze %dma_start3A_92 : memref<1x64xi32, #tpu.memory_space<vmem>> -> memref<64xi32, #tpu.memory_space<vmem>>
    %dma_start3A_94 = arith.constant 0 : i32
    %dma_start3A_95 = arith.constant 0 : i32
    %dma_start3A_96 = tpu.memref_slice %arg3[%dma_start3A_94, %dma_start3A_95] : memref<100000x128xf32, #tpu.memory_space<hbm>> -> memref<100000x128xf32, #tpu.memory_space<hbm>>
    tpu.enqueue_indirect_dma source(%dma_start3A_96 : memref<100000x128xf32, #tpu.memory_space<hbm>>) target(%arg15 : memref<64x128xf32, #tpu.memory_space<vmem>>) offsets(%dma_start3A_93 : memref<64xi32, #tpu.memory_space<vmem>>) semaphore(%arg23 : memref<!tpu.dma_semaphore, #tpu.memory_space<semaphore_mem>>)
    %dma_start3A_97 = arith.constant 2 : i32
    %dma_start3A_98 = arith.constant 0 : i32
    %dma_start3A_99 = tpu.memref_slice %arg12[%dma_start3A_97, %dma_start3A_98] : memref<8x64xi32, #tpu.memory_space<vmem>> -> memref<1x64xi32, #tpu.memory_space<vmem>>
    %dma_start3A_100 = tpu.memref_squeeze %dma_start3A_99 : memref<1x64xi32, #tpu.memory_space<vmem>> -> memref<64xi32, #tpu.memory_space<vmem>>
    %dma_start3A_101 = arith.constant 0 : i32
    %dma_start3A_102 = arith.constant 0 : i32
    %dma_start3A_103 = tpu.memref_slice %arg4[%dma_start3A_101, %dma_start3A_102] : memref<100000x128xf32, #tpu.memory_space<hbm>> -> memref<100000x128xf32, #tpu.memory_space<hbm>>
    tpu.enqueue_indirect_dma source(%dma_start3A_103 : memref<100000x128xf32, #tpu.memory_space<hbm>>) target(%arg16 : memref<64x128xf32, #tpu.memory_space<vmem>>) offsets(%dma_start3A_100 : memref<64xi32, #tpu.memory_space<vmem>>) semaphore(%arg24 : memref<!tpu.dma_semaphore, #tpu.memory_space<semaphore_mem>>)
    %dma_start3A_104 = arith.constant 2 : i32
    %dma_start3A_105 = arith.constant 0 : i32
    %dma_start3A_106 = tpu.memref_slice %arg13[%dma_start3A_104, %dma_start3A_105] : memref<8x64xi32, #tpu.memory_space<vmem>> -> memref<1x64xi32, #tpu.memory_space<vmem>>
    %dma_start3A_107 = tpu.memref_squeeze %dma_start3A_106 : memref<1x64xi32, #tpu.memory_space<vmem>> -> memref<64xi32, #tpu.memory_space<vmem>>
    %dma_start3A_108 = arith.constant 0 : i32
    %dma_start3A_109 = arith.constant 0 : i32
    %dma_start3A_110 = tpu.memref_slice %arg5[%dma_start3A_108, %dma_start3A_109] : memref<100000x128xf32, #tpu.memory_space<hbm>> -> memref<100000x128xf32, #tpu.memory_space<hbm>>
    tpu.enqueue_indirect_dma source(%dma_start3A_110 : memref<100000x128xf32, #tpu.memory_space<hbm>>) target(%arg17 : memref<64x128xf32, #tpu.memory_space<vmem>>) offsets(%dma_start3A_107 : memref<64xi32, #tpu.memory_space<vmem>>) semaphore(%arg25 : memref<!tpu.dma_semaphore, #tpu.memory_space<semaphore_mem>>)
    %dma_start3A_111 = arith.constant 2 : i32
    %dma_start3A_112 = arith.constant 0 : i32
    %dma_start3A_113 = tpu.memref_slice %arg14[%dma_start3A_111, %dma_start3A_112] : memref<8x64xi32, #tpu.memory_space<vmem>> -> memref<1x64xi32, #tpu.memory_space<vmem>>
    %dma_start3A_114 = tpu.memref_squeeze %dma_start3A_113 : memref<1x64xi32, #tpu.memory_space<vmem>> -> memref<64xi32, #tpu.memory_space<vmem>>
    %dma_start3A_115 = arith.constant 0 : i32
    %dma_start3A_116 = arith.constant 0 : i32
    %dma_start3A_117 = tpu.memref_slice %arg6[%dma_start3A_115, %dma_start3A_116] : memref<100000x128xf32, #tpu.memory_space<hbm>> -> memref<100000x128xf32, #tpu.memory_space<hbm>>
    tpu.enqueue_indirect_dma source(%dma_start3A_117 : memref<100000x128xf32, #tpu.memory_space<hbm>>) target(%arg18 : memref<64x128xf32, #tpu.memory_space<vmem>>) offsets(%dma_start3A_114 : memref<64xi32, #tpu.memory_space<vmem>>) semaphore(%arg26 : memref<!tpu.dma_semaphore, #tpu.memory_space<semaphore_mem>>)
    %dma_wait3A_118 = arith.constant 1 : i32
    %dma_wait3A_119 = arith.constant 0 : i32
    %dma_wait3A_120 = tpu.memref_slice %arg11[%dma_wait3A_118, %dma_wait3A_119] : memref<8x64xi32, #tpu.memory_space<vmem>> -> memref<1x64xi32, #tpu.memory_space<vmem>>
    %dma_wait3A_121 = tpu.memref_squeeze %dma_wait3A_120 : memref<1x64xi32, #tpu.memory_space<vmem>> -> memref<64xi32, #tpu.memory_space<vmem>>
    %dma_wait3A_122 = arith.constant 0 : i32
    %dma_wait3A_123 = arith.constant 0 : i32
    %dma_wait3A_124 = tpu.memref_slice %arg3[%dma_wait3A_122, %dma_wait3A_123] : memref<100000x128xf32, #tpu.memory_space<hbm>> -> memref<100000x128xf32, #tpu.memory_space<hbm>>
    tpu.wait_indirect_dma semaphore(%arg23 : memref<!tpu.dma_semaphore, #tpu.memory_space<semaphore_mem>>) src(%dma_wait3A_124 : memref<100000x128xf32, #tpu.memory_space<hbm>>) dst(%arg19 : memref<64x128xf32, #tpu.memory_space<vmem>>)
    %dma_wait3A_125 = arith.constant 1 : i32
    %dma_wait3A_126 = arith.constant 0 : i32
    %dma_wait3A_127 = tpu.memref_slice %arg12[%dma_wait3A_125, %dma_wait3A_126] : memref<8x64xi32, #tpu.memory_space<vmem>> -> memref<1x64xi32, #tpu.memory_space<vmem>>
    %dma_wait3A_128 = tpu.memref_squeeze %dma_wait3A_127 : memref<1x64xi32, #tpu.memory_space<vmem>> -> memref<64xi32, #tpu.memory_space<vmem>>
    %dma_wait3A_129 = arith.constant 0 : i32
    %dma_wait3A_130 = arith.constant 0 : i32
    %dma_wait3A_131 = tpu.memref_slice %arg4[%dma_wait3A_129, %dma_wait3A_130] : memref<100000x128xf32, #tpu.memory_space<hbm>> -> memref<100000x128xf32, #tpu.memory_space<hbm>>
    tpu.wait_indirect_dma semaphore(%arg24 : memref<!tpu.dma_semaphore, #tpu.memory_space<semaphore_mem>>) src(%dma_wait3A_131 : memref<100000x128xf32, #tpu.memory_space<hbm>>) dst(%arg20 : memref<64x128xf32, #tpu.memory_space<vmem>>)
    %dma_wait3A_132 = arith.constant 1 : i32
    %dma_wait3A_133 = arith.constant 0 : i32
    %dma_wait3A_134 = tpu.memref_slice %arg13[%dma_wait3A_132, %dma_wait3A_133] : memref<8x64xi32, #tpu.memory_space<vmem>> -> memref<1x64xi32, #tpu.memory_space<vmem>>
    %dma_wait3A_135 = tpu.memref_squeeze %dma_wait3A_134 : memref<1x64xi32, #tpu.memory_space<vmem>> -> memref<64xi32, #tpu.memory_space<vmem>>
    %dma_wait3A_136 = arith.constant 0 : i32
    %dma_wait3A_137 = arith.constant 0 : i32
    %dma_wait3A_138 = tpu.memref_slice %arg5[%dma_wait3A_136, %dma_wait3A_137] : memref<100000x128xf32, #tpu.memory_space<hbm>> -> memref<100000x128xf32, #tpu.memory_space<hbm>>
    tpu.wait_indirect_dma semaphore(%arg25 : memref<!tpu.dma_semaphore, #tpu.memory_space<semaphore_mem>>) src(%dma_wait3A_138 : memref<100000x128xf32, #tpu.memory_space<hbm>>) dst(%arg21 : memref<64x128xf32, #tpu.memory_space<vmem>>)
    %dma_wait3A_139 = arith.constant 1 : i32
    %dma_wait3A_140 = arith.constant 0 : i32
    %dma_wait3A_141 = tpu.memref_slice %arg14[%dma_wait3A_139, %dma_wait3A_140] : memref<8x64xi32, #tpu.memory_space<vmem>> -> memref<1x64xi32, #tpu.memory_space<vmem>>
    %dma_wait3A_142 = tpu.memref_squeeze %dma_wait3A_141 : memref<1x64xi32, #tpu.memory_space<vmem>> -> memref<64xi32, #tpu.memory_space<vmem>>
    %dma_wait3A_143 = arith.constant 0 : i32
    %dma_wait3A_144 = arith.constant 0 : i32
    %dma_wait3A_145 = tpu.memref_slice %arg6[%dma_wait3A_143, %dma_wait3A_144] : memref<100000x128xf32, #tpu.memory_space<hbm>> -> memref<100000x128xf32, #tpu.memory_space<hbm>>
    tpu.wait_indirect_dma semaphore(%arg26 : memref<!tpu.dma_semaphore, #tpu.memory_space<semaphore_mem>>) src(%dma_wait3A_145 : memref<100000x128xf32, #tpu.memory_space<hbm>>) dst(%arg22 : memref<64x128xf32, #tpu.memory_space<vmem>>)
    %add3A_146 = arith.constant 64 : i32
    %add3A_147 = arith.addi %mul3A_2, %add3A_146 : i32
    "tpu.region"() ({
      %run_scoped3A_468 = tpu.sem_alloc : memref<!tpu.dma_semaphore, #tpu.memory_space<semaphore_mem>>
      %dma_start3A_469 = arith.constant 0 : i32
      %dma_start3A_470 = tpu.memref_slice %arg7[%add3A_147, %dma_start3A_469] : memref<16384x128xf32, #tpu.memory_space<hbm>> -> memref<64x128xf32, #tpu.memory_space<hbm>>
      %dma_start3A_471 = arith.constant 0 : i32
      %dma_start3A_472 = tpu.memref_slice %arg7[%add3A_147, %dma_start3A_471] : memref<16384x128xf32, #tpu.memory_space<hbm>> -> memref<64x128xf32, #tpu.memory_space<hbm>>
      tpu.enqueue_dma source(%arg19 : memref<64x128xf32, #tpu.memory_space<vmem>>) target(%dma_start3A_472 : memref<64x128xf32, #tpu.memory_space<hbm>>) target_semaphore(%run_scoped3A_468 : memref<!tpu.dma_semaphore, #tpu.memory_space<semaphore_mem>>)
      %dma_wait3A_473 = arith.constant 0 : i32
      %dma_wait3A_474 = tpu.memref_slice %arg7[%add3A_147, %dma_wait3A_473] : memref<16384x128xf32, #tpu.memory_space<hbm>> -> memref<64x128xf32, #tpu.memory_space<hbm>>
      %dma_wait3A_475 = arith.constant 0 : i32
      %dma_wait3A_476 = tpu.memref_slice %arg7[%add3A_147, %dma_wait3A_475] : memref<16384x128xf32, #tpu.memory_space<hbm>> -> memref<64x128xf32, #tpu.memory_space<hbm>>
      tpu.wait_dma2 semaphore(%run_scoped3A_468 : memref<!tpu.dma_semaphore, #tpu.memory_space<semaphore_mem>>) src(%arg19 : memref<64x128xf32, #tpu.memory_space<vmem>>) dst(%dma_wait3A_476 : memref<64x128xf32, #tpu.memory_space<hbm>>)
      tpu.yield
    }) : () -> ()
    "tpu.region"() ({
      %run_scoped3A_468 = tpu.sem_alloc : memref<!tpu.dma_semaphore, #tpu.memory_space<semaphore_mem>>
      %dma_start3A_469 = arith.constant 0 : i32
      %dma_start3A_470 = tpu.memref_slice %arg8[%add3A_147, %dma_start3A_469] : memref<16384x128xf32, #tpu.memory_space<hbm>> -> memref<64x128xf32, #tpu.memory_space<hbm>>
      %dma_start3A_471 = arith.constant 0 : i32
      %dma_start3A_472 = tpu.memref_slice %arg8[%add3A_147, %dma_start3A_471] : memref<16384x128xf32, #tpu.memory_space<hbm>> -> memref<64x128xf32, #tpu.memory_space<hbm>>
      tpu.enqueue_dma source(%arg20 : memref<64x128xf32, #tpu.memory_space<vmem>>) target(%dma_start3A_472 : memref<64x128xf32, #tpu.memory_space<hbm>>) target_semaphore(%run_scoped3A_468 : memref<!tpu.dma_semaphore, #tpu.memory_space<semaphore_mem>>)
      %dma_wait3A_473 = arith.constant 0 : i32
      %dma_wait3A_474 = tpu.memref_slice %arg8[%add3A_147, %dma_wait3A_473] : memref<16384x128xf32, #tpu.memory_space<hbm>> -> memref<64x128xf32, #tpu.memory_space<hbm>>
      %dma_wait3A_475 = arith.constant 0 : i32
      %dma_wait3A_476 = tpu.memref_slice %arg8[%add3A_147, %dma_wait3A_475] : memref<16384x128xf32, #tpu.memory_space<hbm>> -> memref<64x128xf32, #tpu.memory_space<hbm>>
      tpu.wait_dma2 semaphore(%run_scoped3A_468 : memref<!tpu.dma_semaphore, #tpu.memory_space<semaphore_mem>>) src(%arg20 : memref<64x128xf32, #tpu.memory_space<vmem>>) dst(%dma_wait3A_476 : memref<64x128xf32, #tpu.memory_space<hbm>>)
      tpu.yield
    }) : () -> ()
    "tpu.region"() ({
      %run_scoped3A_468 = tpu.sem_alloc : memref<!tpu.dma_semaphore, #tpu.memory_space<semaphore_mem>>
      %dma_start3A_469 = arith.constant 0 : i32
      %dma_start3A_470 = tpu.memref_slice %arg9[%add3A_147, %dma_start3A_469] : memref<16384x128xf32, #tpu.memory_space<hbm>> -> memref<64x128xf32, #tpu.memory_space<hbm>>
      %dma_start3A_471 = arith.constant 0 : i32
      %dma_start3A_472 = tpu.memref_slice %arg9[%add3A_147, %dma_start3A_471] : memref<16384x128xf32, #tpu.memory_space<hbm>> -> memref<64x128xf32, #tpu.memory_space<hbm>>
      tpu.enqueue_dma source(%arg21 : memref<64x128xf32, #tpu.memory_space<vmem>>) target(%dma_start3A_472 : memref<64x128xf32, #tpu.memory_space<hbm>>) target_semaphore(%run_scoped3A_468 : memref<!tpu.dma_semaphore, #tpu.memory_space<semaphore_mem>>)
      %dma_wait3A_473 = arith.constant 0 : i32
      %dma_wait3A_474 = tpu.memref_slice %arg9[%add3A_147, %dma_wait3A_473] : memref<16384x128xf32, #tpu.memory_space<hbm>> -> memref<64x128xf32, #tpu.memory_space<hbm>>
      %dma_wait3A_475 = arith.constant 0 : i32
      %dma_wait3A_476 = tpu.memref_slice %arg9[%add3A_147, %dma_wait3A_475] : memref<16384x128xf32, #tpu.memory_space<hbm>> -> memref<64x128xf32, #tpu.memory_space<hbm>>
      tpu.wait_dma2 semaphore(%run_scoped3A_468 : memref<!tpu.dma_semaphore, #tpu.memory_space<semaphore_mem>>) src(%arg21 : memref<64x128xf32, #tpu.memory_space<vmem>>) dst(%dma_wait3A_476 : memref<64x128xf32, #tpu.memory_space<hbm>>)
      tpu.yield
    }) : () -> ()
    "tpu.region"() ({
      %run_scoped3A_468 = tpu.sem_alloc : memref<!tpu.dma_semaphore, #tpu.memory_space<semaphore_mem>>
      %dma_start3A_469 = arith.constant 0 : i32
      %dma_start3A_470 = tpu.memref_slice %arg10[%add3A_147, %dma_start3A_469] : memref<16384x128xf32, #tpu.memory_space<hbm>> -> memref<64x128xf32, #tpu.memory_space<hbm>>
      %dma_start3A_471 = arith.constant 0 : i32
      %dma_start3A_472 = tpu.memref_slice %arg10[%add3A_147, %dma_start3A_471] : memref<16384x128xf32, #tpu.memory_space<hbm>> -> memref<64x128xf32, #tpu.memory_space<hbm>>
      tpu.enqueue_dma source(%arg22 : memref<64x128xf32, #tpu.memory_space<vmem>>) target(%dma_start3A_472 : memref<64x128xf32, #tpu.memory_space<hbm>>) target_semaphore(%run_scoped3A_468 : memref<!tpu.dma_semaphore, #tpu.memory_space<semaphore_mem>>)
      %dma_wait3A_473 = arith.constant 0 : i32
      %dma_wait3A_474 = tpu.memref_slice %arg10[%add3A_147, %dma_wait3A_473] : memref<16384x128xf32, #tpu.memory_space<hbm>> -> memref<64x128xf32, #tpu.memory_space<hbm>>
      %dma_wait3A_475 = arith.constant 0 : i32
      %dma_wait3A_476 = tpu.memref_slice %arg10[%add3A_147, %dma_wait3A_475] : memref<16384x128xf32, #tpu.memory_space<hbm>> -> memref<64x128xf32, #tpu.memory_space<hbm>>
      tpu.wait_dma2 semaphore(%run_scoped3A_468 : memref<!tpu.dma_semaphore, #tpu.memory_space<semaphore_mem>>) src(%arg22 : memref<64x128xf32, #tpu.memory_space<vmem>>) dst(%dma_wait3A_476 : memref<64x128xf32, #tpu.memory_space<hbm>>)
      tpu.yield
    }) : () -> ()
    %dma_start3A_148 = arith.constant 3 : i32
    %dma_start3A_149 = arith.constant 0 : i32
    %dma_start3A_150 = tpu.memref_slice %arg11[%dma_start3A_148, %dma_start3A_149] : memref<8x64xi32, #tpu.memory_space<vmem>> -> memref<1x64xi32, #tpu.memory_space<vmem>>
    %dma_start3A_151 = tpu.memref_squeeze %dma_start3A_150 : memref<1x64xi32, #tpu.memory_space<vmem>> -> memref<64xi32, #tpu.memory_space<vmem>>
    %dma_start3A_152 = arith.constant 0 : i32
    %dma_start3A_153 = arith.constant 0 : i32
    %dma_start3A_154 = tpu.memref_slice %arg3[%dma_start3A_152, %dma_start3A_153] : memref<100000x128xf32, #tpu.memory_space<hbm>> -> memref<100000x128xf32, #tpu.memory_space<hbm>>
    tpu.enqueue_indirect_dma source(%dma_start3A_154 : memref<100000x128xf32, #tpu.memory_space<hbm>>) target(%arg19 : memref<64x128xf32, #tpu.memory_space<vmem>>) offsets(%dma_start3A_151 : memref<64xi32, #tpu.memory_space<vmem>>) semaphore(%arg23 : memref<!tpu.dma_semaphore, #tpu.memory_space<semaphore_mem>>)
    %dma_start3A_155 = arith.constant 3 : i32
    %dma_start3A_156 = arith.constant 0 : i32
    %dma_start3A_157 = tpu.memref_slice %arg12[%dma_start3A_155, %dma_start3A_156] : memref<8x64xi32, #tpu.memory_space<vmem>> -> memref<1x64xi32, #tpu.memory_space<vmem>>
    %dma_start3A_158 = tpu.memref_squeeze %dma_start3A_157 : memref<1x64xi32, #tpu.memory_space<vmem>> -> memref<64xi32, #tpu.memory_space<vmem>>
    %dma_start3A_159 = arith.constant 0 : i32
    %dma_start3A_160 = arith.constant 0 : i32
    %dma_start3A_161 = tpu.memref_slice %arg4[%dma_start3A_159, %dma_start3A_160] : memref<100000x128xf32, #tpu.memory_space<hbm>> -> memref<100000x128xf32, #tpu.memory_space<hbm>>
    tpu.enqueue_indirect_dma source(%dma_start3A_161 : memref<100000x128xf32, #tpu.memory_space<hbm>>) target(%arg20 : memref<64x128xf32, #tpu.memory_space<vmem>>) offsets(%dma_start3A_158 : memref<64xi32, #tpu.memory_space<vmem>>) semaphore(%arg24 : memref<!tpu.dma_semaphore, #tpu.memory_space<semaphore_mem>>)
    %dma_start3A_162 = arith.constant 3 : i32
    %dma_start3A_163 = arith.constant 0 : i32
    %dma_start3A_164 = tpu.memref_slice %arg13[%dma_start3A_162, %dma_start3A_163] : memref<8x64xi32, #tpu.memory_space<vmem>> -> memref<1x64xi32, #tpu.memory_space<vmem>>
    %dma_start3A_165 = tpu.memref_squeeze %dma_start3A_164 : memref<1x64xi32, #tpu.memory_space<vmem>> -> memref<64xi32, #tpu.memory_space<vmem>>
    %dma_start3A_166 = arith.constant 0 : i32
    %dma_start3A_167 = arith.constant 0 : i32
    %dma_start3A_168 = tpu.memref_slice %arg5[%dma_start3A_166, %dma_start3A_167] : memref<100000x128xf32, #tpu.memory_space<hbm>> -> memref<100000x128xf32, #tpu.memory_space<hbm>>
    tpu.enqueue_indirect_dma source(%dma_start3A_168 : memref<100000x128xf32, #tpu.memory_space<hbm>>) target(%arg21 : memref<64x128xf32, #tpu.memory_space<vmem>>) offsets(%dma_start3A_165 : memref<64xi32, #tpu.memory_space<vmem>>) semaphore(%arg25 : memref<!tpu.dma_semaphore, #tpu.memory_space<semaphore_mem>>)
    %dma_start3A_169 = arith.constant 3 : i32
    %dma_start3A_170 = arith.constant 0 : i32
    %dma_start3A_171 = tpu.memref_slice %arg14[%dma_start3A_169, %dma_start3A_170] : memref<8x64xi32, #tpu.memory_space<vmem>> -> memref<1x64xi32, #tpu.memory_space<vmem>>
    %dma_start3A_172 = tpu.memref_squeeze %dma_start3A_171 : memref<1x64xi32, #tpu.memory_space<vmem>> -> memref<64xi32, #tpu.memory_space<vmem>>
    %dma_start3A_173 = arith.constant 0 : i32
    %dma_start3A_174 = arith.constant 0 : i32
    %dma_start3A_175 = tpu.memref_slice %arg6[%dma_start3A_173, %dma_start3A_174] : memref<100000x128xf32, #tpu.memory_space<hbm>> -> memref<100000x128xf32, #tpu.memory_space<hbm>>
    tpu.enqueue_indirect_dma source(%dma_start3A_175 : memref<100000x128xf32, #tpu.memory_space<hbm>>) target(%arg22 : memref<64x128xf32, #tpu.memory_space<vmem>>) offsets(%dma_start3A_172 : memref<64xi32, #tpu.memory_space<vmem>>) semaphore(%arg26 : memref<!tpu.dma_semaphore, #tpu.memory_space<semaphore_mem>>)
    %dma_wait3A_176 = arith.constant 2 : i32
    %dma_wait3A_177 = arith.constant 0 : i32
    %dma_wait3A_178 = tpu.memref_slice %arg11[%dma_wait3A_176, %dma_wait3A_177] : memref<8x64xi32, #tpu.memory_space<vmem>> -> memref<1x64xi32, #tpu.memory_space<vmem>>
    %dma_wait3A_179 = tpu.memref_squeeze %dma_wait3A_178 : memref<1x64xi32, #tpu.memory_space<vmem>> -> memref<64xi32, #tpu.memory_space<vmem>>
    %dma_wait3A_180 = arith.constant 0 : i32
    %dma_wait3A_181 = arith.constant 0 : i32
    %dma_wait3A_182 = tpu.memref_slice %arg3[%dma_wait3A_180, %dma_wait3A_181] : memref<100000x128xf32, #tpu.memory_space<hbm>> -> memref<100000x128xf32, #tpu.memory_space<hbm>>
    tpu.wait_indirect_dma semaphore(%arg23 : memref<!tpu.dma_semaphore, #tpu.memory_space<semaphore_mem>>) src(%dma_wait3A_182 : memref<100000x128xf32, #tpu.memory_space<hbm>>) dst(%arg15 : memref<64x128xf32, #tpu.memory_space<vmem>>)
    %dma_wait3A_183 = arith.constant 2 : i32
    %dma_wait3A_184 = arith.constant 0 : i32
    %dma_wait3A_185 = tpu.memref_slice %arg12[%dma_wait3A_183, %dma_wait3A_184] : memref<8x64xi32, #tpu.memory_space<vmem>> -> memref<1x64xi32, #tpu.memory_space<vmem>>
    %dma_wait3A_186 = tpu.memref_squeeze %dma_wait3A_185 : memref<1x64xi32, #tpu.memory_space<vmem>> -> memref<64xi32, #tpu.memory_space<vmem>>
    %dma_wait3A_187 = arith.constant 0 : i32
    %dma_wait3A_188 = arith.constant 0 : i32
    %dma_wait3A_189 = tpu.memref_slice %arg4[%dma_wait3A_187, %dma_wait3A_188] : memref<100000x128xf32, #tpu.memory_space<hbm>> -> memref<100000x128xf32, #tpu.memory_space<hbm>>
    tpu.wait_indirect_dma semaphore(%arg24 : memref<!tpu.dma_semaphore, #tpu.memory_space<semaphore_mem>>) src(%dma_wait3A_189 : memref<100000x128xf32, #tpu.memory_space<hbm>>) dst(%arg16 : memref<64x128xf32, #tpu.memory_space<vmem>>)
    %dma_wait3A_190 = arith.constant 2 : i32
    %dma_wait3A_191 = arith.constant 0 : i32
    %dma_wait3A_192 = tpu.memref_slice %arg13[%dma_wait3A_190, %dma_wait3A_191] : memref<8x64xi32, #tpu.memory_space<vmem>> -> memref<1x64xi32, #tpu.memory_space<vmem>>
    %dma_wait3A_193 = tpu.memref_squeeze %dma_wait3A_192 : memref<1x64xi32, #tpu.memory_space<vmem>> -> memref<64xi32, #tpu.memory_space<vmem>>
    %dma_wait3A_194 = arith.constant 0 : i32
    %dma_wait3A_195 = arith.constant 0 : i32
    %dma_wait3A_196 = tpu.memref_slice %arg5[%dma_wait3A_194, %dma_wait3A_195] : memref<100000x128xf32, #tpu.memory_space<hbm>> -> memref<100000x128xf32, #tpu.memory_space<hbm>>
    tpu.wait_indirect_dma semaphore(%arg25 : memref<!tpu.dma_semaphore, #tpu.memory_space<semaphore_mem>>) src(%dma_wait3A_196 : memref<100000x128xf32, #tpu.memory_space<hbm>>) dst(%arg17 : memref<64x128xf32, #tpu.memory_space<vmem>>)
    %dma_wait3A_197 = arith.constant 2 : i32
    %dma_wait3A_198 = arith.constant 0 : i32
    %dma_wait3A_199 = tpu.memref_slice %arg14[%dma_wait3A_197, %dma_wait3A_198] : memref<8x64xi32, #tpu.memory_space<vmem>> -> memref<1x64xi32, #tpu.memory_space<vmem>>
    %dma_wait3A_200 = tpu.memref_squeeze %dma_wait3A_199 : memref<1x64xi32, #tpu.memory_space<vmem>> -> memref<64xi32, #tpu.memory_space<vmem>>
    %dma_wait3A_201 = arith.constant 0 : i32
    %dma_wait3A_202 = arith.constant 0 : i32
    %dma_wait3A_203 = tpu.memref_slice %arg6[%dma_wait3A_201, %dma_wait3A_202] : memref<100000x128xf32, #tpu.memory_space<hbm>> -> memref<100000x128xf32, #tpu.memory_space<hbm>>
    tpu.wait_indirect_dma semaphore(%arg26 : memref<!tpu.dma_semaphore, #tpu.memory_space<semaphore_mem>>) src(%dma_wait3A_203 : memref<100000x128xf32, #tpu.memory_space<hbm>>) dst(%arg18 : memref<64x128xf32, #tpu.memory_space<vmem>>)
    %add3A_204 = arith.constant 128 : i32
    %add3A_205 = arith.addi %mul3A_2, %add3A_204 : i32
    "tpu.region"() ({
      %run_scoped3A_468 = tpu.sem_alloc : memref<!tpu.dma_semaphore, #tpu.memory_space<semaphore_mem>>
      %dma_start3A_469 = arith.constant 0 : i32
      %dma_start3A_470 = tpu.memref_slice %arg7[%add3A_205, %dma_start3A_469] : memref<16384x128xf32, #tpu.memory_space<hbm>> -> memref<64x128xf32, #tpu.memory_space<hbm>>
      %dma_start3A_471 = arith.constant 0 : i32
      %dma_start3A_472 = tpu.memref_slice %arg7[%add3A_205, %dma_start3A_471] : memref<16384x128xf32, #tpu.memory_space<hbm>> -> memref<64x128xf32, #tpu.memory_space<hbm>>
      tpu.enqueue_dma source(%arg15 : memref<64x128xf32, #tpu.memory_space<vmem>>) target(%dma_start3A_472 : memref<64x128xf32, #tpu.memory_space<hbm>>) target_semaphore(%run_scoped3A_468 : memref<!tpu.dma_semaphore, #tpu.memory_space<semaphore_mem>>)
      %dma_wait3A_473 = arith.constant 0 : i32
      %dma_wait3A_474 = tpu.memref_slice %arg7[%add3A_205, %dma_wait3A_473] : memref<16384x128xf32, #tpu.memory_space<hbm>> -> memref<64x128xf32, #tpu.memory_space<hbm>>
      %dma_wait3A_475 = arith.constant 0 : i32
      %dma_wait3A_476 = tpu.memref_slice %arg7[%add3A_205, %dma_wait3A_475] : memref<16384x128xf32, #tpu.memory_space<hbm>> -> memref<64x128xf32, #tpu.memory_space<hbm>>
      tpu.wait_dma2 semaphore(%run_scoped3A_468 : memref<!tpu.dma_semaphore, #tpu.memory_space<semaphore_mem>>) src(%arg15 : memref<64x128xf32, #tpu.memory_space<vmem>>) dst(%dma_wait3A_476 : memref<64x128xf32, #tpu.memory_space<hbm>>)
      tpu.yield
    }) : () -> ()
    "tpu.region"() ({
      %run_scoped3A_468 = tpu.sem_alloc : memref<!tpu.dma_semaphore, #tpu.memory_space<semaphore_mem>>
      %dma_start3A_469 = arith.constant 0 : i32
      %dma_start3A_470 = tpu.memref_slice %arg8[%add3A_205, %dma_start3A_469] : memref<16384x128xf32, #tpu.memory_space<hbm>> -> memref<64x128xf32, #tpu.memory_space<hbm>>
      %dma_start3A_471 = arith.constant 0 : i32
      %dma_start3A_472 = tpu.memref_slice %arg8[%add3A_205, %dma_start3A_471] : memref<16384x128xf32, #tpu.memory_space<hbm>> -> memref<64x128xf32, #tpu.memory_space<hbm>>
      tpu.enqueue_dma source(%arg16 : memref<64x128xf32, #tpu.memory_space<vmem>>) target(%dma_start3A_472 : memref<64x128xf32, #tpu.memory_space<hbm>>) target_semaphore(%run_scoped3A_468 : memref<!tpu.dma_semaphore, #tpu.memory_space<semaphore_mem>>)
      %dma_wait3A_473 = arith.constant 0 : i32
      %dma_wait3A_474 = tpu.memref_slice %arg8[%add3A_205, %dma_wait3A_473] : memref<16384x128xf32, #tpu.memory_space<hbm>> -> memref<64x128xf32, #tpu.memory_space<hbm>>
      %dma_wait3A_475 = arith.constant 0 : i32
      %dma_wait3A_476 = tpu.memref_slice %arg8[%add3A_205, %dma_wait3A_475] : memref<16384x128xf32, #tpu.memory_space<hbm>> -> memref<64x128xf32, #tpu.memory_space<hbm>>
      tpu.wait_dma2 semaphore(%run_scoped3A_468 : memref<!tpu.dma_semaphore, #tpu.memory_space<semaphore_mem>>) src(%arg16 : memref<64x128xf32, #tpu.memory_space<vmem>>) dst(%dma_wait3A_476 : memref<64x128xf32, #tpu.memory_space<hbm>>)
      tpu.yield
    }) : () -> ()
    "tpu.region"() ({
      %run_scoped3A_468 = tpu.sem_alloc : memref<!tpu.dma_semaphore, #tpu.memory_space<semaphore_mem>>
      %dma_start3A_469 = arith.constant 0 : i32
      %dma_start3A_470 = tpu.memref_slice %arg9[%add3A_205, %dma_start3A_469] : memref<16384x128xf32, #tpu.memory_space<hbm>> -> memref<64x128xf32, #tpu.memory_space<hbm>>
      %dma_start3A_471 = arith.constant 0 : i32
      %dma_start3A_472 = tpu.memref_slice %arg9[%add3A_205, %dma_start3A_471] : memref<16384x128xf32, #tpu.memory_space<hbm>> -> memref<64x128xf32, #tpu.memory_space<hbm>>
      tpu.enqueue_dma source(%arg17 : memref<64x128xf32, #tpu.memory_space<vmem>>) target(%dma_start3A_472 : memref<64x128xf32, #tpu.memory_space<hbm>>) target_semaphore(%run_scoped3A_468 : memref<!tpu.dma_semaphore, #tpu.memory_space<semaphore_mem>>)
      %dma_wait3A_473 = arith.constant 0 : i32
      %dma_wait3A_474 = tpu.memref_slice %arg9[%add3A_205, %dma_wait3A_473] : memref<16384x128xf32, #tpu.memory_space<hbm>> -> memref<64x128xf32, #tpu.memory_space<hbm>>
      %dma_wait3A_475 = arith.constant 0 : i32
      %dma_wait3A_476 = tpu.memref_slice %arg9[%add3A_205, %dma_wait3A_475] : memref<16384x128xf32, #tpu.memory_space<hbm>> -> memref<64x128xf32, #tpu.memory_space<hbm>>
      tpu.wait_dma2 semaphore(%run_scoped3A_468 : memref<!tpu.dma_semaphore, #tpu.memory_space<semaphore_mem>>) src(%arg17 : memref<64x128xf32, #tpu.memory_space<vmem>>) dst(%dma_wait3A_476 : memref<64x128xf32, #tpu.memory_space<hbm>>)
      tpu.yield
    }) : () -> ()
    "tpu.region"() ({
      %run_scoped3A_468 = tpu.sem_alloc : memref<!tpu.dma_semaphore, #tpu.memory_space<semaphore_mem>>
      %dma_start3A_469 = arith.constant 0 : i32
      %dma_start3A_470 = tpu.memref_slice %arg10[%add3A_205, %dma_start3A_469] : memref<16384x128xf32, #tpu.memory_space<hbm>> -> memref<64x128xf32, #tpu.memory_space<hbm>>
      %dma_start3A_471 = arith.constant 0 : i32
      %dma_start3A_472 = tpu.memref_slice %arg10[%add3A_205, %dma_start3A_471] : memref<16384x128xf32, #tpu.memory_space<hbm>> -> memref<64x128xf32, #tpu.memory_space<hbm>>
      tpu.enqueue_dma source(%arg18 : memref<64x128xf32, #tpu.memory_space<vmem>>) target(%dma_start3A_472 : memref<64x128xf32, #tpu.memory_space<hbm>>) target_semaphore(%run_scoped3A_468 : memref<!tpu.dma_semaphore, #tpu.memory_space<semaphore_mem>>)
      %dma_wait3A_473 = arith.constant 0 : i32
      %dma_wait3A_474 = tpu.memref_slice %arg10[%add3A_205, %dma_wait3A_473] : memref<16384x128xf32, #tpu.memory_space<hbm>> -> memref<64x128xf32, #tpu.memory_space<hbm>>
      %dma_wait3A_475 = arith.constant 0 : i32
      %dma_wait3A_476 = tpu.memref_slice %arg10[%add3A_205, %dma_wait3A_475] : memref<16384x128xf32, #tpu.memory_space<hbm>> -> memref<64x128xf32, #tpu.memory_space<hbm>>
      tpu.wait_dma2 semaphore(%run_scoped3A_468 : memref<!tpu.dma_semaphore, #tpu.memory_space<semaphore_mem>>) src(%arg18 : memref<64x128xf32, #tpu.memory_space<vmem>>) dst(%dma_wait3A_476 : memref<64x128xf32, #tpu.memory_space<hbm>>)
      tpu.yield
    }) : () -> ()
    %dma_start3A_206 = arith.constant 4 : i32
    %dma_start3A_207 = arith.constant 0 : i32
    %dma_start3A_208 = tpu.memref_slice %arg11[%dma_start3A_206, %dma_start3A_207] : memref<8x64xi32, #tpu.memory_space<vmem>> -> memref<1x64xi32, #tpu.memory_space<vmem>>
    %dma_start3A_209 = tpu.memref_squeeze %dma_start3A_208 : memref<1x64xi32, #tpu.memory_space<vmem>> -> memref<64xi32, #tpu.memory_space<vmem>>
    %dma_start3A_210 = arith.constant 0 : i32
    %dma_start3A_211 = arith.constant 0 : i32
    %dma_start3A_212 = tpu.memref_slice %arg3[%dma_start3A_210, %dma_start3A_211] : memref<100000x128xf32, #tpu.memory_space<hbm>> -> memref<100000x128xf32, #tpu.memory_space<hbm>>
    tpu.enqueue_indirect_dma source(%dma_start3A_212 : memref<100000x128xf32, #tpu.memory_space<hbm>>) target(%arg15 : memref<64x128xf32, #tpu.memory_space<vmem>>) offsets(%dma_start3A_209 : memref<64xi32, #tpu.memory_space<vmem>>) semaphore(%arg23 : memref<!tpu.dma_semaphore, #tpu.memory_space<semaphore_mem>>)
    %dma_start3A_213 = arith.constant 4 : i32
    %dma_start3A_214 = arith.constant 0 : i32
    %dma_start3A_215 = tpu.memref_slice %arg12[%dma_start3A_213, %dma_start3A_214] : memref<8x64xi32, #tpu.memory_space<vmem>> -> memref<1x64xi32, #tpu.memory_space<vmem>>
    %dma_start3A_216 = tpu.memref_squeeze %dma_start3A_215 : memref<1x64xi32, #tpu.memory_space<vmem>> -> memref<64xi32, #tpu.memory_space<vmem>>
    %dma_start3A_217 = arith.constant 0 : i32
    %dma_start3A_218 = arith.constant 0 : i32
    %dma_start3A_219 = tpu.memref_slice %arg4[%dma_start3A_217, %dma_start3A_218] : memref<100000x128xf32, #tpu.memory_space<hbm>> -> memref<100000x128xf32, #tpu.memory_space<hbm>>
    tpu.enqueue_indirect_dma source(%dma_start3A_219 : memref<100000x128xf32, #tpu.memory_space<hbm>>) target(%arg16 : memref<64x128xf32, #tpu.memory_space<vmem>>) offsets(%dma_start3A_216 : memref<64xi32, #tpu.memory_space<vmem>>) semaphore(%arg24 : memref<!tpu.dma_semaphore, #tpu.memory_space<semaphore_mem>>)
    %dma_start3A_220 = arith.constant 4 : i32
    %dma_start3A_221 = arith.constant 0 : i32
    %dma_start3A_222 = tpu.memref_slice %arg13[%dma_start3A_220, %dma_start3A_221] : memref<8x64xi32, #tpu.memory_space<vmem>> -> memref<1x64xi32, #tpu.memory_space<vmem>>
    %dma_start3A_223 = tpu.memref_squeeze %dma_start3A_222 : memref<1x64xi32, #tpu.memory_space<vmem>> -> memref<64xi32, #tpu.memory_space<vmem>>
    %dma_start3A_224 = arith.constant 0 : i32
    %dma_start3A_225 = arith.constant 0 : i32
    %dma_start3A_226 = tpu.memref_slice %arg5[%dma_start3A_224, %dma_start3A_225] : memref<100000x128xf32, #tpu.memory_space<hbm>> -> memref<100000x128xf32, #tpu.memory_space<hbm>>
    tpu.enqueue_indirect_dma source(%dma_start3A_226 : memref<100000x128xf32, #tpu.memory_space<hbm>>) target(%arg17 : memref<64x128xf32, #tpu.memory_space<vmem>>) offsets(%dma_start3A_223 : memref<64xi32, #tpu.memory_space<vmem>>) semaphore(%arg25 : memref<!tpu.dma_semaphore, #tpu.memory_space<semaphore_mem>>)
    %dma_start3A_227 = arith.constant 4 : i32
    %dma_start3A_228 = arith.constant 0 : i32
    %dma_start3A_229 = tpu.memref_slice %arg14[%dma_start3A_227, %dma_start3A_228] : memref<8x64xi32, #tpu.memory_space<vmem>> -> memref<1x64xi32, #tpu.memory_space<vmem>>
    %dma_start3A_230 = tpu.memref_squeeze %dma_start3A_229 : memref<1x64xi32, #tpu.memory_space<vmem>> -> memref<64xi32, #tpu.memory_space<vmem>>
    %dma_start3A_231 = arith.constant 0 : i32
    %dma_start3A_232 = arith.constant 0 : i32
    %dma_start3A_233 = tpu.memref_slice %arg6[%dma_start3A_231, %dma_start3A_232] : memref<100000x128xf32, #tpu.memory_space<hbm>> -> memref<100000x128xf32, #tpu.memory_space<hbm>>
    tpu.enqueue_indirect_dma source(%dma_start3A_233 : memref<100000x128xf32, #tpu.memory_space<hbm>>) target(%arg18 : memref<64x128xf32, #tpu.memory_space<vmem>>) offsets(%dma_start3A_230 : memref<64xi32, #tpu.memory_space<vmem>>) semaphore(%arg26 : memref<!tpu.dma_semaphore, #tpu.memory_space<semaphore_mem>>)
    %dma_wait3A_234 = arith.constant 3 : i32
    %dma_wait3A_235 = arith.constant 0 : i32
    %dma_wait3A_236 = tpu.memref_slice %arg11[%dma_wait3A_234, %dma_wait3A_235] : memref<8x64xi32, #tpu.memory_space<vmem>> -> memref<1x64xi32, #tpu.memory_space<vmem>>
    %dma_wait3A_237 = tpu.memref_squeeze %dma_wait3A_236 : memref<1x64xi32, #tpu.memory_space<vmem>> -> memref<64xi32, #tpu.memory_space<vmem>>
    %dma_wait3A_238 = arith.constant 0 : i32
    %dma_wait3A_239 = arith.constant 0 : i32
    %dma_wait3A_240 = tpu.memref_slice %arg3[%dma_wait3A_238, %dma_wait3A_239] : memref<100000x128xf32, #tpu.memory_space<hbm>> -> memref<100000x128xf32, #tpu.memory_space<hbm>>
    tpu.wait_indirect_dma semaphore(%arg23 : memref<!tpu.dma_semaphore, #tpu.memory_space<semaphore_mem>>) src(%dma_wait3A_240 : memref<100000x128xf32, #tpu.memory_space<hbm>>) dst(%arg19 : memref<64x128xf32, #tpu.memory_space<vmem>>)
    %dma_wait3A_241 = arith.constant 3 : i32
    %dma_wait3A_242 = arith.constant 0 : i32
    %dma_wait3A_243 = tpu.memref_slice %arg12[%dma_wait3A_241, %dma_wait3A_242] : memref<8x64xi32, #tpu.memory_space<vmem>> -> memref<1x64xi32, #tpu.memory_space<vmem>>
    %dma_wait3A_244 = tpu.memref_squeeze %dma_wait3A_243 : memref<1x64xi32, #tpu.memory_space<vmem>> -> memref<64xi32, #tpu.memory_space<vmem>>
    %dma_wait3A_245 = arith.constant 0 : i32
    %dma_wait3A_246 = arith.constant 0 : i32
    %dma_wait3A_247 = tpu.memref_slice %arg4[%dma_wait3A_245, %dma_wait3A_246] : memref<100000x128xf32, #tpu.memory_space<hbm>> -> memref<100000x128xf32, #tpu.memory_space<hbm>>
    tpu.wait_indirect_dma semaphore(%arg24 : memref<!tpu.dma_semaphore, #tpu.memory_space<semaphore_mem>>) src(%dma_wait3A_247 : memref<100000x128xf32, #tpu.memory_space<hbm>>) dst(%arg20 : memref<64x128xf32, #tpu.memory_space<vmem>>)
    %dma_wait3A_248 = arith.constant 3 : i32
    %dma_wait3A_249 = arith.constant 0 : i32
    %dma_wait3A_250 = tpu.memref_slice %arg13[%dma_wait3A_248, %dma_wait3A_249] : memref<8x64xi32, #tpu.memory_space<vmem>> -> memref<1x64xi32, #tpu.memory_space<vmem>>
    %dma_wait3A_251 = tpu.memref_squeeze %dma_wait3A_250 : memref<1x64xi32, #tpu.memory_space<vmem>> -> memref<64xi32, #tpu.memory_space<vmem>>
    %dma_wait3A_252 = arith.constant 0 : i32
    %dma_wait3A_253 = arith.constant 0 : i32
    %dma_wait3A_254 = tpu.memref_slice %arg5[%dma_wait3A_252, %dma_wait3A_253] : memref<100000x128xf32, #tpu.memory_space<hbm>> -> memref<100000x128xf32, #tpu.memory_space<hbm>>
    tpu.wait_indirect_dma semaphore(%arg25 : memref<!tpu.dma_semaphore, #tpu.memory_space<semaphore_mem>>) src(%dma_wait3A_254 : memref<100000x128xf32, #tpu.memory_space<hbm>>) dst(%arg21 : memref<64x128xf32, #tpu.memory_space<vmem>>)
    %dma_wait3A_255 = arith.constant 3 : i32
    %dma_wait3A_256 = arith.constant 0 : i32
    %dma_wait3A_257 = tpu.memref_slice %arg14[%dma_wait3A_255, %dma_wait3A_256] : memref<8x64xi32, #tpu.memory_space<vmem>> -> memref<1x64xi32, #tpu.memory_space<vmem>>
    %dma_wait3A_258 = tpu.memref_squeeze %dma_wait3A_257 : memref<1x64xi32, #tpu.memory_space<vmem>> -> memref<64xi32, #tpu.memory_space<vmem>>
    %dma_wait3A_259 = arith.constant 0 : i32
    %dma_wait3A_260 = arith.constant 0 : i32
    %dma_wait3A_261 = tpu.memref_slice %arg6[%dma_wait3A_259, %dma_wait3A_260] : memref<100000x128xf32, #tpu.memory_space<hbm>> -> memref<100000x128xf32, #tpu.memory_space<hbm>>
    tpu.wait_indirect_dma semaphore(%arg26 : memref<!tpu.dma_semaphore, #tpu.memory_space<semaphore_mem>>) src(%dma_wait3A_261 : memref<100000x128xf32, #tpu.memory_space<hbm>>) dst(%arg22 : memref<64x128xf32, #tpu.memory_space<vmem>>)
    %add3A_262 = arith.constant 192 : i32
    %add3A_263 = arith.addi %mul3A_2, %add3A_262 : i32
    "tpu.region"() ({
      %run_scoped3A_468 = tpu.sem_alloc : memref<!tpu.dma_semaphore, #tpu.memory_space<semaphore_mem>>
      %dma_start3A_469 = arith.constant 0 : i32
      %dma_start3A_470 = tpu.memref_slice %arg7[%add3A_263, %dma_start3A_469] : memref<16384x128xf32, #tpu.memory_space<hbm>> -> memref<64x128xf32, #tpu.memory_space<hbm>>
      %dma_start3A_471 = arith.constant 0 : i32
      %dma_start3A_472 = tpu.memref_slice %arg7[%add3A_263, %dma_start3A_471] : memref<16384x128xf32, #tpu.memory_space<hbm>> -> memref<64x128xf32, #tpu.memory_space<hbm>>
      tpu.enqueue_dma source(%arg19 : memref<64x128xf32, #tpu.memory_space<vmem>>) target(%dma_start3A_472 : memref<64x128xf32, #tpu.memory_space<hbm>>) target_semaphore(%run_scoped3A_468 : memref<!tpu.dma_semaphore, #tpu.memory_space<semaphore_mem>>)
      %dma_wait3A_473 = arith.constant 0 : i32
      %dma_wait3A_474 = tpu.memref_slice %arg7[%add3A_263, %dma_wait3A_473] : memref<16384x128xf32, #tpu.memory_space<hbm>> -> memref<64x128xf32, #tpu.memory_space<hbm>>
      %dma_wait3A_475 = arith.constant 0 : i32
      %dma_wait3A_476 = tpu.memref_slice %arg7[%add3A_263, %dma_wait3A_475] : memref<16384x128xf32, #tpu.memory_space<hbm>> -> memref<64x128xf32, #tpu.memory_space<hbm>>
      tpu.wait_dma2 semaphore(%run_scoped3A_468 : memref<!tpu.dma_semaphore, #tpu.memory_space<semaphore_mem>>) src(%arg19 : memref<64x128xf32, #tpu.memory_space<vmem>>) dst(%dma_wait3A_476 : memref<64x128xf32, #tpu.memory_space<hbm>>)
      tpu.yield
    }) : () -> ()
    "tpu.region"() ({
      %run_scoped3A_468 = tpu.sem_alloc : memref<!tpu.dma_semaphore, #tpu.memory_space<semaphore_mem>>
      %dma_start3A_469 = arith.constant 0 : i32
      %dma_start3A_470 = tpu.memref_slice %arg8[%add3A_263, %dma_start3A_469] : memref<16384x128xf32, #tpu.memory_space<hbm>> -> memref<64x128xf32, #tpu.memory_space<hbm>>
      %dma_start3A_471 = arith.constant 0 : i32
      %dma_start3A_472 = tpu.memref_slice %arg8[%add3A_263, %dma_start3A_471] : memref<16384x128xf32, #tpu.memory_space<hbm>> -> memref<64x128xf32, #tpu.memory_space<hbm>>
      tpu.enqueue_dma source(%arg20 : memref<64x128xf32, #tpu.memory_space<vmem>>) target(%dma_start3A_472 : memref<64x128xf32, #tpu.memory_space<hbm>>) target_semaphore(%run_scoped3A_468 : memref<!tpu.dma_semaphore, #tpu.memory_space<semaphore_mem>>)
      %dma_wait3A_473 = arith.constant 0 : i32
      %dma_wait3A_474 = tpu.memref_slice %arg8[%add3A_263, %dma_wait3A_473] : memref<16384x128xf32, #tpu.memory_space<hbm>> -> memref<64x128xf32, #tpu.memory_space<hbm>>
      %dma_wait3A_475 = arith.constant 0 : i32
      %dma_wait3A_476 = tpu.memref_slice %arg8[%add3A_263, %dma_wait3A_475] : memref<16384x128xf32, #tpu.memory_space<hbm>> -> memref<64x128xf32, #tpu.memory_space<hbm>>
      tpu.wait_dma2 semaphore(%run_scoped3A_468 : memref<!tpu.dma_semaphore, #tpu.memory_space<semaphore_mem>>) src(%arg20 : memref<64x128xf32, #tpu.memory_space<vmem>>) dst(%dma_wait3A_476 : memref<64x128xf32, #tpu.memory_space<hbm>>)
      tpu.yield
    }) : () -> ()
    "tpu.region"() ({
      %run_scoped3A_468 = tpu.sem_alloc : memref<!tpu.dma_semaphore, #tpu.memory_space<semaphore_mem>>
      %dma_start3A_469 = arith.constant 0 : i32
      %dma_start3A_470 = tpu.memref_slice %arg9[%add3A_263, %dma_start3A_469] : memref<16384x128xf32, #tpu.memory_space<hbm>> -> memref<64x128xf32, #tpu.memory_space<hbm>>
      %dma_start3A_471 = arith.constant 0 : i32
      %dma_start3A_472 = tpu.memref_slice %arg9[%add3A_263, %dma_start3A_471] : memref<16384x128xf32, #tpu.memory_space<hbm>> -> memref<64x128xf32, #tpu.memory_space<hbm>>
      tpu.enqueue_dma source(%arg21 : memref<64x128xf32, #tpu.memory_space<vmem>>) target(%dma_start3A_472 : memref<64x128xf32, #tpu.memory_space<hbm>>) target_semaphore(%run_scoped3A_468 : memref<!tpu.dma_semaphore, #tpu.memory_space<semaphore_mem>>)
      %dma_wait3A_473 = arith.constant 0 : i32
      %dma_wait3A_474 = tpu.memref_slice %arg9[%add3A_263, %dma_wait3A_473] : memref<16384x128xf32, #tpu.memory_space<hbm>> -> memref<64x128xf32, #tpu.memory_space<hbm>>
      %dma_wait3A_475 = arith.constant 0 : i32
      %dma_wait3A_476 = tpu.memref_slice %arg9[%add3A_263, %dma_wait3A_475] : memref<16384x128xf32, #tpu.memory_space<hbm>> -> memref<64x128xf32, #tpu.memory_space<hbm>>
      tpu.wait_dma2 semaphore(%run_scoped3A_468 : memref<!tpu.dma_semaphore, #tpu.memory_space<semaphore_mem>>) src(%arg21 : memref<64x128xf32, #tpu.memory_space<vmem>>) dst(%dma_wait3A_476 : memref<64x128xf32, #tpu.memory_space<hbm>>)
      tpu.yield
    }) : () -> ()
    "tpu.region"() ({
      %run_scoped3A_468 = tpu.sem_alloc : memref<!tpu.dma_semaphore, #tpu.memory_space<semaphore_mem>>
      %dma_start3A_469 = arith.constant 0 : i32
      %dma_start3A_470 = tpu.memref_slice %arg10[%add3A_263, %dma_start3A_469] : memref<16384x128xf32, #tpu.memory_space<hbm>> -> memref<64x128xf32, #tpu.memory_space<hbm>>
      %dma_start3A_471 = arith.constant 0 : i32
      %dma_start3A_472 = tpu.memref_slice %arg10[%add3A_263, %dma_start3A_471] : memref<16384x128xf32, #tpu.memory_space<hbm>> -> memref<64x128xf32, #tpu.memory_space<hbm>>
      tpu.enqueue_dma source(%arg22 : memref<64x128xf32, #tpu.memory_space<vmem>>) target(%dma_start3A_472 : memref<64x128xf32, #tpu.memory_space<hbm>>) target_semaphore(%run_scoped3A_468 : memref<!tpu.dma_semaphore, #tpu.memory_space<semaphore_mem>>)
      %dma_wait3A_473 = arith.constant 0 : i32
      %dma_wait3A_474 = tpu.memref_slice %arg10[%add3A_263, %dma_wait3A_473] : memref<16384x128xf32, #tpu.memory_space<hbm>> -> memref<64x128xf32, #tpu.memory_space<hbm>>
      %dma_wait3A_475 = arith.constant 0 : i32
      %dma_wait3A_476 = tpu.memref_slice %arg10[%add3A_263, %dma_wait3A_475] : memref<16384x128xf32, #tpu.memory_space<hbm>> -> memref<64x128xf32, #tpu.memory_space<hbm>>
      tpu.wait_dma2 semaphore(%run_scoped3A_468 : memref<!tpu.dma_semaphore, #tpu.memory_space<semaphore_mem>>) src(%arg22 : memref<64x128xf32, #tpu.memory_space<vmem>>) dst(%dma_wait3A_476 : memref<64x128xf32, #tpu.memory_space<hbm>>)
      tpu.yield
    }) : () -> ()
    %dma_start3A_264 = arith.constant 5 : i32
    %dma_start3A_265 = arith.constant 0 : i32
    %dma_start3A_266 = tpu.memref_slice %arg11[%dma_start3A_264, %dma_start3A_265] : memref<8x64xi32, #tpu.memory_space<vmem>> -> memref<1x64xi32, #tpu.memory_space<vmem>>
    %dma_start3A_267 = tpu.memref_squeeze %dma_start3A_266 : memref<1x64xi32, #tpu.memory_space<vmem>> -> memref<64xi32, #tpu.memory_space<vmem>>
    %dma_start3A_268 = arith.constant 0 : i32
    %dma_start3A_269 = arith.constant 0 : i32
    %dma_start3A_270 = tpu.memref_slice %arg3[%dma_start3A_268, %dma_start3A_269] : memref<100000x128xf32, #tpu.memory_space<hbm>> -> memref<100000x128xf32, #tpu.memory_space<hbm>>
    tpu.enqueue_indirect_dma source(%dma_start3A_270 : memref<100000x128xf32, #tpu.memory_space<hbm>>) target(%arg19 : memref<64x128xf32, #tpu.memory_space<vmem>>) offsets(%dma_start3A_267 : memref<64xi32, #tpu.memory_space<vmem>>) semaphore(%arg23 : memref<!tpu.dma_semaphore, #tpu.memory_space<semaphore_mem>>)
    %dma_start3A_271 = arith.constant 5 : i32
    %dma_start3A_272 = arith.constant 0 : i32
    %dma_start3A_273 = tpu.memref_slice %arg12[%dma_start3A_271, %dma_start3A_272] : memref<8x64xi32, #tpu.memory_space<vmem>> -> memref<1x64xi32, #tpu.memory_space<vmem>>
    %dma_start3A_274 = tpu.memref_squeeze %dma_start3A_273 : memref<1x64xi32, #tpu.memory_space<vmem>> -> memref<64xi32, #tpu.memory_space<vmem>>
    %dma_start3A_275 = arith.constant 0 : i32
    %dma_start3A_276 = arith.constant 0 : i32
    %dma_start3A_277 = tpu.memref_slice %arg4[%dma_start3A_275, %dma_start3A_276] : memref<100000x128xf32, #tpu.memory_space<hbm>> -> memref<100000x128xf32, #tpu.memory_space<hbm>>
    tpu.enqueue_indirect_dma source(%dma_start3A_277 : memref<100000x128xf32, #tpu.memory_space<hbm>>) target(%arg20 : memref<64x128xf32, #tpu.memory_space<vmem>>) offsets(%dma_start3A_274 : memref<64xi32, #tpu.memory_space<vmem>>) semaphore(%arg24 : memref<!tpu.dma_semaphore, #tpu.memory_space<semaphore_mem>>)
    %dma_start3A_278 = arith.constant 5 : i32
    %dma_start3A_279 = arith.constant 0 : i32
    %dma_start3A_280 = tpu.memref_slice %arg13[%dma_start3A_278, %dma_start3A_279] : memref<8x64xi32, #tpu.memory_space<vmem>> -> memref<1x64xi32, #tpu.memory_space<vmem>>
    %dma_start3A_281 = tpu.memref_squeeze %dma_start3A_280 : memref<1x64xi32, #tpu.memory_space<vmem>> -> memref<64xi32, #tpu.memory_space<vmem>>
    %dma_start3A_282 = arith.constant 0 : i32
    %dma_start3A_283 = arith.constant 0 : i32
    %dma_start3A_284 = tpu.memref_slice %arg5[%dma_start3A_282, %dma_start3A_283] : memref<100000x128xf32, #tpu.memory_space<hbm>> -> memref<100000x128xf32, #tpu.memory_space<hbm>>
    tpu.enqueue_indirect_dma source(%dma_start3A_284 : memref<100000x128xf32, #tpu.memory_space<hbm>>) target(%arg21 : memref<64x128xf32, #tpu.memory_space<vmem>>) offsets(%dma_start3A_281 : memref<64xi32, #tpu.memory_space<vmem>>) semaphore(%arg25 : memref<!tpu.dma_semaphore, #tpu.memory_space<semaphore_mem>>)
    %dma_start3A_285 = arith.constant 5 : i32
    %dma_start3A_286 = arith.constant 0 : i32
    %dma_start3A_287 = tpu.memref_slice %arg14[%dma_start3A_285, %dma_start3A_286] : memref<8x64xi32, #tpu.memory_space<vmem>> -> memref<1x64xi32, #tpu.memory_space<vmem>>
    %dma_start3A_288 = tpu.memref_squeeze %dma_start3A_287 : memref<1x64xi32, #tpu.memory_space<vmem>> -> memref<64xi32, #tpu.memory_space<vmem>>
    %dma_start3A_289 = arith.constant 0 : i32
    %dma_start3A_290 = arith.constant 0 : i32
    %dma_start3A_291 = tpu.memref_slice %arg6[%dma_start3A_289, %dma_start3A_290] : memref<100000x128xf32, #tpu.memory_space<hbm>> -> memref<100000x128xf32, #tpu.memory_space<hbm>>
    tpu.enqueue_indirect_dma source(%dma_start3A_291 : memref<100000x128xf32, #tpu.memory_space<hbm>>) target(%arg22 : memref<64x128xf32, #tpu.memory_space<vmem>>) offsets(%dma_start3A_288 : memref<64xi32, #tpu.memory_space<vmem>>) semaphore(%arg26 : memref<!tpu.dma_semaphore, #tpu.memory_space<semaphore_mem>>)
    %dma_wait3A_292 = arith.constant 4 : i32
    %dma_wait3A_293 = arith.constant 0 : i32
    %dma_wait3A_294 = tpu.memref_slice %arg11[%dma_wait3A_292, %dma_wait3A_293] : memref<8x64xi32, #tpu.memory_space<vmem>> -> memref<1x64xi32, #tpu.memory_space<vmem>>
    %dma_wait3A_295 = tpu.memref_squeeze %dma_wait3A_294 : memref<1x64xi32, #tpu.memory_space<vmem>> -> memref<64xi32, #tpu.memory_space<vmem>>
    %dma_wait3A_296 = arith.constant 0 : i32
    %dma_wait3A_297 = arith.constant 0 : i32
    %dma_wait3A_298 = tpu.memref_slice %arg3[%dma_wait3A_296, %dma_wait3A_297] : memref<100000x128xf32, #tpu.memory_space<hbm>> -> memref<100000x128xf32, #tpu.memory_space<hbm>>
    tpu.wait_indirect_dma semaphore(%arg23 : memref<!tpu.dma_semaphore, #tpu.memory_space<semaphore_mem>>) src(%dma_wait3A_298 : memref<100000x128xf32, #tpu.memory_space<hbm>>) dst(%arg15 : memref<64x128xf32, #tpu.memory_space<vmem>>)
    %dma_wait3A_299 = arith.constant 4 : i32
    %dma_wait3A_300 = arith.constant 0 : i32
    %dma_wait3A_301 = tpu.memref_slice %arg12[%dma_wait3A_299, %dma_wait3A_300] : memref<8x64xi32, #tpu.memory_space<vmem>> -> memref<1x64xi32, #tpu.memory_space<vmem>>
    %dma_wait3A_302 = tpu.memref_squeeze %dma_wait3A_301 : memref<1x64xi32, #tpu.memory_space<vmem>> -> memref<64xi32, #tpu.memory_space<vmem>>
    %dma_wait3A_303 = arith.constant 0 : i32
    %dma_wait3A_304 = arith.constant 0 : i32
    %dma_wait3A_305 = tpu.memref_slice %arg4[%dma_wait3A_303, %dma_wait3A_304] : memref<100000x128xf32, #tpu.memory_space<hbm>> -> memref<100000x128xf32, #tpu.memory_space<hbm>>
    tpu.wait_indirect_dma semaphore(%arg24 : memref<!tpu.dma_semaphore, #tpu.memory_space<semaphore_mem>>) src(%dma_wait3A_305 : memref<100000x128xf32, #tpu.memory_space<hbm>>) dst(%arg16 : memref<64x128xf32, #tpu.memory_space<vmem>>)
    %dma_wait3A_306 = arith.constant 4 : i32
    %dma_wait3A_307 = arith.constant 0 : i32
    %dma_wait3A_308 = tpu.memref_slice %arg13[%dma_wait3A_306, %dma_wait3A_307] : memref<8x64xi32, #tpu.memory_space<vmem>> -> memref<1x64xi32, #tpu.memory_space<vmem>>
    %dma_wait3A_309 = tpu.memref_squeeze %dma_wait3A_308 : memref<1x64xi32, #tpu.memory_space<vmem>> -> memref<64xi32, #tpu.memory_space<vmem>>
    %dma_wait3A_310 = arith.constant 0 : i32
    %dma_wait3A_311 = arith.constant 0 : i32
    %dma_wait3A_312 = tpu.memref_slice %arg5[%dma_wait3A_310, %dma_wait3A_311] : memref<100000x128xf32, #tpu.memory_space<hbm>> -> memref<100000x128xf32, #tpu.memory_space<hbm>>
    tpu.wait_indirect_dma semaphore(%arg25 : memref<!tpu.dma_semaphore, #tpu.memory_space<semaphore_mem>>) src(%dma_wait3A_312 : memref<100000x128xf32, #tpu.memory_space<hbm>>) dst(%arg17 : memref<64x128xf32, #tpu.memory_space<vmem>>)
    %dma_wait3A_313 = arith.constant 4 : i32
    %dma_wait3A_314 = arith.constant 0 : i32
    %dma_wait3A_315 = tpu.memref_slice %arg14[%dma_wait3A_313, %dma_wait3A_314] : memref<8x64xi32, #tpu.memory_space<vmem>> -> memref<1x64xi32, #tpu.memory_space<vmem>>
    %dma_wait3A_316 = tpu.memref_squeeze %dma_wait3A_315 : memref<1x64xi32, #tpu.memory_space<vmem>> -> memref<64xi32, #tpu.memory_space<vmem>>
    %dma_wait3A_317 = arith.constant 0 : i32
    %dma_wait3A_318 = arith.constant 0 : i32
    %dma_wait3A_319 = tpu.memref_slice %arg6[%dma_wait3A_317, %dma_wait3A_318] : memref<100000x128xf32, #tpu.memory_space<hbm>> -> memref<100000x128xf32, #tpu.memory_space<hbm>>
    tpu.wait_indirect_dma semaphore(%arg26 : memref<!tpu.dma_semaphore, #tpu.memory_space<semaphore_mem>>) src(%dma_wait3A_319 : memref<100000x128xf32, #tpu.memory_space<hbm>>) dst(%arg18 : memref<64x128xf32, #tpu.memory_space<vmem>>)
    %add3A_320 = arith.constant 256 : i32
    %add3A_321 = arith.addi %mul3A_2, %add3A_320 : i32
    "tpu.region"() ({
      %run_scoped3A_468 = tpu.sem_alloc : memref<!tpu.dma_semaphore, #tpu.memory_space<semaphore_mem>>
      %dma_start3A_469 = arith.constant 0 : i32
      %dma_start3A_470 = tpu.memref_slice %arg7[%add3A_321, %dma_start3A_469] : memref<16384x128xf32, #tpu.memory_space<hbm>> -> memref<64x128xf32, #tpu.memory_space<hbm>>
      %dma_start3A_471 = arith.constant 0 : i32
      %dma_start3A_472 = tpu.memref_slice %arg7[%add3A_321, %dma_start3A_471] : memref<16384x128xf32, #tpu.memory_space<hbm>> -> memref<64x128xf32, #tpu.memory_space<hbm>>
      tpu.enqueue_dma source(%arg15 : memref<64x128xf32, #tpu.memory_space<vmem>>) target(%dma_start3A_472 : memref<64x128xf32, #tpu.memory_space<hbm>>) target_semaphore(%run_scoped3A_468 : memref<!tpu.dma_semaphore, #tpu.memory_space<semaphore_mem>>)
      %dma_wait3A_473 = arith.constant 0 : i32
      %dma_wait3A_474 = tpu.memref_slice %arg7[%add3A_321, %dma_wait3A_473] : memref<16384x128xf32, #tpu.memory_space<hbm>> -> memref<64x128xf32, #tpu.memory_space<hbm>>
      %dma_wait3A_475 = arith.constant 0 : i32
      %dma_wait3A_476 = tpu.memref_slice %arg7[%add3A_321, %dma_wait3A_475] : memref<16384x128xf32, #tpu.memory_space<hbm>> -> memref<64x128xf32, #tpu.memory_space<hbm>>
      tpu.wait_dma2 semaphore(%run_scoped3A_468 : memref<!tpu.dma_semaphore, #tpu.memory_space<semaphore_mem>>) src(%arg15 : memref<64x128xf32, #tpu.memory_space<vmem>>) dst(%dma_wait3A_476 : memref<64x128xf32, #tpu.memory_space<hbm>>)
      tpu.yield
    }) : () -> ()
    "tpu.region"() ({
      %run_scoped3A_468 = tpu.sem_alloc : memref<!tpu.dma_semaphore, #tpu.memory_space<semaphore_mem>>
      %dma_start3A_469 = arith.constant 0 : i32
      %dma_start3A_470 = tpu.memref_slice %arg8[%add3A_321, %dma_start3A_469] : memref<16384x128xf32, #tpu.memory_space<hbm>> -> memref<64x128xf32, #tpu.memory_space<hbm>>
      %dma_start3A_471 = arith.constant 0 : i32
      %dma_start3A_472 = tpu.memref_slice %arg8[%add3A_321, %dma_start3A_471] : memref<16384x128xf32, #tpu.memory_space<hbm>> -> memref<64x128xf32, #tpu.memory_space<hbm>>
      tpu.enqueue_dma source(%arg16 : memref<64x128xf32, #tpu.memory_space<vmem>>) target(%dma_start3A_472 : memref<64x128xf32, #tpu.memory_space<hbm>>) target_semaphore(%run_scoped3A_468 : memref<!tpu.dma_semaphore, #tpu.memory_space<semaphore_mem>>)
      %dma_wait3A_473 = arith.constant 0 : i32
      %dma_wait3A_474 = tpu.memref_slice %arg8[%add3A_321, %dma_wait3A_473] : memref<16384x128xf32, #tpu.memory_space<hbm>> -> memref<64x128xf32, #tpu.memory_space<hbm>>
      %dma_wait3A_475 = arith.constant 0 : i32
      %dma_wait3A_476 = tpu.memref_slice %arg8[%add3A_321, %dma_wait3A_475] : memref<16384x128xf32, #tpu.memory_space<hbm>> -> memref<64x128xf32, #tpu.memory_space<hbm>>
      tpu.wait_dma2 semaphore(%run_scoped3A_468 : memref<!tpu.dma_semaphore, #tpu.memory_space<semaphore_mem>>) src(%arg16 : memref<64x128xf32, #tpu.memory_space<vmem>>) dst(%dma_wait3A_476 : memref<64x128xf32, #tpu.memory_space<hbm>>)
      tpu.yield
    }) : () -> ()
    "tpu.region"() ({
      %run_scoped3A_468 = tpu.sem_alloc : memref<!tpu.dma_semaphore, #tpu.memory_space<semaphore_mem>>
      %dma_start3A_469 = arith.constant 0 : i32
      %dma_start3A_470 = tpu.memref_slice %arg9[%add3A_321, %dma_start3A_469] : memref<16384x128xf32, #tpu.memory_space<hbm>> -> memref<64x128xf32, #tpu.memory_space<hbm>>
      %dma_start3A_471 = arith.constant 0 : i32
      %dma_start3A_472 = tpu.memref_slice %arg9[%add3A_321, %dma_start3A_471] : memref<16384x128xf32, #tpu.memory_space<hbm>> -> memref<64x128xf32, #tpu.memory_space<hbm>>
      tpu.enqueue_dma source(%arg17 : memref<64x128xf32, #tpu.memory_space<vmem>>) target(%dma_start3A_472 : memref<64x128xf32, #tpu.memory_space<hbm>>) target_semaphore(%run_scoped3A_468 : memref<!tpu.dma_semaphore, #tpu.memory_space<semaphore_mem>>)
      %dma_wait3A_473 = arith.constant 0 : i32
      %dma_wait3A_474 = tpu.memref_slice %arg9[%add3A_321, %dma_wait3A_473] : memref<16384x128xf32, #tpu.memory_space<hbm>> -> memref<64x128xf32, #tpu.memory_space<hbm>>
      %dma_wait3A_475 = arith.constant 0 : i32
      %dma_wait3A_476 = tpu.memref_slice %arg9[%add3A_321, %dma_wait3A_475] : memref<16384x128xf32, #tpu.memory_space<hbm>> -> memref<64x128xf32, #tpu.memory_space<hbm>>
      tpu.wait_dma2 semaphore(%run_scoped3A_468 : memref<!tpu.dma_semaphore, #tpu.memory_space<semaphore_mem>>) src(%arg17 : memref<64x128xf32, #tpu.memory_space<vmem>>) dst(%dma_wait3A_476 : memref<64x128xf32, #tpu.memory_space<hbm>>)
      tpu.yield
    }) : () -> ()
    "tpu.region"() ({
      %run_scoped3A_468 = tpu.sem_alloc : memref<!tpu.dma_semaphore, #tpu.memory_space<semaphore_mem>>
      %dma_start3A_469 = arith.constant 0 : i32
      %dma_start3A_470 = tpu.memref_slice %arg10[%add3A_321, %dma_start3A_469] : memref<16384x128xf32, #tpu.memory_space<hbm>> -> memref<64x128xf32, #tpu.memory_space<hbm>>
      %dma_start3A_471 = arith.constant 0 : i32
      %dma_start3A_472 = tpu.memref_slice %arg10[%add3A_321, %dma_start3A_471] : memref<16384x128xf32, #tpu.memory_space<hbm>> -> memref<64x128xf32, #tpu.memory_space<hbm>>
      tpu.enqueue_dma source(%arg18 : memref<64x128xf32, #tpu.memory_space<vmem>>) target(%dma_start3A_472 : memref<64x128xf32, #tpu.memory_space<hbm>>) target_semaphore(%run_scoped3A_468 : memref<!tpu.dma_semaphore, #tpu.memory_space<semaphore_mem>>)
      %dma_wait3A_473 = arith.constant 0 : i32
      %dma_wait3A_474 = tpu.memref_slice %arg10[%add3A_321, %dma_wait3A_473] : memref<16384x128xf32, #tpu.memory_space<hbm>> -> memref<64x128xf32, #tpu.memory_space<hbm>>
      %dma_wait3A_475 = arith.constant 0 : i32
      %dma_wait3A_476 = tpu.memref_slice %arg10[%add3A_321, %dma_wait3A_475] : memref<16384x128xf32, #tpu.memory_space<hbm>> -> memref<64x128xf32, #tpu.memory_space<hbm>>
      tpu.wait_dma2 semaphore(%run_scoped3A_468 : memref<!tpu.dma_semaphore, #tpu.memory_space<semaphore_mem>>) src(%arg18 : memref<64x128xf32, #tpu.memory_space<vmem>>) dst(%dma_wait3A_476 : memref<64x128xf32, #tpu.memory_space<hbm>>)
      tpu.yield
    }) : () -> ()
    %dma_start3A_322 = arith.constant 6 : i32
    %dma_start3A_323 = arith.constant 0 : i32
    %dma_start3A_324 = tpu.memref_slice %arg11[%dma_start3A_322, %dma_start3A_323] : memref<8x64xi32, #tpu.memory_space<vmem>> -> memref<1x64xi32, #tpu.memory_space<vmem>>
    %dma_start3A_325 = tpu.memref_squeeze %dma_start3A_324 : memref<1x64xi32, #tpu.memory_space<vmem>> -> memref<64xi32, #tpu.memory_space<vmem>>
    %dma_start3A_326 = arith.constant 0 : i32
    %dma_start3A_327 = arith.constant 0 : i32
    %dma_start3A_328 = tpu.memref_slice %arg3[%dma_start3A_326, %dma_start3A_327] : memref<100000x128xf32, #tpu.memory_space<hbm>> -> memref<100000x128xf32, #tpu.memory_space<hbm>>
    tpu.enqueue_indirect_dma source(%dma_start3A_328 : memref<100000x128xf32, #tpu.memory_space<hbm>>) target(%arg15 : memref<64x128xf32, #tpu.memory_space<vmem>>) offsets(%dma_start3A_325 : memref<64xi32, #tpu.memory_space<vmem>>) semaphore(%arg23 : memref<!tpu.dma_semaphore, #tpu.memory_space<semaphore_mem>>)
    %dma_start3A_329 = arith.constant 6 : i32
    %dma_start3A_330 = arith.constant 0 : i32
    %dma_start3A_331 = tpu.memref_slice %arg12[%dma_start3A_329, %dma_start3A_330] : memref<8x64xi32, #tpu.memory_space<vmem>> -> memref<1x64xi32, #tpu.memory_space<vmem>>
    %dma_start3A_332 = tpu.memref_squeeze %dma_start3A_331 : memref<1x64xi32, #tpu.memory_space<vmem>> -> memref<64xi32, #tpu.memory_space<vmem>>
    %dma_start3A_333 = arith.constant 0 : i32
    %dma_start3A_334 = arith.constant 0 : i32
    %dma_start3A_335 = tpu.memref_slice %arg4[%dma_start3A_333, %dma_start3A_334] : memref<100000x128xf32, #tpu.memory_space<hbm>> -> memref<100000x128xf32, #tpu.memory_space<hbm>>
    tpu.enqueue_indirect_dma source(%dma_start3A_335 : memref<100000x128xf32, #tpu.memory_space<hbm>>) target(%arg16 : memref<64x128xf32, #tpu.memory_space<vmem>>) offsets(%dma_start3A_332 : memref<64xi32, #tpu.memory_space<vmem>>) semaphore(%arg24 : memref<!tpu.dma_semaphore, #tpu.memory_space<semaphore_mem>>)
    %dma_start3A_336 = arith.constant 6 : i32
    %dma_start3A_337 = arith.constant 0 : i32
    %dma_start3A_338 = tpu.memref_slice %arg13[%dma_start3A_336, %dma_start3A_337] : memref<8x64xi32, #tpu.memory_space<vmem>> -> memref<1x64xi32, #tpu.memory_space<vmem>>
    %dma_start3A_339 = tpu.memref_squeeze %dma_start3A_338 : memref<1x64xi32, #tpu.memory_space<vmem>> -> memref<64xi32, #tpu.memory_space<vmem>>
    %dma_start3A_340 = arith.constant 0 : i32
    %dma_start3A_341 = arith.constant 0 : i32
    %dma_start3A_342 = tpu.memref_slice %arg5[%dma_start3A_340, %dma_start3A_341] : memref<100000x128xf32, #tpu.memory_space<hbm>> -> memref<100000x128xf32, #tpu.memory_space<hbm>>
    tpu.enqueue_indirect_dma source(%dma_start3A_342 : memref<100000x128xf32, #tpu.memory_space<hbm>>) target(%arg17 : memref<64x128xf32, #tpu.memory_space<vmem>>) offsets(%dma_start3A_339 : memref<64xi32, #tpu.memory_space<vmem>>) semaphore(%arg25 : memref<!tpu.dma_semaphore, #tpu.memory_space<semaphore_mem>>)
    %dma_start3A_343 = arith.constant 6 : i32
    %dma_start3A_344 = arith.constant 0 : i32
    %dma_start3A_345 = tpu.memref_slice %arg14[%dma_start3A_343, %dma_start3A_344] : memref<8x64xi32, #tpu.memory_space<vmem>> -> memref<1x64xi32, #tpu.memory_space<vmem>>
    %dma_start3A_346 = tpu.memref_squeeze %dma_start3A_345 : memref<1x64xi32, #tpu.memory_space<vmem>> -> memref<64xi32, #tpu.memory_space<vmem>>
    %dma_start3A_347 = arith.constant 0 : i32
    %dma_start3A_348 = arith.constant 0 : i32
    %dma_start3A_349 = tpu.memref_slice %arg6[%dma_start3A_347, %dma_start3A_348] : memref<100000x128xf32, #tpu.memory_space<hbm>> -> memref<100000x128xf32, #tpu.memory_space<hbm>>
    tpu.enqueue_indirect_dma source(%dma_start3A_349 : memref<100000x128xf32, #tpu.memory_space<hbm>>) target(%arg18 : memref<64x128xf32, #tpu.memory_space<vmem>>) offsets(%dma_start3A_346 : memref<64xi32, #tpu.memory_space<vmem>>) semaphore(%arg26 : memref<!tpu.dma_semaphore, #tpu.memory_space<semaphore_mem>>)
    %dma_wait3A_350 = arith.constant 5 : i32
    %dma_wait3A_351 = arith.constant 0 : i32
    %dma_wait3A_352 = tpu.memref_slice %arg11[%dma_wait3A_350, %dma_wait3A_351] : memref<8x64xi32, #tpu.memory_space<vmem>> -> memref<1x64xi32, #tpu.memory_space<vmem>>
    %dma_wait3A_353 = tpu.memref_squeeze %dma_wait3A_352 : memref<1x64xi32, #tpu.memory_space<vmem>> -> memref<64xi32, #tpu.memory_space<vmem>>
    %dma_wait3A_354 = arith.constant 0 : i32
    %dma_wait3A_355 = arith.constant 0 : i32
    %dma_wait3A_356 = tpu.memref_slice %arg3[%dma_wait3A_354, %dma_wait3A_355] : memref<100000x128xf32, #tpu.memory_space<hbm>> -> memref<100000x128xf32, #tpu.memory_space<hbm>>
    tpu.wait_indirect_dma semaphore(%arg23 : memref<!tpu.dma_semaphore, #tpu.memory_space<semaphore_mem>>) src(%dma_wait3A_356 : memref<100000x128xf32, #tpu.memory_space<hbm>>) dst(%arg19 : memref<64x128xf32, #tpu.memory_space<vmem>>)
    %dma_wait3A_357 = arith.constant 5 : i32
    %dma_wait3A_358 = arith.constant 0 : i32
    %dma_wait3A_359 = tpu.memref_slice %arg12[%dma_wait3A_357, %dma_wait3A_358] : memref<8x64xi32, #tpu.memory_space<vmem>> -> memref<1x64xi32, #tpu.memory_space<vmem>>
    %dma_wait3A_360 = tpu.memref_squeeze %dma_wait3A_359 : memref<1x64xi32, #tpu.memory_space<vmem>> -> memref<64xi32, #tpu.memory_space<vmem>>
    %dma_wait3A_361 = arith.constant 0 : i32
    %dma_wait3A_362 = arith.constant 0 : i32
    %dma_wait3A_363 = tpu.memref_slice %arg4[%dma_wait3A_361, %dma_wait3A_362] : memref<100000x128xf32, #tpu.memory_space<hbm>> -> memref<100000x128xf32, #tpu.memory_space<hbm>>
    tpu.wait_indirect_dma semaphore(%arg24 : memref<!tpu.dma_semaphore, #tpu.memory_space<semaphore_mem>>) src(%dma_wait3A_363 : memref<100000x128xf32, #tpu.memory_space<hbm>>) dst(%arg20 : memref<64x128xf32, #tpu.memory_space<vmem>>)
    %dma_wait3A_364 = arith.constant 5 : i32
    %dma_wait3A_365 = arith.constant 0 : i32
    %dma_wait3A_366 = tpu.memref_slice %arg13[%dma_wait3A_364, %dma_wait3A_365] : memref<8x64xi32, #tpu.memory_space<vmem>> -> memref<1x64xi32, #tpu.memory_space<vmem>>
    %dma_wait3A_367 = tpu.memref_squeeze %dma_wait3A_366 : memref<1x64xi32, #tpu.memory_space<vmem>> -> memref<64xi32, #tpu.memory_space<vmem>>
    %dma_wait3A_368 = arith.constant 0 : i32
    %dma_wait3A_369 = arith.constant 0 : i32
    %dma_wait3A_370 = tpu.memref_slice %arg5[%dma_wait3A_368, %dma_wait3A_369] : memref<100000x128xf32, #tpu.memory_space<hbm>> -> memref<100000x128xf32, #tpu.memory_space<hbm>>
    tpu.wait_indirect_dma semaphore(%arg25 : memref<!tpu.dma_semaphore, #tpu.memory_space<semaphore_mem>>) src(%dma_wait3A_370 : memref<100000x128xf32, #tpu.memory_space<hbm>>) dst(%arg21 : memref<64x128xf32, #tpu.memory_space<vmem>>)
    %dma_wait3A_371 = arith.constant 5 : i32
    %dma_wait3A_372 = arith.constant 0 : i32
    %dma_wait3A_373 = tpu.memref_slice %arg14[%dma_wait3A_371, %dma_wait3A_372] : memref<8x64xi32, #tpu.memory_space<vmem>> -> memref<1x64xi32, #tpu.memory_space<vmem>>
    %dma_wait3A_374 = tpu.memref_squeeze %dma_wait3A_373 : memref<1x64xi32, #tpu.memory_space<vmem>> -> memref<64xi32, #tpu.memory_space<vmem>>
    %dma_wait3A_375 = arith.constant 0 : i32
    %dma_wait3A_376 = arith.constant 0 : i32
    %dma_wait3A_377 = tpu.memref_slice %arg6[%dma_wait3A_375, %dma_wait3A_376] : memref<100000x128xf32, #tpu.memory_space<hbm>> -> memref<100000x128xf32, #tpu.memory_space<hbm>>
    tpu.wait_indirect_dma semaphore(%arg26 : memref<!tpu.dma_semaphore, #tpu.memory_space<semaphore_mem>>) src(%dma_wait3A_377 : memref<100000x128xf32, #tpu.memory_space<hbm>>) dst(%arg22 : memref<64x128xf32, #tpu.memory_space<vmem>>)
    %add3A_378 = arith.constant 320 : i32
    %add3A_379 = arith.addi %mul3A_2, %add3A_378 : i32
    "tpu.region"() ({
      %run_scoped3A_468 = tpu.sem_alloc : memref<!tpu.dma_semaphore, #tpu.memory_space<semaphore_mem>>
      %dma_start3A_469 = arith.constant 0 : i32
      %dma_start3A_470 = tpu.memref_slice %arg7[%add3A_379, %dma_start3A_469] : memref<16384x128xf32, #tpu.memory_space<hbm>> -> memref<64x128xf32, #tpu.memory_space<hbm>>
      %dma_start3A_471 = arith.constant 0 : i32
      %dma_start3A_472 = tpu.memref_slice %arg7[%add3A_379, %dma_start3A_471] : memref<16384x128xf32, #tpu.memory_space<hbm>> -> memref<64x128xf32, #tpu.memory_space<hbm>>
      tpu.enqueue_dma source(%arg19 : memref<64x128xf32, #tpu.memory_space<vmem>>) target(%dma_start3A_472 : memref<64x128xf32, #tpu.memory_space<hbm>>) target_semaphore(%run_scoped3A_468 : memref<!tpu.dma_semaphore, #tpu.memory_space<semaphore_mem>>)
      %dma_wait3A_473 = arith.constant 0 : i32
      %dma_wait3A_474 = tpu.memref_slice %arg7[%add3A_379, %dma_wait3A_473] : memref<16384x128xf32, #tpu.memory_space<hbm>> -> memref<64x128xf32, #tpu.memory_space<hbm>>
      %dma_wait3A_475 = arith.constant 0 : i32
      %dma_wait3A_476 = tpu.memref_slice %arg7[%add3A_379, %dma_wait3A_475] : memref<16384x128xf32, #tpu.memory_space<hbm>> -> memref<64x128xf32, #tpu.memory_space<hbm>>
      tpu.wait_dma2 semaphore(%run_scoped3A_468 : memref<!tpu.dma_semaphore, #tpu.memory_space<semaphore_mem>>) src(%arg19 : memref<64x128xf32, #tpu.memory_space<vmem>>) dst(%dma_wait3A_476 : memref<64x128xf32, #tpu.memory_space<hbm>>)
      tpu.yield
    }) : () -> ()
    "tpu.region"() ({
      %run_scoped3A_468 = tpu.sem_alloc : memref<!tpu.dma_semaphore, #tpu.memory_space<semaphore_mem>>
      %dma_start3A_469 = arith.constant 0 : i32
      %dma_start3A_470 = tpu.memref_slice %arg8[%add3A_379, %dma_start3A_469] : memref<16384x128xf32, #tpu.memory_space<hbm>> -> memref<64x128xf32, #tpu.memory_space<hbm>>
      %dma_start3A_471 = arith.constant 0 : i32
      %dma_start3A_472 = tpu.memref_slice %arg8[%add3A_379, %dma_start3A_471] : memref<16384x128xf32, #tpu.memory_space<hbm>> -> memref<64x128xf32, #tpu.memory_space<hbm>>
      tpu.enqueue_dma source(%arg20 : memref<64x128xf32, #tpu.memory_space<vmem>>) target(%dma_start3A_472 : memref<64x128xf32, #tpu.memory_space<hbm>>) target_semaphore(%run_scoped3A_468 : memref<!tpu.dma_semaphore, #tpu.memory_space<semaphore_mem>>)
      %dma_wait3A_473 = arith.constant 0 : i32
      %dma_wait3A_474 = tpu.memref_slice %arg8[%add3A_379, %dma_wait3A_473] : memref<16384x128xf32, #tpu.memory_space<hbm>> -> memref<64x128xf32, #tpu.memory_space<hbm>>
      %dma_wait3A_475 = arith.constant 0 : i32
      %dma_wait3A_476 = tpu.memref_slice %arg8[%add3A_379, %dma_wait3A_475] : memref<16384x128xf32, #tpu.memory_space<hbm>> -> memref<64x128xf32, #tpu.memory_space<hbm>>
      tpu.wait_dma2 semaphore(%run_scoped3A_468 : memref<!tpu.dma_semaphore, #tpu.memory_space<semaphore_mem>>) src(%arg20 : memref<64x128xf32, #tpu.memory_space<vmem>>) dst(%dma_wait3A_476 : memref<64x128xf32, #tpu.memory_space<hbm>>)
      tpu.yield
    }) : () -> ()
    "tpu.region"() ({
      %run_scoped3A_468 = tpu.sem_alloc : memref<!tpu.dma_semaphore, #tpu.memory_space<semaphore_mem>>
      %dma_start3A_469 = arith.constant 0 : i32
      %dma_start3A_470 = tpu.memref_slice %arg9[%add3A_379, %dma_start3A_469] : memref<16384x128xf32, #tpu.memory_space<hbm>> -> memref<64x128xf32, #tpu.memory_space<hbm>>
      %dma_start3A_471 = arith.constant 0 : i32
      %dma_start3A_472 = tpu.memref_slice %arg9[%add3A_379, %dma_start3A_471] : memref<16384x128xf32, #tpu.memory_space<hbm>> -> memref<64x128xf32, #tpu.memory_space<hbm>>
      tpu.enqueue_dma source(%arg21 : memref<64x128xf32, #tpu.memory_space<vmem>>) target(%dma_start3A_472 : memref<64x128xf32, #tpu.memory_space<hbm>>) target_semaphore(%run_scoped3A_468 : memref<!tpu.dma_semaphore, #tpu.memory_space<semaphore_mem>>)
      %dma_wait3A_473 = arith.constant 0 : i32
      %dma_wait3A_474 = tpu.memref_slice %arg9[%add3A_379, %dma_wait3A_473] : memref<16384x128xf32, #tpu.memory_space<hbm>> -> memref<64x128xf32, #tpu.memory_space<hbm>>
      %dma_wait3A_475 = arith.constant 0 : i32
      %dma_wait3A_476 = tpu.memref_slice %arg9[%add3A_379, %dma_wait3A_475] : memref<16384x128xf32, #tpu.memory_space<hbm>> -> memref<64x128xf32, #tpu.memory_space<hbm>>
      tpu.wait_dma2 semaphore(%run_scoped3A_468 : memref<!tpu.dma_semaphore, #tpu.memory_space<semaphore_mem>>) src(%arg21 : memref<64x128xf32, #tpu.memory_space<vmem>>) dst(%dma_wait3A_476 : memref<64x128xf32, #tpu.memory_space<hbm>>)
      tpu.yield
    }) : () -> ()
    "tpu.region"() ({
      %run_scoped3A_468 = tpu.sem_alloc : memref<!tpu.dma_semaphore, #tpu.memory_space<semaphore_mem>>
      %dma_start3A_469 = arith.constant 0 : i32
      %dma_start3A_470 = tpu.memref_slice %arg10[%add3A_379, %dma_start3A_469] : memref<16384x128xf32, #tpu.memory_space<hbm>> -> memref<64x128xf32, #tpu.memory_space<hbm>>
      %dma_start3A_471 = arith.constant 0 : i32
      %dma_start3A_472 = tpu.memref_slice %arg10[%add3A_379, %dma_start3A_471] : memref<16384x128xf32, #tpu.memory_space<hbm>> -> memref<64x128xf32, #tpu.memory_space<hbm>>
      tpu.enqueue_dma source(%arg22 : memref<64x128xf32, #tpu.memory_space<vmem>>) target(%dma_start3A_472 : memref<64x128xf32, #tpu.memory_space<hbm>>) target_semaphore(%run_scoped3A_468 : memref<!tpu.dma_semaphore, #tpu.memory_space<semaphore_mem>>)
      %dma_wait3A_473 = arith.constant 0 : i32
      %dma_wait3A_474 = tpu.memref_slice %arg10[%add3A_379, %dma_wait3A_473] : memref<16384x128xf32, #tpu.memory_space<hbm>> -> memref<64x128xf32, #tpu.memory_space<hbm>>
      %dma_wait3A_475 = arith.constant 0 : i32
      %dma_wait3A_476 = tpu.memref_slice %arg10[%add3A_379, %dma_wait3A_475] : memref<16384x128xf32, #tpu.memory_space<hbm>> -> memref<64x128xf32, #tpu.memory_space<hbm>>
      tpu.wait_dma2 semaphore(%run_scoped3A_468 : memref<!tpu.dma_semaphore, #tpu.memory_space<semaphore_mem>>) src(%arg22 : memref<64x128xf32, #tpu.memory_space<vmem>>) dst(%dma_wait3A_476 : memref<64x128xf32, #tpu.memory_space<hbm>>)
      tpu.yield
    }) : () -> ()
    %dma_start3A_380 = arith.constant 7 : i32
    %dma_start3A_381 = arith.constant 0 : i32
    %dma_start3A_382 = tpu.memref_slice %arg11[%dma_start3A_380, %dma_start3A_381] : memref<8x64xi32, #tpu.memory_space<vmem>> -> memref<1x64xi32, #tpu.memory_space<vmem>>
    %dma_start3A_383 = tpu.memref_squeeze %dma_start3A_382 : memref<1x64xi32, #tpu.memory_space<vmem>> -> memref<64xi32, #tpu.memory_space<vmem>>
    %dma_start3A_384 = arith.constant 0 : i32
    %dma_start3A_385 = arith.constant 0 : i32
    %dma_start3A_386 = tpu.memref_slice %arg3[%dma_start3A_384, %dma_start3A_385] : memref<100000x128xf32, #tpu.memory_space<hbm>> -> memref<100000x128xf32, #tpu.memory_space<hbm>>
    tpu.enqueue_indirect_dma source(%dma_start3A_386 : memref<100000x128xf32, #tpu.memory_space<hbm>>) target(%arg19 : memref<64x128xf32, #tpu.memory_space<vmem>>) offsets(%dma_start3A_383 : memref<64xi32, #tpu.memory_space<vmem>>) semaphore(%arg23 : memref<!tpu.dma_semaphore, #tpu.memory_space<semaphore_mem>>)
    %dma_start3A_387 = arith.constant 7 : i32
    %dma_start3A_388 = arith.constant 0 : i32
    %dma_start3A_389 = tpu.memref_slice %arg12[%dma_start3A_387, %dma_start3A_388] : memref<8x64xi32, #tpu.memory_space<vmem>> -> memref<1x64xi32, #tpu.memory_space<vmem>>
    %dma_start3A_390 = tpu.memref_squeeze %dma_start3A_389 : memref<1x64xi32, #tpu.memory_space<vmem>> -> memref<64xi32, #tpu.memory_space<vmem>>
    %dma_start3A_391 = arith.constant 0 : i32
    %dma_start3A_392 = arith.constant 0 : i32
    %dma_start3A_393 = tpu.memref_slice %arg4[%dma_start3A_391, %dma_start3A_392] : memref<100000x128xf32, #tpu.memory_space<hbm>> -> memref<100000x128xf32, #tpu.memory_space<hbm>>
    tpu.enqueue_indirect_dma source(%dma_start3A_393 : memref<100000x128xf32, #tpu.memory_space<hbm>>) target(%arg20 : memref<64x128xf32, #tpu.memory_space<vmem>>) offsets(%dma_start3A_390 : memref<64xi32, #tpu.memory_space<vmem>>) semaphore(%arg24 : memref<!tpu.dma_semaphore, #tpu.memory_space<semaphore_mem>>)
    %dma_start3A_394 = arith.constant 7 : i32
    %dma_start3A_395 = arith.constant 0 : i32
    %dma_start3A_396 = tpu.memref_slice %arg13[%dma_start3A_394, %dma_start3A_395] : memref<8x64xi32, #tpu.memory_space<vmem>> -> memref<1x64xi32, #tpu.memory_space<vmem>>
    %dma_start3A_397 = tpu.memref_squeeze %dma_start3A_396 : memref<1x64xi32, #tpu.memory_space<vmem>> -> memref<64xi32, #tpu.memory_space<vmem>>
    %dma_start3A_398 = arith.constant 0 : i32
    %dma_start3A_399 = arith.constant 0 : i32
    %dma_start3A_400 = tpu.memref_slice %arg5[%dma_start3A_398, %dma_start3A_399] : memref<100000x128xf32, #tpu.memory_space<hbm>> -> memref<100000x128xf32, #tpu.memory_space<hbm>>
    tpu.enqueue_indirect_dma source(%dma_start3A_400 : memref<100000x128xf32, #tpu.memory_space<hbm>>) target(%arg21 : memref<64x128xf32, #tpu.memory_space<vmem>>) offsets(%dma_start3A_397 : memref<64xi32, #tpu.memory_space<vmem>>) semaphore(%arg25 : memref<!tpu.dma_semaphore, #tpu.memory_space<semaphore_mem>>)
    %dma_start3A_401 = arith.constant 7 : i32
    %dma_start3A_402 = arith.constant 0 : i32
    %dma_start3A_403 = tpu.memref_slice %arg14[%dma_start3A_401, %dma_start3A_402] : memref<8x64xi32, #tpu.memory_space<vmem>> -> memref<1x64xi32, #tpu.memory_space<vmem>>
    %dma_start3A_404 = tpu.memref_squeeze %dma_start3A_403 : memref<1x64xi32, #tpu.memory_space<vmem>> -> memref<64xi32, #tpu.memory_space<vmem>>
    %dma_start3A_405 = arith.constant 0 : i32
    %dma_start3A_406 = arith.constant 0 : i32
    %dma_start3A_407 = tpu.memref_slice %arg6[%dma_start3A_405, %dma_start3A_406] : memref<100000x128xf32, #tpu.memory_space<hbm>> -> memref<100000x128xf32, #tpu.memory_space<hbm>>
    tpu.enqueue_indirect_dma source(%dma_start3A_407 : memref<100000x128xf32, #tpu.memory_space<hbm>>) target(%arg22 : memref<64x128xf32, #tpu.memory_space<vmem>>) offsets(%dma_start3A_404 : memref<64xi32, #tpu.memory_space<vmem>>) semaphore(%arg26 : memref<!tpu.dma_semaphore, #tpu.memory_space<semaphore_mem>>)
    %dma_wait3A_408 = arith.constant 6 : i32
    %dma_wait3A_409 = arith.constant 0 : i32
    %dma_wait3A_410 = tpu.memref_slice %arg11[%dma_wait3A_408, %dma_wait3A_409] : memref<8x64xi32, #tpu.memory_space<vmem>> -> memref<1x64xi32, #tpu.memory_space<vmem>>
    %dma_wait3A_411 = tpu.memref_squeeze %dma_wait3A_410 : memref<1x64xi32, #tpu.memory_space<vmem>> -> memref<64xi32, #tpu.memory_space<vmem>>
    %dma_wait3A_412 = arith.constant 0 : i32
    %dma_wait3A_413 = arith.constant 0 : i32
    %dma_wait3A_414 = tpu.memref_slice %arg3[%dma_wait3A_412, %dma_wait3A_413] : memref<100000x128xf32, #tpu.memory_space<hbm>> -> memref<100000x128xf32, #tpu.memory_space<hbm>>
    tpu.wait_indirect_dma semaphore(%arg23 : memref<!tpu.dma_semaphore, #tpu.memory_space<semaphore_mem>>) src(%dma_wait3A_414 : memref<100000x128xf32, #tpu.memory_space<hbm>>) dst(%arg15 : memref<64x128xf32, #tpu.memory_space<vmem>>)
    %dma_wait3A_415 = arith.constant 6 : i32
    %dma_wait3A_416 = arith.constant 0 : i32
    %dma_wait3A_417 = tpu.memref_slice %arg12[%dma_wait3A_415, %dma_wait3A_416] : memref<8x64xi32, #tpu.memory_space<vmem>> -> memref<1x64xi32, #tpu.memory_space<vmem>>
    %dma_wait3A_418 = tpu.memref_squeeze %dma_wait3A_417 : memref<1x64xi32, #tpu.memory_space<vmem>> -> memref<64xi32, #tpu.memory_space<vmem>>
    %dma_wait3A_419 = arith.constant 0 : i32
    %dma_wait3A_420 = arith.constant 0 : i32
    %dma_wait3A_421 = tpu.memref_slice %arg4[%dma_wait3A_419, %dma_wait3A_420] : memref<100000x128xf32, #tpu.memory_space<hbm>> -> memref<100000x128xf32, #tpu.memory_space<hbm>>
    tpu.wait_indirect_dma semaphore(%arg24 : memref<!tpu.dma_semaphore, #tpu.memory_space<semaphore_mem>>) src(%dma_wait3A_421 : memref<100000x128xf32, #tpu.memory_space<hbm>>) dst(%arg16 : memref<64x128xf32, #tpu.memory_space<vmem>>)
    %dma_wait3A_422 = arith.constant 6 : i32
    %dma_wait3A_423 = arith.constant 0 : i32
    %dma_wait3A_424 = tpu.memref_slice %arg13[%dma_wait3A_422, %dma_wait3A_423] : memref<8x64xi32, #tpu.memory_space<vmem>> -> memref<1x64xi32, #tpu.memory_space<vmem>>
    %dma_wait3A_425 = tpu.memref_squeeze %dma_wait3A_424 : memref<1x64xi32, #tpu.memory_space<vmem>> -> memref<64xi32, #tpu.memory_space<vmem>>
    %dma_wait3A_426 = arith.constant 0 : i32
    %dma_wait3A_427 = arith.constant 0 : i32
    %dma_wait3A_428 = tpu.memref_slice %arg5[%dma_wait3A_426, %dma_wait3A_427] : memref<100000x128xf32, #tpu.memory_space<hbm>> -> memref<100000x128xf32, #tpu.memory_space<hbm>>
    tpu.wait_indirect_dma semaphore(%arg25 : memref<!tpu.dma_semaphore, #tpu.memory_space<semaphore_mem>>) src(%dma_wait3A_428 : memref<100000x128xf32, #tpu.memory_space<hbm>>) dst(%arg17 : memref<64x128xf32, #tpu.memory_space<vmem>>)
    %dma_wait3A_429 = arith.constant 6 : i32
    %dma_wait3A_430 = arith.constant 0 : i32
    %dma_wait3A_431 = tpu.memref_slice %arg14[%dma_wait3A_429, %dma_wait3A_430] : memref<8x64xi32, #tpu.memory_space<vmem>> -> memref<1x64xi32, #tpu.memory_space<vmem>>
    %dma_wait3A_432 = tpu.memref_squeeze %dma_wait3A_431 : memref<1x64xi32, #tpu.memory_space<vmem>> -> memref<64xi32, #tpu.memory_space<vmem>>
    %dma_wait3A_433 = arith.constant 0 : i32
    %dma_wait3A_434 = arith.constant 0 : i32
    %dma_wait3A_435 = tpu.memref_slice %arg6[%dma_wait3A_433, %dma_wait3A_434] : memref<100000x128xf32, #tpu.memory_space<hbm>> -> memref<100000x128xf32, #tpu.memory_space<hbm>>
    tpu.wait_indirect_dma semaphore(%arg26 : memref<!tpu.dma_semaphore, #tpu.memory_space<semaphore_mem>>) src(%dma_wait3A_435 : memref<100000x128xf32, #tpu.memory_space<hbm>>) dst(%arg18 : memref<64x128xf32, #tpu.memory_space<vmem>>)
    %add3A_436 = arith.constant 384 : i32
    %add3A_437 = arith.addi %mul3A_2, %add3A_436 : i32
    "tpu.region"() ({
      %run_scoped3A_468 = tpu.sem_alloc : memref<!tpu.dma_semaphore, #tpu.memory_space<semaphore_mem>>
      %dma_start3A_469 = arith.constant 0 : i32
      %dma_start3A_470 = tpu.memref_slice %arg7[%add3A_437, %dma_start3A_469] : memref<16384x128xf32, #tpu.memory_space<hbm>> -> memref<64x128xf32, #tpu.memory_space<hbm>>
      %dma_start3A_471 = arith.constant 0 : i32
      %dma_start3A_472 = tpu.memref_slice %arg7[%add3A_437, %dma_start3A_471] : memref<16384x128xf32, #tpu.memory_space<hbm>> -> memref<64x128xf32, #tpu.memory_space<hbm>>
      tpu.enqueue_dma source(%arg15 : memref<64x128xf32, #tpu.memory_space<vmem>>) target(%dma_start3A_472 : memref<64x128xf32, #tpu.memory_space<hbm>>) target_semaphore(%run_scoped3A_468 : memref<!tpu.dma_semaphore, #tpu.memory_space<semaphore_mem>>)
      %dma_wait3A_473 = arith.constant 0 : i32
      %dma_wait3A_474 = tpu.memref_slice %arg7[%add3A_437, %dma_wait3A_473] : memref<16384x128xf32, #tpu.memory_space<hbm>> -> memref<64x128xf32, #tpu.memory_space<hbm>>
      %dma_wait3A_475 = arith.constant 0 : i32
      %dma_wait3A_476 = tpu.memref_slice %arg7[%add3A_437, %dma_wait3A_475] : memref<16384x128xf32, #tpu.memory_space<hbm>> -> memref<64x128xf32, #tpu.memory_space<hbm>>
      tpu.wait_dma2 semaphore(%run_scoped3A_468 : memref<!tpu.dma_semaphore, #tpu.memory_space<semaphore_mem>>) src(%arg15 : memref<64x128xf32, #tpu.memory_space<vmem>>) dst(%dma_wait3A_476 : memref<64x128xf32, #tpu.memory_space<hbm>>)
      tpu.yield
    }) : () -> ()
    "tpu.region"() ({
      %run_scoped3A_468 = tpu.sem_alloc : memref<!tpu.dma_semaphore, #tpu.memory_space<semaphore_mem>>
      %dma_start3A_469 = arith.constant 0 : i32
      %dma_start3A_470 = tpu.memref_slice %arg8[%add3A_437, %dma_start3A_469] : memref<16384x128xf32, #tpu.memory_space<hbm>> -> memref<64x128xf32, #tpu.memory_space<hbm>>
      %dma_start3A_471 = arith.constant 0 : i32
      %dma_start3A_472 = tpu.memref_slice %arg8[%add3A_437, %dma_start3A_471] : memref<16384x128xf32, #tpu.memory_space<hbm>> -> memref<64x128xf32, #tpu.memory_space<hbm>>
      tpu.enqueue_dma source(%arg16 : memref<64x128xf32, #tpu.memory_space<vmem>>) target(%dma_start3A_472 : memref<64x128xf32, #tpu.memory_space<hbm>>) target_semaphore(%run_scoped3A_468 : memref<!tpu.dma_semaphore, #tpu.memory_space<semaphore_mem>>)
      %dma_wait3A_473 = arith.constant 0 : i32
      %dma_wait3A_474 = tpu.memref_slice %arg8[%add3A_437, %dma_wait3A_473] : memref<16384x128xf32, #tpu.memory_space<hbm>> -> memref<64x128xf32, #tpu.memory_space<hbm>>
      %dma_wait3A_475 = arith.constant 0 : i32
      %dma_wait3A_476 = tpu.memref_slice %arg8[%add3A_437, %dma_wait3A_475] : memref<16384x128xf32, #tpu.memory_space<hbm>> -> memref<64x128xf32, #tpu.memory_space<hbm>>
      tpu.wait_dma2 semaphore(%run_scoped3A_468 : memref<!tpu.dma_semaphore, #tpu.memory_space<semaphore_mem>>) src(%arg16 : memref<64x128xf32, #tpu.memory_space<vmem>>) dst(%dma_wait3A_476 : memref<64x128xf32, #tpu.memory_space<hbm>>)
      tpu.yield
    }) : () -> ()
    "tpu.region"() ({
      %run_scoped3A_468 = tpu.sem_alloc : memref<!tpu.dma_semaphore, #tpu.memory_space<semaphore_mem>>
      %dma_start3A_469 = arith.constant 0 : i32
      %dma_start3A_470 = tpu.memref_slice %arg9[%add3A_437, %dma_start3A_469] : memref<16384x128xf32, #tpu.memory_space<hbm>> -> memref<64x128xf32, #tpu.memory_space<hbm>>
      %dma_start3A_471 = arith.constant 0 : i32
      %dma_start3A_472 = tpu.memref_slice %arg9[%add3A_437, %dma_start3A_471] : memref<16384x128xf32, #tpu.memory_space<hbm>> -> memref<64x128xf32, #tpu.memory_space<hbm>>
      tpu.enqueue_dma source(%arg17 : memref<64x128xf32, #tpu.memory_space<vmem>>) target(%dma_start3A_472 : memref<64x128xf32, #tpu.memory_space<hbm>>) target_semaphore(%run_scoped3A_468 : memref<!tpu.dma_semaphore, #tpu.memory_space<semaphore_mem>>)
      %dma_wait3A_473 = arith.constant 0 : i32
      %dma_wait3A_474 = tpu.memref_slice %arg9[%add3A_437, %dma_wait3A_473] : memref<16384x128xf32, #tpu.memory_space<hbm>> -> memref<64x128xf32, #tpu.memory_space<hbm>>
      %dma_wait3A_475 = arith.constant 0 : i32
      %dma_wait3A_476 = tpu.memref_slice %arg9[%add3A_437, %dma_wait3A_475] : memref<16384x128xf32, #tpu.memory_space<hbm>> -> memref<64x128xf32, #tpu.memory_space<hbm>>
      tpu.wait_dma2 semaphore(%run_scoped3A_468 : memref<!tpu.dma_semaphore, #tpu.memory_space<semaphore_mem>>) src(%arg17 : memref<64x128xf32, #tpu.memory_space<vmem>>) dst(%dma_wait3A_476 : memref<64x128xf32, #tpu.memory_space<hbm>>)
      tpu.yield
    }) : () -> ()
    "tpu.region"() ({
      %run_scoped3A_468 = tpu.sem_alloc : memref<!tpu.dma_semaphore, #tpu.memory_space<semaphore_mem>>
      %dma_start3A_469 = arith.constant 0 : i32
      %dma_start3A_470 = tpu.memref_slice %arg10[%add3A_437, %dma_start3A_469] : memref<16384x128xf32, #tpu.memory_space<hbm>> -> memref<64x128xf32, #tpu.memory_space<hbm>>
      %dma_start3A_471 = arith.constant 0 : i32
      %dma_start3A_472 = tpu.memref_slice %arg10[%add3A_437, %dma_start3A_471] : memref<16384x128xf32, #tpu.memory_space<hbm>> -> memref<64x128xf32, #tpu.memory_space<hbm>>
      tpu.enqueue_dma source(%arg18 : memref<64x128xf32, #tpu.memory_space<vmem>>) target(%dma_start3A_472 : memref<64x128xf32, #tpu.memory_space<hbm>>) target_semaphore(%run_scoped3A_468 : memref<!tpu.dma_semaphore, #tpu.memory_space<semaphore_mem>>)
      %dma_wait3A_473 = arith.constant 0 : i32
      %dma_wait3A_474 = tpu.memref_slice %arg10[%add3A_437, %dma_wait3A_473] : memref<16384x128xf32, #tpu.memory_space<hbm>> -> memref<64x128xf32, #tpu.memory_space<hbm>>
      %dma_wait3A_475 = arith.constant 0 : i32
      %dma_wait3A_476 = tpu.memref_slice %arg10[%add3A_437, %dma_wait3A_475] : memref<16384x128xf32, #tpu.memory_space<hbm>> -> memref<64x128xf32, #tpu.memory_space<hbm>>
      tpu.wait_dma2 semaphore(%run_scoped3A_468 : memref<!tpu.dma_semaphore, #tpu.memory_space<semaphore_mem>>) src(%arg18 : memref<64x128xf32, #tpu.memory_space<vmem>>) dst(%dma_wait3A_476 : memref<64x128xf32, #tpu.memory_space<hbm>>)
      tpu.yield
    }) : () -> ()
    %dma_wait3A_438 = arith.constant 7 : i32
    %dma_wait3A_439 = arith.constant 0 : i32
    %dma_wait3A_440 = tpu.memref_slice %arg11[%dma_wait3A_438, %dma_wait3A_439] : memref<8x64xi32, #tpu.memory_space<vmem>> -> memref<1x64xi32, #tpu.memory_space<vmem>>
    %dma_wait3A_441 = tpu.memref_squeeze %dma_wait3A_440 : memref<1x64xi32, #tpu.memory_space<vmem>> -> memref<64xi32, #tpu.memory_space<vmem>>
    %dma_wait3A_442 = arith.constant 0 : i32
    %dma_wait3A_443 = arith.constant 0 : i32
    %dma_wait3A_444 = tpu.memref_slice %arg3[%dma_wait3A_442, %dma_wait3A_443] : memref<100000x128xf32, #tpu.memory_space<hbm>> -> memref<100000x128xf32, #tpu.memory_space<hbm>>
    tpu.wait_indirect_dma semaphore(%arg23 : memref<!tpu.dma_semaphore, #tpu.memory_space<semaphore_mem>>) src(%dma_wait3A_444 : memref<100000x128xf32, #tpu.memory_space<hbm>>) dst(%arg19 : memref<64x128xf32, #tpu.memory_space<vmem>>)
    %dma_wait3A_445 = arith.constant 7 : i32
    %dma_wait3A_446 = arith.constant 0 : i32
    %dma_wait3A_447 = tpu.memref_slice %arg12[%dma_wait3A_445, %dma_wait3A_446] : memref<8x64xi32, #tpu.memory_space<vmem>> -> memref<1x64xi32, #tpu.memory_space<vmem>>
    %dma_wait3A_448 = tpu.memref_squeeze %dma_wait3A_447 : memref<1x64xi32, #tpu.memory_space<vmem>> -> memref<64xi32, #tpu.memory_space<vmem>>
    %dma_wait3A_449 = arith.constant 0 : i32
    %dma_wait3A_450 = arith.constant 0 : i32
    %dma_wait3A_451 = tpu.memref_slice %arg4[%dma_wait3A_449, %dma_wait3A_450] : memref<100000x128xf32, #tpu.memory_space<hbm>> -> memref<100000x128xf32, #tpu.memory_space<hbm>>
    tpu.wait_indirect_dma semaphore(%arg24 : memref<!tpu.dma_semaphore, #tpu.memory_space<semaphore_mem>>) src(%dma_wait3A_451 : memref<100000x128xf32, #tpu.memory_space<hbm>>) dst(%arg20 : memref<64x128xf32, #tpu.memory_space<vmem>>)
    %dma_wait3A_452 = arith.constant 7 : i32
    %dma_wait3A_453 = arith.constant 0 : i32
    %dma_wait3A_454 = tpu.memref_slice %arg13[%dma_wait3A_452, %dma_wait3A_453] : memref<8x64xi32, #tpu.memory_space<vmem>> -> memref<1x64xi32, #tpu.memory_space<vmem>>
    %dma_wait3A_455 = tpu.memref_squeeze %dma_wait3A_454 : memref<1x64xi32, #tpu.memory_space<vmem>> -> memref<64xi32, #tpu.memory_space<vmem>>
    %dma_wait3A_456 = arith.constant 0 : i32
    %dma_wait3A_457 = arith.constant 0 : i32
    %dma_wait3A_458 = tpu.memref_slice %arg5[%dma_wait3A_456, %dma_wait3A_457] : memref<100000x128xf32, #tpu.memory_space<hbm>> -> memref<100000x128xf32, #tpu.memory_space<hbm>>
    tpu.wait_indirect_dma semaphore(%arg25 : memref<!tpu.dma_semaphore, #tpu.memory_space<semaphore_mem>>) src(%dma_wait3A_458 : memref<100000x128xf32, #tpu.memory_space<hbm>>) dst(%arg21 : memref<64x128xf32, #tpu.memory_space<vmem>>)
    %dma_wait3A_459 = arith.constant 7 : i32
    %dma_wait3A_460 = arith.constant 0 : i32
    %dma_wait3A_461 = tpu.memref_slice %arg14[%dma_wait3A_459, %dma_wait3A_460] : memref<8x64xi32, #tpu.memory_space<vmem>> -> memref<1x64xi32, #tpu.memory_space<vmem>>
    %dma_wait3A_462 = tpu.memref_squeeze %dma_wait3A_461 : memref<1x64xi32, #tpu.memory_space<vmem>> -> memref<64xi32, #tpu.memory_space<vmem>>
    %dma_wait3A_463 = arith.constant 0 : i32
    %dma_wait3A_464 = arith.constant 0 : i32
    %dma_wait3A_465 = tpu.memref_slice %arg6[%dma_wait3A_463, %dma_wait3A_464] : memref<100000x128xf32, #tpu.memory_space<hbm>> -> memref<100000x128xf32, #tpu.memory_space<hbm>>
    tpu.wait_indirect_dma semaphore(%arg26 : memref<!tpu.dma_semaphore, #tpu.memory_space<semaphore_mem>>) src(%dma_wait3A_465 : memref<100000x128xf32, #tpu.memory_space<hbm>>) dst(%arg22 : memref<64x128xf32, #tpu.memory_space<vmem>>)
    %add3A_466 = arith.constant 448 : i32
    %add3A_467 = arith.addi %mul3A_2, %add3A_466 : i32
    "tpu.region"() ({
      %run_scoped3A_468 = tpu.sem_alloc : memref<!tpu.dma_semaphore, #tpu.memory_space<semaphore_mem>>
      %dma_start3A_469 = arith.constant 0 : i32
      %dma_start3A_470 = tpu.memref_slice %arg7[%add3A_467, %dma_start3A_469] : memref<16384x128xf32, #tpu.memory_space<hbm>> -> memref<64x128xf32, #tpu.memory_space<hbm>>
      %dma_start3A_471 = arith.constant 0 : i32
      %dma_start3A_472 = tpu.memref_slice %arg7[%add3A_467, %dma_start3A_471] : memref<16384x128xf32, #tpu.memory_space<hbm>> -> memref<64x128xf32, #tpu.memory_space<hbm>>
      tpu.enqueue_dma source(%arg19 : memref<64x128xf32, #tpu.memory_space<vmem>>) target(%dma_start3A_472 : memref<64x128xf32, #tpu.memory_space<hbm>>) target_semaphore(%run_scoped3A_468 : memref<!tpu.dma_semaphore, #tpu.memory_space<semaphore_mem>>)
      %dma_wait3A_473 = arith.constant 0 : i32
      %dma_wait3A_474 = tpu.memref_slice %arg7[%add3A_467, %dma_wait3A_473] : memref<16384x128xf32, #tpu.memory_space<hbm>> -> memref<64x128xf32, #tpu.memory_space<hbm>>
      %dma_wait3A_475 = arith.constant 0 : i32
      %dma_wait3A_476 = tpu.memref_slice %arg7[%add3A_467, %dma_wait3A_475] : memref<16384x128xf32, #tpu.memory_space<hbm>> -> memref<64x128xf32, #tpu.memory_space<hbm>>
      tpu.wait_dma2 semaphore(%run_scoped3A_468 : memref<!tpu.dma_semaphore, #tpu.memory_space<semaphore_mem>>) src(%arg19 : memref<64x128xf32, #tpu.memory_space<vmem>>) dst(%dma_wait3A_476 : memref<64x128xf32, #tpu.memory_space<hbm>>)
      tpu.yield
    }) : () -> ()
    "tpu.region"() ({
      %run_scoped3A_468 = tpu.sem_alloc : memref<!tpu.dma_semaphore, #tpu.memory_space<semaphore_mem>>
      %dma_start3A_469 = arith.constant 0 : i32
      %dma_start3A_470 = tpu.memref_slice %arg8[%add3A_467, %dma_start3A_469] : memref<16384x128xf32, #tpu.memory_space<hbm>> -> memref<64x128xf32, #tpu.memory_space<hbm>>
      %dma_start3A_471 = arith.constant 0 : i32
      %dma_start3A_472 = tpu.memref_slice %arg8[%add3A_467, %dma_start3A_471] : memref<16384x128xf32, #tpu.memory_space<hbm>> -> memref<64x128xf32, #tpu.memory_space<hbm>>
      tpu.enqueue_dma source(%arg20 : memref<64x128xf32, #tpu.memory_space<vmem>>) target(%dma_start3A_472 : memref<64x128xf32, #tpu.memory_space<hbm>>) target_semaphore(%run_scoped3A_468 : memref<!tpu.dma_semaphore, #tpu.memory_space<semaphore_mem>>)
      %dma_wait3A_473 = arith.constant 0 : i32
      %dma_wait3A_474 = tpu.memref_slice %arg8[%add3A_467, %dma_wait3A_473] : memref<16384x128xf32, #tpu.memory_space<hbm>> -> memref<64x128xf32, #tpu.memory_space<hbm>>
      %dma_wait3A_475 = arith.constant 0 : i32
      %dma_wait3A_476 = tpu.memref_slice %arg8[%add3A_467, %dma_wait3A_475] : memref<16384x128xf32, #tpu.memory_space<hbm>> -> memref<64x128xf32, #tpu.memory_space<hbm>>
      tpu.wait_dma2 semaphore(%run_scoped3A_468 : memref<!tpu.dma_semaphore, #tpu.memory_space<semaphore_mem>>) src(%arg20 : memref<64x128xf32, #tpu.memory_space<vmem>>) dst(%dma_wait3A_476 : memref<64x128xf32, #tpu.memory_space<hbm>>)
      tpu.yield
    }) : () -> ()
    "tpu.region"() ({
      %run_scoped3A_468 = tpu.sem_alloc : memref<!tpu.dma_semaphore, #tpu.memory_space<semaphore_mem>>
      %dma_start3A_469 = arith.constant 0 : i32
      %dma_start3A_470 = tpu.memref_slice %arg9[%add3A_467, %dma_start3A_469] : memref<16384x128xf32, #tpu.memory_space<hbm>> -> memref<64x128xf32, #tpu.memory_space<hbm>>
      %dma_start3A_471 = arith.constant 0 : i32
      %dma_start3A_472 = tpu.memref_slice %arg9[%add3A_467, %dma_start3A_471] : memref<16384x128xf32, #tpu.memory_space<hbm>> -> memref<64x128xf32, #tpu.memory_space<hbm>>
      tpu.enqueue_dma source(%arg21 : memref<64x128xf32, #tpu.memory_space<vmem>>) target(%dma_start3A_472 : memref<64x128xf32, #tpu.memory_space<hbm>>) target_semaphore(%run_scoped3A_468 : memref<!tpu.dma_semaphore, #tpu.memory_space<semaphore_mem>>)
      %dma_wait3A_473 = arith.constant 0 : i32
      %dma_wait3A_474 = tpu.memref_slice %arg9[%add3A_467, %dma_wait3A_473] : memref<16384x128xf32, #tpu.memory_space<hbm>> -> memref<64x128xf32, #tpu.memory_space<hbm>>
      %dma_wait3A_475 = arith.constant 0 : i32
      %dma_wait3A_476 = tpu.memref_slice %arg9[%add3A_467, %dma_wait3A_475] : memref<16384x128xf32, #tpu.memory_space<hbm>> -> memref<64x128xf32, #tpu.memory_space<hbm>>
      tpu.wait_dma2 semaphore(%run_scoped3A_468 : memref<!tpu.dma_semaphore, #tpu.memory_space<semaphore_mem>>) src(%arg21 : memref<64x128xf32, #tpu.memory_space<vmem>>) dst(%dma_wait3A_476 : memref<64x128xf32, #tpu.memory_space<hbm>>)
      tpu.yield
    }) : () -> ()
    "tpu.region"() ({
      %run_scoped3A_468 = tpu.sem_alloc : memref<!tpu.dma_semaphore, #tpu.memory_space<semaphore_mem>>
      %dma_start3A_469 = arith.constant 0 : i32
      %dma_start3A_470 = tpu.memref_slice %arg10[%add3A_467, %dma_start3A_469] : memref<16384x128xf32, #tpu.memory_space<hbm>> -> memref<64x128xf32, #tpu.memory_space<hbm>>
      %dma_start3A_471 = arith.constant 0 : i32
      %dma_start3A_472 = tpu.memref_slice %arg10[%add3A_467, %dma_start3A_471] : memref<16384x128xf32, #tpu.memory_space<hbm>> -> memref<64x128xf32, #tpu.memory_space<hbm>>
      tpu.enqueue_dma source(%arg22 : memref<64x128xf32, #tpu.memory_space<vmem>>) target(%dma_start3A_472 : memref<64x128xf32, #tpu.memory_space<hbm>>) target_semaphore(%run_scoped3A_468 : memref<!tpu.dma_semaphore, #tpu.memory_space<semaphore_mem>>)
      %dma_wait3A_473 = arith.constant 0 : i32
      %dma_wait3A_474 = tpu.memref_slice %arg10[%add3A_467, %dma_wait3A_473] : memref<16384x128xf32, #tpu.memory_space<hbm>> -> memref<64x128xf32, #tpu.memory_space<hbm>>
      %dma_wait3A_475 = arith.constant 0 : i32
      %dma_wait3A_476 = tpu.memref_slice %arg10[%add3A_467, %dma_wait3A_475] : memref<16384x128xf32, #tpu.memory_space<hbm>> -> memref<64x128xf32, #tpu.memory_space<hbm>>
      tpu.wait_dma2 semaphore(%run_scoped3A_468 : memref<!tpu.dma_semaphore, #tpu.memory_space<semaphore_mem>>) src(%arg22 : memref<64x128xf32, #tpu.memory_space<vmem>>) dst(%dma_wait3A_476 : memref<64x128xf32, #tpu.memory_space<hbm>>)
      tpu.yield
    }) : () -> ()
    return
  }
}

module attributes {stable_mosaic.version = 14 : i64} {
  func.func @_mlp_body(%arg0: i32, %arg1: memref<4096x1xf32, #tpu.memory_space<vmem>>, %arg2: memref<4096x128xf32, #tpu.memory_space<vmem>>, %arg3: memref<4096x128xf32, #tpu.memory_space<vmem>>, %arg4: memref<4096x128xf32, #tpu.memory_space<vmem>>, %arg5: memref<4096x128xf32, #tpu.memory_space<vmem>>, %arg6: memref<1x8xf32, #tpu.memory_space<vmem>>, %arg7: memref<8xf32, #tpu.memory_space<vmem>>, %arg8: memref<8x8xf32, #tpu.memory_space<vmem>>, %arg9: memref<8xf32, #tpu.memory_space<vmem>>, %arg10: memref<72x64xf32, #tpu.memory_space<vmem>>, %arg11: memref<64xf32, #tpu.memory_space<vmem>>, %arg12: memref<192x128xf32, #tpu.memory_space<vmem>>, %arg13: memref<128xf32, #tpu.memory_space<vmem>>, %arg14: memref<128x64xf32, #tpu.memory_space<vmem>>, %arg15: memref<64xf32, #tpu.memory_space<vmem>>, %arg16: memref<64x1xf32, #tpu.memory_space<vmem>>, %arg17: memref<1xf32, #tpu.memory_space<vmem>>, %arg18: memref<64x1xf32, #tpu.memory_space<vmem>>, %arg19: memref<1xf32, #tpu.memory_space<vmem>>, %arg20: memref<4096x1xf32, #tpu.memory_space<vmem>>, %arg21: memref<4096x1xf32, #tpu.memory_space<vmem>>) attributes {dimension_semantics = [#tpu.dimension_semantics<arbitrary>], iteration_bounds = array<i64: 4>, scalar_prefetch = 0 : i64, scratch_operands = 0 : i64, tpu.core_type = #tpu.core_type<tc>, window_params = [{transform_indices = @transform_0, window_bounds = array<i64: 4096, 1>}, {transform_indices = @transform_1, window_bounds = array<i64: 4096, 128>}, {transform_indices = @transform_2, window_bounds = array<i64: 4096, 128>}, {transform_indices = @transform_3, window_bounds = array<i64: 4096, 128>}, {transform_indices = @transform_4, window_bounds = array<i64: 4096, 128>}, {pipeline_mode = #tpu.pipeline_mode<synchronous>, transform_indices = @transform_5, window_bounds = array<i64: 1, 8>}, {pipeline_mode = #tpu.pipeline_mode<synchronous>, transform_indices = @transform_6, window_bounds = array<i64: 8>}, {pipeline_mode = #tpu.pipeline_mode<synchronous>, transform_indices = @transform_7, window_bounds = array<i64: 8, 8>}, {pipeline_mode = #tpu.pipeline_mode<synchronous>, transform_indices = @transform_8, window_bounds = array<i64: 8>}, {pipeline_mode = #tpu.pipeline_mode<synchronous>, transform_indices = @transform_9, window_bounds = array<i64: 72, 64>}, {pipeline_mode = #tpu.pipeline_mode<synchronous>, transform_indices = @transform_10, window_bounds = array<i64: 64>}, {pipeline_mode = #tpu.pipeline_mode<synchronous>, transform_indices = @transform_11, window_bounds = array<i64: 192, 128>}, {pipeline_mode = #tpu.pipeline_mode<synchronous>, transform_indices = @transform_12, window_bounds = array<i64: 128>}, {pipeline_mode = #tpu.pipeline_mode<synchronous>, transform_indices = @transform_13, window_bounds = array<i64: 128, 64>}, {pipeline_mode = #tpu.pipeline_mode<synchronous>, transform_indices = @transform_14, window_bounds = array<i64: 64>}, {pipeline_mode = #tpu.pipeline_mode<synchronous>, transform_indices = @transform_15, window_bounds = array<i64: 64, 1>}, {pipeline_mode = #tpu.pipeline_mode<synchronous>, transform_indices = @transform_16, window_bounds = array<i64: 1>}, {pipeline_mode = #tpu.pipeline_mode<synchronous>, transform_indices = @transform_17, window_bounds = array<i64: 64, 1>}, {pipeline_mode = #tpu.pipeline_mode<synchronous>, transform_indices = @transform_18, window_bounds = array<i64: 1>}, {transform_indices = @transform_19, window_bounds = array<i64: 4096, 1>}, {transform_indices = @transform_20, window_bounds = array<i64: 4096, 1>}]} {
    %get3A = arith.constant 0 : index
    %get3A_0 = arith.constant 0 : index
    %get3A_1 = vector.load %arg2[%get3A, %get3A_0] : memref<4096x128xf32, #tpu.memory_space<vmem>>, vector<4096x64xf32>
    %get3A_2 = arith.constant 0 : index
    %get3A_3 = arith.constant 64 : index
    %get3A_4 = vector.load %arg3[%get3A_2, %get3A_3] : memref<4096x128xf32, #tpu.memory_space<vmem>>, vector<4096x64xf32>
    %get3A_5 = arith.constant 0 : index
    %get3A_6 = arith.constant 0 : index
    %get3A_7 = vector.load %arg4[%get3A_5, %get3A_6] : memref<4096x128xf32, #tpu.memory_space<vmem>>, vector<4096x32xf32>
    %get3A_8 = arith.constant 0 : index
    %get3A_9 = arith.constant 32 : index
    %get3A_10 = vector.load %arg5[%get3A_8, %get3A_9] : memref<4096x128xf32, #tpu.memory_space<vmem>>, vector<4096x32xf32>
    %get3A_11 = arith.constant 0 : index
    %get3A_12 = arith.constant 0 : index
    %get3A_13 = vector.load %arg1[%get3A_11, %get3A_12] : memref<4096x1xf32, #tpu.memory_space<vmem>>, vector<4096x1xf32>
    %get3A_14 = arith.constant 0 : index
    %get3A_15 = arith.constant 0 : index
    %get3A_16 = vector.load %arg6[%get3A_14, %get3A_15] : memref<1x8xf32, #tpu.memory_space<vmem>>, vector<1x8xf32>
    %mul3A = vector.broadcast %get3A_13 : vector<4096x1xf32> to vector<4096x8xf32>
    %mul3A_17 = vector.broadcast %get3A_16 : vector<1x8xf32> to vector<4096x8xf32>
    %mul3A_18 = arith.mulf %mul3A, %mul3A_17 : vector<4096x8xf32>
    %get3A_19 = arith.constant 0 : index
    %get3A_20 = vector.load %arg7[%get3A_19] : memref<8xf32, #tpu.memory_space<vmem>>, vector<8xf32>
    %reshape3A = vector.shape_cast %get3A_20 : vector<8xf32> to vector<1x8xf32>
    %add3A = vector.broadcast %reshape3A : vector<1x8xf32> to vector<4096x8xf32>
    %add3A_21 = arith.addf %mul3A_18, %add3A : vector<4096x8xf32>
    %max3A = arith.constant 0.000000e+00 : f32
    %max3A_22 = vector.broadcast %max3A : f32 to vector<4096x8xf32>
    %max3A_23 = arith.maximumf %add3A_21, %max3A_22 : vector<4096x8xf32>
    %get3A_24 = arith.constant 0 : index
    %get3A_25 = arith.constant 0 : index
    %get3A_26 = vector.load %arg8[%get3A_24, %get3A_25] : memref<8x8xf32, #tpu.memory_space<vmem>>, vector<8x8xf32>
    %dot_general3A = arith.constant dense<0.000000e+00> : vector<4096x8xf32>
    %dot_general3A_27 = tpu.matmul %max3A_23, %get3A_26, %dot_general3A {dimension_numbers = #tpu.dot_dimension_numbers<[1], [0], [0], [1], [0, 0, 1, 1], [], []>, transpose_lhs_hint = false} : vector<4096x8xf32>, vector<8x8xf32>, vector<4096x8xf32> -> vector<4096x8xf32>
    %get3A_28 = arith.constant 0 : index
    %get3A_29 = vector.load %arg9[%get3A_28] : memref<8xf32, #tpu.memory_space<vmem>>, vector<8xf32>
    %reshape3A_30 = vector.shape_cast %get3A_29 : vector<8xf32> to vector<1x8xf32>
    %add3A_31 = vector.broadcast %reshape3A_30 : vector<1x8xf32> to vector<4096x8xf32>
    %add3A_32 = arith.addf %dot_general3A_27, %add3A_31 : vector<4096x8xf32>
    %max3A_33 = arith.constant 0.000000e+00 : f32
    %max3A_34 = vector.broadcast %max3A_33 : f32 to vector<4096x8xf32>
    %max3A_35 = arith.maximumf %add3A_32, %max3A_34 : vector<4096x8xf32>
    %concatenate3A = tpu.concatenate %max3A_35, %get3A_7, %get3A_10 in 1 : vector<4096x8xf32>, vector<4096x32xf32>, vector<4096x32xf32> -> vector<4096x72xf32>
    %get3A_36 = arith.constant 0 : index
    %get3A_37 = arith.constant 0 : index
    %get3A_38 = vector.load %arg10[%get3A_36, %get3A_37] : memref<72x64xf32, #tpu.memory_space<vmem>>, vector<72x64xf32>
    %dot_general3A_39 = arith.constant dense<0.000000e+00> : vector<4096x64xf32>
    %dot_general3A_40 = tpu.matmul %concatenate3A, %get3A_38, %dot_general3A_39 {dimension_numbers = #tpu.dot_dimension_numbers<[1], [0], [0], [1], [0, 0, 1, 1], [], []>, transpose_lhs_hint = false} : vector<4096x72xf32>, vector<72x64xf32>, vector<4096x64xf32> -> vector<4096x64xf32>
    %get3A_41 = arith.constant 0 : index
    %get3A_42 = vector.load %arg11[%get3A_41] : memref<64xf32, #tpu.memory_space<vmem>>, vector<64xf32>
    %reshape3A_43 = vector.shape_cast %get3A_42 : vector<64xf32> to vector<1x64xf32>
    %add3A_44 = vector.broadcast %reshape3A_43 : vector<1x64xf32> to vector<4096x64xf32>
    %add3A_45 = arith.addf %dot_general3A_40, %add3A_44 : vector<4096x64xf32>
    %max3A_46 = arith.constant 0.000000e+00 : f32
    %max3A_47 = vector.broadcast %max3A_46 : f32 to vector<4096x64xf32>
    %max3A_48 = arith.maximumf %add3A_45, %max3A_47 : vector<4096x64xf32>
    %concatenate3A_49 = tpu.concatenate %get3A_1, %get3A_4, %max3A_48 in 1 : vector<4096x64xf32>, vector<4096x64xf32>, vector<4096x64xf32> -> vector<4096x192xf32>
    %get3A_50 = arith.constant 0 : index
    %get3A_51 = arith.constant 0 : index
    %get3A_52 = vector.load %arg12[%get3A_50, %get3A_51] : memref<192x128xf32, #tpu.memory_space<vmem>>, vector<192x128xf32>
    %dot_general3A_53 = arith.constant dense<0.000000e+00> : vector<4096x128xf32>
    %dot_general3A_54 = tpu.matmul %concatenate3A_49, %get3A_52, %dot_general3A_53 {dimension_numbers = #tpu.dot_dimension_numbers<[1], [0], [0], [1], [0, 0, 1, 1], [], []>, transpose_lhs_hint = false} : vector<4096x192xf32>, vector<192x128xf32>, vector<4096x128xf32> -> vector<4096x128xf32>
    %get3A_55 = arith.constant 0 : index
    %get3A_56 = vector.load %arg13[%get3A_55] : memref<128xf32, #tpu.memory_space<vmem>>, vector<128xf32>
    %reshape3A_57 = vector.shape_cast %get3A_56 : vector<128xf32> to vector<1x128xf32>
    %add3A_58 = vector.broadcast %reshape3A_57 : vector<1x128xf32> to vector<4096x128xf32>
    %add3A_59 = arith.addf %dot_general3A_54, %add3A_58 : vector<4096x128xf32>
    %max3A_60 = arith.constant 0.000000e+00 : f32
    %max3A_61 = vector.broadcast %max3A_60 : f32 to vector<4096x128xf32>
    %max3A_62 = arith.maximumf %add3A_59, %max3A_61 : vector<4096x128xf32>
    %get3A_63 = arith.constant 0 : index
    %get3A_64 = arith.constant 0 : index
    %get3A_65 = vector.load %arg14[%get3A_63, %get3A_64] : memref<128x64xf32, #tpu.memory_space<vmem>>, vector<128x64xf32>
    %dot_general3A_66 = arith.constant dense<0.000000e+00> : vector<4096x64xf32>
    %dot_general3A_67 = tpu.matmul %max3A_62, %get3A_65, %dot_general3A_66 {dimension_numbers = #tpu.dot_dimension_numbers<[1], [0], [0], [1], [0, 0, 1, 1], [], []>, transpose_lhs_hint = false} : vector<4096x128xf32>, vector<128x64xf32>, vector<4096x64xf32> -> vector<4096x64xf32>
    %get3A_68 = arith.constant 0 : index
    %get3A_69 = vector.load %arg15[%get3A_68] : memref<64xf32, #tpu.memory_space<vmem>>, vector<64xf32>
    %reshape3A_70 = vector.shape_cast %get3A_69 : vector<64xf32> to vector<1x64xf32>
    %add3A_71 = vector.broadcast %reshape3A_70 : vector<1x64xf32> to vector<4096x64xf32>
    %add3A_72 = arith.addf %dot_general3A_67, %add3A_71 : vector<4096x64xf32>
    %max3A_73 = arith.constant 0.000000e+00 : f32
    %max3A_74 = vector.broadcast %max3A_73 : f32 to vector<4096x64xf32>
    %max3A_75 = arith.maximumf %add3A_72, %max3A_74 : vector<4096x64xf32>
    %get3A_76 = arith.constant 0 : index
    %get3A_77 = arith.constant 0 : index
    %get3A_78 = vector.load %arg16[%get3A_76, %get3A_77] : memref<64x1xf32, #tpu.memory_space<vmem>>, vector<64x1xf32>
    %dot_general3A_79 = arith.constant dense<0.000000e+00> : vector<4096x1xf32>
    %dot_general3A_80 = tpu.matmul %max3A_75, %get3A_78, %dot_general3A_79 {dimension_numbers = #tpu.dot_dimension_numbers<[1], [0], [0], [1], [0, 0, 1, 1], [], []>, transpose_lhs_hint = false} : vector<4096x64xf32>, vector<64x1xf32>, vector<4096x1xf32> -> vector<4096x1xf32>
    %get3A_81 = arith.constant 0 : index
    %get3A_82 = vector.load %arg17[%get3A_81] : memref<1xf32, #tpu.memory_space<vmem>>, vector<1xf32>
    %broadcast_in_dim3A = vector.shape_cast %get3A_82 : vector<1xf32> to vector<1x1xf32>
    %add3A_83 = vector.broadcast %broadcast_in_dim3A : vector<1x1xf32> to vector<4096x1xf32>
    %add3A_84 = arith.addf %dot_general3A_80, %add3A_83 : vector<4096x1xf32>
    %swap3A = arith.constant 0 : index
    %swap3A_85 = arith.constant 0 : index
    %swap3A_86 = vector.load %arg20[%swap3A, %swap3A_85] : memref<4096x1xf32, #tpu.memory_space<vmem>>, vector<4096x1xf32>
    tpu.vector_store %arg20[%swap3A, %swap3A_85], %add3A_84 {strides = array<i32>} : memref<4096x1xf32, #tpu.memory_space<vmem>>, vector<4096x1xf32>,
    %get3A_87 = arith.constant 0 : index
    %get3A_88 = arith.constant 0 : index
    %get3A_89 = vector.load %arg18[%get3A_87, %get3A_88] : memref<64x1xf32, #tpu.memory_space<vmem>>, vector<64x1xf32>
    %dot_general3A_90 = arith.constant dense<0.000000e+00> : vector<4096x1xf32>
    %dot_general3A_91 = tpu.matmul %max3A_75, %get3A_89, %dot_general3A_90 {dimension_numbers = #tpu.dot_dimension_numbers<[1], [0], [0], [1], [0, 0, 1, 1], [], []>, transpose_lhs_hint = false} : vector<4096x64xf32>, vector<64x1xf32>, vector<4096x1xf32> -> vector<4096x1xf32>
    %get3A_92 = arith.constant 0 : index
    %get3A_93 = vector.load %arg19[%get3A_92] : memref<1xf32, #tpu.memory_space<vmem>>, vector<1xf32>
    %broadcast_in_dim3A_94 = vector.shape_cast %get3A_93 : vector<1xf32> to vector<1x1xf32>
    %add3A_95 = vector.broadcast %broadcast_in_dim3A_94 : vector<1x1xf32> to vector<4096x1xf32>
    %add3A_96 = arith.addf %dot_general3A_91, %add3A_95 : vector<4096x1xf32>
    %swap3A_97 = arith.constant 0 : index
    %swap3A_98 = arith.constant 0 : index
    %swap3A_99 = vector.load %arg21[%swap3A_97, %swap3A_98] : memref<4096x1xf32, #tpu.memory_space<vmem>>, vector<4096x1xf32>
    tpu.vector_store %arg21[%swap3A_97, %swap3A_98], %add3A_96 {strides = array<i32>} : memref<4096x1xf32, #tpu.memory_space<vmem>>, vector<4096x1xf32>,
    return
  }
  func.func @transform_0(%arg0: i32) -> (i32, i32) {
    %c0_i32 = arith.constant 0 : i32
    %c0_i32_0 = arith.constant 0 : i32
    return %arg0, %c0_i32 : i32, i32
  }
  func.func @transform_1(%arg0: i32) -> (i32, i32) {
    %c0_i32 = arith.constant 0 : i32
    %c0_i32_0 = arith.constant 0 : i32
    return %arg0, %c0_i32 : i32, i32
  }
  func.func @transform_2(%arg0: i32) -> (i32, i32) {
    %c0_i32 = arith.constant 0 : i32
    %c0_i32_0 = arith.constant 0 : i32
    return %arg0, %c0_i32 : i32, i32
  }
  func.func @transform_3(%arg0: i32) -> (i32, i32) {
    %c0_i32 = arith.constant 0 : i32
    %c0_i32_0 = arith.constant 0 : i32
    return %arg0, %c0_i32 : i32, i32
  }
  func.func @transform_4(%arg0: i32) -> (i32, i32) {
    %c0_i32 = arith.constant 0 : i32
    %c0_i32_0 = arith.constant 0 : i32
    return %arg0, %c0_i32 : i32, i32
  }
  func.func @transform_5(%arg0: i32) -> (i32, i32) {
    %c0_i32 = arith.constant 0 : i32
    %c0_i32_0 = arith.constant 0 : i32
    %c0_i32_1 = arith.constant 0 : i32
    return %c0_i32, %c0_i32_0 : i32, i32
  }
  func.func @transform_6(%arg0: i32) -> i32 {
    %c0_i32 = arith.constant 0 : i32
    %c0_i32_0 = arith.constant 0 : i32
    return %c0_i32 : i32
  }
  func.func @transform_7(%arg0: i32) -> (i32, i32) {
    %c0_i32 = arith.constant 0 : i32
    %c0_i32_0 = arith.constant 0 : i32
    %c0_i32_1 = arith.constant 0 : i32
    return %c0_i32, %c0_i32_0 : i32, i32
  }
  func.func @transform_8(%arg0: i32) -> i32 {
    %c0_i32 = arith.constant 0 : i32
    %c0_i32_0 = arith.constant 0 : i32
    return %c0_i32 : i32
  }
  func.func @transform_9(%arg0: i32) -> (i32, i32) {
    %c0_i32 = arith.constant 0 : i32
    %c0_i32_0 = arith.constant 0 : i32
    %c0_i32_1 = arith.constant 0 : i32
    return %c0_i32, %c0_i32_0 : i32, i32
  }
  func.func @transform_10(%arg0: i32) -> i32 {
    %c0_i32 = arith.constant 0 : i32
    %c0_i32_0 = arith.constant 0 : i32
    return %c0_i32 : i32
  }
  func.func @transform_11(%arg0: i32) -> (i32, i32) {
    %c0_i32 = arith.constant 0 : i32
    %c0_i32_0 = arith.constant 0 : i32
    %c0_i32_1 = arith.constant 0 : i32
    return %c0_i32, %c0_i32_0 : i32, i32
  }
  func.func @transform_12(%arg0: i32) -> i32 {
    %c0_i32 = arith.constant 0 : i32
    %c0_i32_0 = arith.constant 0 : i32
    return %c0_i32 : i32
  }
  func.func @transform_13(%arg0: i32) -> (i32, i32) {
    %c0_i32 = arith.constant 0 : i32
    %c0_i32_0 = arith.constant 0 : i32
    %c0_i32_1 = arith.constant 0 : i32
    return %c0_i32, %c0_i32_0 : i32, i32
  }
  func.func @transform_14(%arg0: i32) -> i32 {
    %c0_i32 = arith.constant 0 : i32
    %c0_i32_0 = arith.constant 0 : i32
    return %c0_i32 : i32
  }
  func.func @transform_15(%arg0: i32) -> (i32, i32) {
    %c0_i32 = arith.constant 0 : i32
    %c0_i32_0 = arith.constant 0 : i32
    %c0_i32_1 = arith.constant 0 : i32
    return %c0_i32, %c0_i32_0 : i32, i32
  }
  func.func @transform_16(%arg0: i32) -> i32 {
    %c0_i32 = arith.constant 0 : i32
    %c0_i32_0 = arith.constant 0 : i32
    return %c0_i32 : i32
  }
  func.func @transform_17(%arg0: i32) -> (i32, i32) {
    %c0_i32 = arith.constant 0 : i32
    %c0_i32_0 = arith.constant 0 : i32
    %c0_i32_1 = arith.constant 0 : i32
    return %c0_i32, %c0_i32_0 : i32, i32
  }
  func.func @transform_18(%arg0: i32) -> i32 {
    %c0_i32 = arith.constant 0 : i32
    %c0_i32_0 = arith.constant 0 : i32
    return %c0_i32 : i32
  }
  func.func @transform_19(%arg0: i32) -> (i32, i32) {
    %c0_i32 = arith.constant 0 : i32
    %c0_i32_0 = arith.constant 0 : i32
    return %arg0, %c0_i32 : i32, i32
  }
  func.func @transform_20(%arg0: i32) -> (i32, i32) {
    %c0_i32 = arith.constant 0 : i32
    %c0_i32_0 = arith.constant 0 : i32
    return %arg0, %c0_i32 : i32, i32
  }
}

</mosaic_0001>

<sc_bundles>
// kernel: kernel.4.cloned.1.call-start
scs
__scs_entry_jumppad:
0x0: {  	(pc) =	sbr.rel $0x88, $3  }
0x1: {  	(tag) =	ssettag $0x0;
	lr =	simm.s32 $0x1  }
0x2: {  	[smem:$0x3F8A] =	sst lr;
	_ =	strace $0xD0000000  }
0x3: {  	_ = 	snop  }
0x4: {  	_ = 	snop  }
0x5: {  	_ = 	snop  }
0x6: {  	_ = 	snop  }
0x7: {  	_ = 	snop  }
__scs_overlays_trampoline_lowered:
0x8: {  	[smem:$0x3F99] =	sst s0  }
0x9: {  	[smem:$0x3F9A] =	sst s1  }
0xa: {  	[smem:$0x3F9B] =	sst s2  }
0xb: {  	[smem:$0x3F9C] =	sst s3  }
0xc: {  	[smem:$0x3F9D] =	sst s4  }
0xd: {  	[smem:$0x3F9E] =	sst s5  }
0xe: {  	[smem:$0x3F9F] =	sst s6  }
0xf: {  	[smem:$0x3FA0] =	sst s7  }
0x10: {  	[smem:$0x3FA1] =	sst s8  }
0x11: {  	[smem:$0x3FA2] =	sst s9;
	s0 =	simm.s32 @!p0 $0x0  }
0x12: {  	s1 =	sld [smem:$0x3F88];
	s0 =	simm.s32 @p0 $0x1  }
0x13: {  	[smem:$0x3FA3] =	sst s0;
	s0 =	simm.s32 @!p1 $0x0  }
0x14: {  	s2 =	sld [smem:$0x3F87];
	s0 =	simm.s32 @p1 $0x1  }
0x15: {  	[smem:$0x3FA4] =	sst s0;
	s0 =	simm.s32 @!p2 $0x0  }
0x16: {  	s3 =	sld [smem:$0x3FDB];
	s0 =	simm.s32 @p2 $0x1  }
0x17: {  	s4 =	simm.s32 $0x1BF5;
	[smem:$0x3FA6] =	sst s0  }
0x18: {  	s0 =	sld [smem:$0x3F89];
	_ =	swait.ge [sflag:s4], $0x0  }
0x19: {  	s7 =	sld [smem:$0x3F8A]  }
0x1a: {  	s8 =	sadd.s32 $0xFFFFE003, lr  }
0x1b: {  	s9 =	sadd.s32 $0xFFFFFEF7, lr;
	s5 =	simm.s32 $0xFFFFFFFF;
	p2 =	slt.u32 s8, $0xFFFFF086  }
0x1c: {  	p1 =	slt.u32 s9, $0xF7A;
	s5 =	simm.s32 @!p2 $0x0  }
0x1d: {  	s5 =	simm.s32 @p1 $0x1;
	p0 =	seq.s32 s7, s2  }
0x1e: {  	s7 =	smul.u32 @!p0 $0xF7A, s2;
	p2 =	seq.s32 @!p0 s5, $0x0  }
0x1f: {  	s9 =	smul.u32 $0xF7A, s1;
	s8 =	simm.s32 @!p0 $0x1BF5;
	p2 =	por !p2, p0  }
0x20: {  	[sflag:s8] =	ssyncset.s32 @!p0 $0xFFFFF086;
	s6 =	sadd.s32 @!p0 s3, s7;
	s7 =	simm.s32 @!p0 $0x108  }
0x21: {  	s3 =	sadd.s32 s3, s9;
	s6 =	sadd.s32 @!p0 $0x88, s6;
	s7 =	simm.s32 @p2 $0x1082  }
0x22: {  	[simem:s7], [sflag:s8] =	dma.local @!p0 [hbm:s6], $0xF7A  }
0x23: {  	s9 =	sor.u32 $0xD0000000, s2;
	s6 =	simm.s32 $0x108;
	_ =	swait.ge @!p0 [sflag:s8], $0x0  }
0x24: {  	s3 =	sadd.s32 $0x88, s3;
	s6 =	simm.s32 @!p1 $0x1082;
	[sflag:s4] =	ssyncset.s32 $0xFFFFF086  }
0x25: {  	[simem:s6], [sflag:s4] =	dma.local [hbm:s3], $0xF7A  }
0x26: {  	[smem:$0x3F8A] =	sst s1;
	(tag) =	ssettag s2;
	_ =	strace s9  }
0x27: {  	s1 =	sld [smem:$0x3F9A]  }
0x28: {  	s2 =	sld [smem:$0x3F9B]  }
0x29: {  	s4 =	sld [smem:$0x3F9D]  }
0x2a: {  	p0 =	seq.s32 s5, $0x0;
	s5 =	sld [smem:$0x3F9E]  }
0x2b: {  	s6 =	sld [smem:$0x3F9F]  }
0x2c: {  	s7 =	sld [smem:$0x3FA0]  }
0x2d: {  	s3 =	simm.s32 $0x108;
	s8 =	sld [smem:$0x3FA1]  }
0x2e: {  	s3 =	simm.s32 @!p0 $0x1082;
	s9 =	sld [smem:$0x3FA2]  }
0x2f: {  	lr =	sadd.s32 s0, s3;
	s0 =	sld [smem:$0x3F99]  }
0x30: {  	s3 =	sld [smem:$0x3F9C]  }
0x31: {  	[smem:$0x3FA5] =	sst s10  }
0x32: {  	s10 =	sld [smem:$0x3FA3];
	_ =	sdelay $0x3  }
0x33: {  	p0 =	seq.s32 s10, $0x1;
	s10 =	sld [smem:$0x3FA5];
	_ =	sdelay $0x3  }
0x34: {  	[smem:$0x3FA5] =	sst s10  }
0x35: {  	s10 =	sld [smem:$0x3FA4];
	_ =	sdelay $0x3  }
0x36: {  	p1 =	seq.s32 s10, $0x1;
	s10 =	sld [smem:$0x3FA5];
	_ =	sdelay $0x3  }
0x37: {  	[smem:$0x3FA5] =	sst s10  }
0x38: {  	s10 =	sld [smem:$0x3FA6]  }
0x39: {  	_ = 	snop;
	(pc) =	sbr.ind lr, $3  }
0x3a: {  	_ = 	snop  }
0x3b: {  	_ = 	snop  }
0x3c: {  	p2 =	seq.s32 s10, $0x1;
	s10 =	sld [smem:$0x3FA5]  }
0x3d: {  	_ =	shalt  }
0x3e: {  	_ =	shalt  }
0x3f: {  	_ =	shalt  }
0x40: {  	_ =	shalt  }
0x41: {  	_ =	shalt  }
0x42: {  	_ =	shalt  }
0x43: {  	_ =	shalt  }
0x44: {  	_ =	shalt  }
0x45: {  	_ =	shalt  }
0x46: {  	_ =	shalt  }
0x47: {  	_ =	shalt  }
0x48: {  	_ =	shalt  }
0x49: {  	_ =	shalt  }
0x4a: {  	_ =	shalt  }
0x4b: {  	_ =	shalt  }
0x4c: {  	_ =	shalt  }
0x4d: {  	_ =	shalt  }
0x4e: {  	_ =	shalt  }
0x4f: {  	_ =	shalt  }
0x50: {  	_ =	shalt  }
0x51: {  	_ =	shalt  }
0x52: {  	_ =	shalt  }
0x53: {  	_ =	shalt  }
0x54: {  	_ =	shalt  }
0x55: {  	_ =	shalt  }
0x56: {  	_ =	shalt  }
0x57: {  	_ =	shalt  }
0x58: {  	_ =	shalt  }
0x59: {  	_ =	shalt  }
0x5a: {  	_ =	shalt  }
0x5b: {  	_ =	shalt  }
0x5c: {  	_ =	shalt  }
0x5d: {  	_ =	shalt  }
0x5e: {  	_ =	shalt  }
0x5f: {  	_ =	shalt  }
0x60: {  	_ =	shalt  }
0x61: {  	_ =	shalt  }
0x62: {  	_ =	shalt  }
0x63: {  	_ =	shalt  }
0x64: {  	_ =	shalt  }
0x65: {  	_ =	shalt  }
0x66: {  	_ =	shalt  }
0x67: {  	_ =	shalt  }
0x68: {  	_ =	shalt  }
0x69: {  	_ =	shalt  }
0x6a: {  	_ =	shalt  }
0x6b: {  	_ =	shalt  }
0x6c: {  	_ =	shalt  }
0x6d: {  	_ =	shalt  }
0x6e: {  	_ =	shalt  }
0x6f: {  	_ =	shalt  }
0x70: {  	_ =	shalt  }
0x71: {  	_ =	shalt  }
0x72: {  	_ =	shalt  }
0x73: {  	_ =	shalt  }
0x74: {  	_ =	shalt  }
0x75: {  	_ =	shalt  }
0x76: {  	_ =	shalt  }
0x77: {  	_ =	shalt  }
0x78: {  	_ =	shalt  }
0x79: {  	_ =	shalt  }
0x7a: {  	_ =	shalt  }
0x7b: {  	_ =	shalt  }
0x7c: {  	_ =	shalt  }
0x7d: {  	_ =	shalt  }
0x7e: {  	_ =	shalt  }
0x7f: {  	_ =	shalt  }
0x80: {  	_ =	shalt  }
0x81: {  	_ =	shalt  }
0x82: {  	_ =	shalt  }
0x83: {  	_ =	shalt  }
0x84: {  	_ =	shalt  }
0x85: {  	_ =	shalt  }
0x86: {  	_ =	shalt  }
0x87: {  	_ =	shalt  }
.Lfunc_end0:
.L_simem_size_0:
called_computation_lowered:
.L_overlay_start_0:
0x88: {  	s2 =	sld [smem:$0x3FD9]  }
0x89: {  	s3 =	sld [smem:$0x3FFE];
	_ =	sdelay $0x1  }
0x8a: {  	s1 =	srdreg.scid  }
0x8b: {  	s0 =	sand.u32 $0x1, s1  }
0x8c: {  	s16 =	sshll.u32 s0, $0xA;
	s2 =	sadd.s32 s3, s2  }
0x8d: {  	s2 =	sadd.s32 s2, s16  }
0x8e: {  	[smem:$0x3FB1] =	sst s2  }
0x8f: {  	_ = 	snop  }
0x90: {  	(tm) =	ssettm $0x1  }
0x91: {  	s17 =	sld [smem:$0x3FFB];
	_ =	sdelay $0x3  }
0x92: {  	_ =	strace s17  }
0x93: {  	s2 =	sld [smem:$0x3FFC];
	_ =	sdelay $0x3  }
0x94: {  	_ =	strace s2  }
0x95: {  	s2 =	sld [smem:$0x3FFD];
	_ =	sdelay $0x3  }
0x96: {  	_ =	strace s2  }
0x97: {  	_ =	strace $0x8FFFFFFF  }
0x98: {  	s18 =	sld [smem:$0x3FDB];
	_ =	sdelay $0x1  }
0x99: {  	s19 =	simm.s32 $_scs_section_size  }
0x9a: {  	s4 =	simm.s32 $_size__tile_overlayer_lowered;
	s5 =	simm.s32 $_tile_overlayer_lowered  }
0x9b: {  	s22 =	simm.s32 $0x1BFF;
	s21 =	sshll.u32 s5, $0x1;
	s2 =	sadd.s32 s19, s18  }
0x9c: {  	s6 =	simm.s32 $0x0;
	s20 =	sshll.u32 s4, $0x1;
	s4 =	sadd.s32 s21, s2  }
0x9d: {  	[timem:s6], [sflag:s22] =	dma.local [hbm:s4], s20  }
0x9e: {  	_ =	swait.ge [sflag:s22], s20  }
0x9f: {  	s3 =	ssub.s32 $0x0, s20;
	[sflag:s22] =	ssyncset.done $0x0  }
0xa0: {  	[sflag:s22] =	ssyncadd.s32 s3;
	_ =	sdelay $0x1  }
0xa1: {  	s23 =	simm.s32 $0x1B8B  }
0xa2: {  	_ =	swait.ge [sflag:s23], $0x1  }
0xa3: {  	[sflag:s23] =	ssyncset.done $0x0  }
0xa4: {  	s25 =	simm.s32 $0x1B8E;
	s24 =	sld [smem:$0x3FFE];
	[sflag:s23] =	ssyncadd.s32 $0xFFFFFFFF  }
0xa5: {  	s26 =	simm.s32 $execute0_lowered;
	[smem:$0x3FD2] =	sst s25  }
0xa6: {  	s4 =	sshll.u32 s26, $0x1;
	_ =	strace $0x80000046;
	[dreg:$0x1] =	wrdreg $0xFFFFFFFF  }
0xa7: {  	s28 =	simm.s32 $_size_execute0_lowered;
	s2 =	sadd.s32 s2, s4;
	[dreg:$0x0] =	wrdreg $0x0  }
0xa8: {  	s4 =	sshll.u32 s28, $0x1;
	[dreg:$0x2] =	wrdreg s2  }
0xa9: {  	[dreg:$0x3] =	wrdreg s4  }
0xaa: {  	[dreg:$0x4] =	wrdreg $0xC0  }
0xab: {  	_ =	task [dreg:s6], $0x5FFFF  }
0xac: {  	[dreg:$0x1] =	wrdreg $0xFFFFFFFF  }
0xad: {  	[dreg:$0x0] =	wrdreg $0x60  }
0xae: {  	[dreg:$0x2] =	wrdreg s24  }
0xaf: {  	[dreg:$0x3] =	wrdreg $0x9  }
0xb0: {  	_ =	task.clear_ibuf [dreg:s6], $0x4FFFF;
	_ =	strace $0x90000046  }
0xb1: {  	s29 =	simm.s32 $0x9;
	_ =	strace $0x80000048  }
0xb2: {  	_ =	swait.ge [sflag:s29], $0x1  }
0xb3: {  	[sflag:s29] =	ssyncadd.s32 $0xFFFFFFFF  }
0xb4: {  	_ =	strace $0x90000048  }
0xb5: {  	_ =	sfence  }
0xb6: {  	s30 =	sld [smem:$0x0];
	_ =	sdelay $0x2  }
0xb7: {  	s31 =	sshll.u32 s1, $0xD;
	s1 =	sshrl.u32 s1, $0x2  }
0xb8: {  	s3 =	sand.u32 $0x4000, s31;
	s1 =	sadd.s32 s1, s30  }
0xb9: {  	s0 =	sor.u32 s3, s0;
	s1 =	sshll.u32 s1, $0x11  }
0xba: {  	s0 =	sor.u32 s1, s0  }
0xbb: {  	s0 =	sadd.s32 $0x8F2B, s0  }
0xbc: {  	[sflag:s0] =	ssyncadd.remote.s32 $0x1  }
0xbd: {  	_ =	sfence.sel $0xFFFF  }
0xbe: {  	[dreg:$0x0] =	wrdreg $0xFFFFFFFF;
	(pc) =	sbr.abs _section_cstart, $3  }
0xbf: {  	[dreg:$0x1] =	wrdreg $0xFFFFFFFF  }
0xc0: {  	_ =	task.clear_ibuf [dreg:s6], $0x2FFFF;
	_ =	strace $0x9FFFFFFF  }
0xc1: {  	(tm) =	ssettm $0x7FFFFFFF  }
tec
execute0_lowered:
.L_overlay_start_1:
0x0: {  	(tag) =	ssettag $0x1  }
0x1: {  	s0 =	srdreg.scid  }
0x2: {  	s1 =	sand.u32 $0x1, s0  }
0x3: {  	s19 =	stileid.u32;
	s0 =	sshll.u32 s1, $0x4  }
0x4: {  	s3 =	rddreg [dreg:$0x0];
	s2 =	simm.s32 $0x0;
	s0 =	sor.u32 s19, s0  }
0x5: {  	s7 =	sadd.s32 $0xC8A00, s3;
	s4 =	sshll.u32 s0, $0x7;
	s8 =	sshll.u32 s0, $0xD  }
0x6: {  	[smem:$0x7FF] =	sst s2;
	s5 =	sadd.s32 s4, s3;
	s24 =	sadd.s32 s7, s8  }
0x7: {  	_ =	strace $0x80000047;
	s4 =	sadd.s32 $0x4A00, s5;
	[dreg:$0x9] =	wrdreg s24  }
0x8: {  	s6 =	sadd.s32 $0x5A00, s5;
	[dreg:$0x2] =	wrdreg s4  }
0x9: {  	s20 =	sadd.s32 $0x6A00, s5;
	[dreg:$0x3] =	wrdreg s6  }
0xa: {  	s9 =	sor.u32 $0x400, s8;
	s21 =	sadd.s32 $0x7A00, s5;
	[dreg:$0x4] =	wrdreg s20  }
0xb: {  	s12 =	sor.u32 $0x800, s8;
	s11 =	sadd.s32 s7, s9;
	[dreg:$0x5] =	wrdreg s21  }
0xc: {  	s5 =	sadd.s32 $0x48A00, s3;
	s16 =	sadd.s32 s7, s12;
	[dreg:$0xd] =	wrdreg s11  }
0xd: {  	s22 =	sadd.s32 s5, s8;
	[dreg:$0x11] =	wrdreg s16  }
0xe: {  	s26 =	sadd.s32 s5, s9;
	[dreg:$0x7] =	wrdreg s22  }
0xf: {  	s17 =	sor.u32 $0xC00, s8;
	s14 =	sadd.s32 s5, s12;
	[dreg:$0xb] =	wrdreg s26  }
0x10: {  	s4 =	sadd.s32 $0x8A00, s3;
	s20 =	sadd.s32 s5, s17;
	[dreg:$0xf] =	wrdreg s14  }
0x11: {  	s6 =	sadd.s32 $0x88A00, s3;
	s0 =	sadd.s32 s4, s8;
	[dreg:$0x13] =	wrdreg s20  }
0x12: {  	s23 =	sadd.s32 s6, s8;
	[dreg:$0x6] =	wrdreg s0  }
0x13: {  	s25 =	sadd.s32 s4, s9;
	[dreg:$0x8] =	wrdreg s23  }
0x14: {  	s10 =	sadd.s32 s6, s9;
	[dreg:$0xa] =	wrdreg s25  }
0x15: {  	s13 =	sadd.s32 s4, s12;
	[dreg:$0xc] =	wrdreg s10  }
0x16: {  	s15 =	sadd.s32 s6, s12;
	[dreg:$0xe] =	wrdreg s13  }
0x17: {  	s18 =	sadd.s32 s4, s17;
	[dreg:$0x10] =	wrdreg s15  }
0x18: {  	s21 =	sadd.s32 s6, s17;
	[dreg:$0x12] =	wrdreg s18  }
0x19: {  	s22 =	sadd.s32 s7, s17;
	[dreg:$0x14] =	wrdreg s21  }
0x1a: {  	s23 =	sor.u32 $0x1000, s8;
	[dreg:$0x15] =	wrdreg s22  }
0x1b: {  	s0 =	rddreg [dreg:$0x2];
	s24 =	sadd.s32 s4, s23  }
0x1c: {  	s25 =	sadd.s32 s5, s23;
	[dreg:$0x16] =	wrdreg s24  }
0x1d: {  	s26 =	sadd.s32 s6, s23;
	[dreg:$0x17] =	wrdreg s25  }
0x1e: {  	s10 =	sor.u32 $0x1400, s8;
	s9 =	sadd.s32 s7, s23;
	[dreg:$0x18] =	wrdreg s26  }
0x1f: {  	s11 =	sadd.s32 s4, s10;
	[dreg:$0x19] =	wrdreg s9  }
0x20: {  	s12 =	sadd.s32 s5, s10;
	[dreg:$0x1a] =	wrdreg s11  }
0x21: {  	s13 =	sadd.s32 s6, s10;
	[dreg:$0x1b] =	wrdreg s12  }
0x22: {  	s15 =	sor.u32 $0x1800, s8;
	s14 =	sadd.s32 s7, s10;
	[dreg:$0x1c] =	wrdreg s13  }
0x23: {  	s16 =	sadd.s32 s4, s15;
	[dreg:$0x1d] =	wrdreg s14  }
0x24: {  	s17 =	sadd.s32 s5, s15;
	[dreg:$0x1e] =	wrdreg s16  }
0x25: {  	s29 =	simm.s32 $0x400;
	s18 =	sadd.s32 s6, s15;
	[dreg:$0x1f] =	wrdreg s17  }
0x26: {  	s30 =	simm.s32 $0x800;
	s20 =	sadd.s32 s7, s15;
	[smem:$0x7E5] =	sst s18  }
0x27: {  	s10 =	sor.u32 $0x1C00, s8;
	s15 =	simm.s32 $0x580;
	[smem:$0x7E6] =	sst s20  }
0x28: {  	s31 =	simm.s32 $0xC00;
	s21 =	sadd.s32 s4, s10;
	[smem:$0x7F4] =	sst s15  }
0x29: {  	p0 =	por $0x0, $0x0;
	s22 =	sadd.s32 s5, s10;
	[smem:$0x7E7] =	sst s21  }
0x2a: {  	s28 =	simm.s32 $0xF00;
	s23 =	sadd.s32 s6, s10;
	[smem:$0x7E8] =	sst s22  }
0x2b: {  	s1 =	ssub.s32 $0x2, s1;
	s24 =	sadd.s32 s7, s10;
	[smem:$0x7E9] =	sst s23  }
0x2c: {  	s8 =	sadd.s32 $0x7A5C00, s3;
	s26 =	simm.s32 $0x80;
	[smem:$0x7EA] =	sst s24  }
0x2d: {  	s9 =	sadd.s32 $0x61F200, s3;
	s4 =	simm.s32 $0x480;
	[smem:$0x7EB] =	sst s26  }
0x2e: {  	s25 =	sshrl.u32 s1, $0x1;
	s5 =	simm.s32 $0x880;
	[smem:$0x7EC] =	sst s4  }
0x2f: {  	s3 =	simm.s32 $0x5;
	s6 =	simm.s32 $0xC80;
	[smem:$0x7ED] =	sst s5  }
0x30: {  	s7 =	simm.s32 $0x100;
	s10 =	simm.s32 $0x500;
	[smem:$0x7EE] =	sst s6  }
0x31: {  	s11 =	simm.s32 $0x900;
	s18 =	simm.s32 $0x40;
	[smem:$0x7EF] =	sst s7  }
0x32: {  	s12 =	simm.s32 $0xD00;
	s13 =	simm.s32 $0x1000;
	[smem:$0x7F0] =	sst s10  }
0x33: {  	s14 =	simm.s32 $0x180;
	s16 =	simm.s32 $0x980;
	[smem:$0x7F1] =	sst s11  }
0x34: {  	s17 =	simm.s32 $0xD80;
	s20 =	simm.s32 $0x200;
	[smem:$0x7F2] =	sst s12  }
0x35: {  	s15 =	simm.s32 $0x1;
	s1 =	ssub.s32 s1, s25;
	[smem:$0x7F3] =	sst s14  }
0x36: {  	s12 =	simm.s32 $0x3000;
	s11 =	simm.s32 $0x5000;
	[smem:$0x7F5] =	sst s16  }
0x37: {  	s10 =	simm.s32 $0x7000;
	s7 =	simm.s32 $0x9000;
	[smem:$0x7F6] =	sst s17  }
0x38: {  	s6 =	simm.s32 $0xB000;
	[smem:$0x7F7] =	sst s20;
	s21 =	simm.s32 $0x600  }
0x39: {  	s5 =	simm.s32 $0xD000;
	s22 =	simm.s32 $0xA00;
	s4 =	simm.s32 $0xF000  }
0x3a: {  	s23 =	simm.s32 $0xE00;
	s24 =	simm.s32 $0x280;
	[smem:$0x7F8] =	sst s21  }
0x3b: {  	s16 =	simm.s32 $0x2;
	s1 =	smax.u32 s1, $0x1;
	[smem:$0x7F9] =	sst s22  }
0x3c: {  	s25 =	simm.s32 $0x680;
	[smem:$0x7FA] =	sst s23;
	p1 =	sne.s32 s1, $0x1  }
.Ltmp0:
0x3d: {  	s17 =	simm.s32 $0x3;
	[smem:$0x7FB] =	sst s24;
	(pc) =	sbr.rel @!p1 .LBB2_1-.Ltmp0, $4  }
0x3e: {  	s26 =	simm.s32 $0xA80;
	s14 =	simm.s32 $0x4;
	[smem:$0x7FC] =	sst s25  }
0x3f: {  	s20 =	simm.s32 $0x380;
	[smem:$0x7FD] =	sst s26;
	s24 =	simm.s32 $0xE80  }
0x40: {  	s25 =	simm.s32 $0x700;
	s26 =	simm.s32 $0xB00;
	s21 =	simm.s32 $0x780  }
0x41: {  	s22 =	simm.s32 $0xB80;
	s23 =	simm.s32 $0xF80;
	s1 =	sadd.s32 $0xFFFFFFFF, s1  }
0x42: {  	[tilespmem:s2], [sflag:$0x5] =	stream.linear.gather [hbm4b:s0+s2], $0x400, $0x38;
	[tilespmem:$0x11000] =	vst v63  }
0x43: {  	_ =	swait.ge [sflag:s3], $0x400  }
0x44: {  	[sflag:s3] =	ssyncset.done $0x0  }
0x45: {  	s19 =	rddreg [dreg:$0x3];
	[sflag:s3] =	ssyncadd.s32 $0xFFFFFC00  }
0x46: {  	[tilespmem:s29], [sflag:$0x5] =	stream.linear.gather [hbm4b:s19+s2], $0x400, $0x38;
	[tilespmem:$0x11000] =	vst v63  }
0x47: {  	_ =	swait.ge [sflag:s3], $0x400  }
0x48: {  	[sflag:s3] =	ssyncset.done $0x0  }
0x49: {  	s19 =	rddreg [dreg:$0x4];
	[sflag:s3] =	ssyncadd.s32 $0xFFFFFC00  }
0x4a: {  	[tilespmem:s30], [sflag:$0x5] =	stream.linear.gather [hbm4b:s19+s2], $0x400, $0x38;
	[tilespmem:$0x11000] =	vst v63  }
0x4b: {  	_ =	swait.ge [sflag:s3], $0x400  }
0x4c: {  	[sflag:s3] =	ssyncset.done $0x0  }
0x4d: {  	s19 =	rddreg [dreg:$0x5];
	[sflag:s3] =	ssyncadd.s32 $0xFFFFFC00  }
0x4e: {  	[tilespmem:s31], [sflag:$0x5] =	stream.linear.gather [hbm4b:s19+s2], $0x400, $0x38;
	[tilespmem:$0x11000] =	vst v63  }
0x4f: {  	_ =	swait.ge [sflag:s3], $0x400  }
0x50: {  	[sflag:s3] =	ssyncset.done $0x0  }
0x51: {  	[sflag:s3] =	ssyncadd.s32 $0xFFFFFC00  }
0x52: {  	[tilespmem:s13], [sflag:$0x1] =	stream.indirect.gather [hbm4b:s8+s18], $0x80, s2, s18, $0xb8;
	[tilespmem:$0x11000] =	vst v63  }
0x53: {  	_ = 	snop  }
0x54: {  	[tilespmem:s12], [sflag:$0x2] =	stream.indirect.gather [hbm4b:s8+s18], $0x80, s29, s18, $0xb8;
	[tilespmem:$0x11000] =	vst v63  }
0x55: {  	_ = 	snop  }
0x56: {  	[tilespmem:s11], [sflag:$0x3] =	stream.indirect.gather [hbm4b:s9+s18], $0x80, s30, s18, $0xb8;
	[tilespmem:$0x11000] =	vst v63  }
0x57: {  	s0 =	sld [smem:$0x7EB]  }
0x58: {  	[tilespmem:s10], [sflag:$0x4] =	stream.indirect.gather [hbm4b:s9+s18], $0x80, s31, s18, $0xb8;
	[tilespmem:$0x11000] =	vst v63  }
0x59: {  	s19 =	smov.u32 s1;
	s1 =	sld [smem:$0x7EC]  }
0x5a: {  	[tilespmem:s7], [sflag:$0x1] =	stream.indirect.gather [hbm4b:s8+s18], $0x80, s0, s18, $0xb8;
	[tilespmem:$0x11000] =	vst v63  }
0x5b: {  	s0 =	sld [smem:$0x7ED]  }
0x5c: {  	[tilespmem:s6], [sflag:$0x2] =	stream.indirect.gather [hbm4b:s8+s18], $0x80, s1, s18, $0xb8;
	[tilespmem:$0x11000] =	vst v63  }
0x5d: {  	s1 =	sld [smem:$0x7EE]  }
0x5e: {  	[tilespmem:s5], [sflag:$0x3] =	stream.indirect.gather [hbm4b:s9+s18], $0x80, s0, s18, $0xb8;
	[tilespmem:$0x11000] =	vst v63  }
0x5f: {  	_ = 	snop  }
0x60: {  	[tilespmem:s4], [sflag:$0x4] =	stream.indirect.gather [hbm4b:s9+s18], $0x80, s1, s18, $0xb8;
	[tilespmem:$0x11000] =	vst v63  }
0x61: {  	_ =	swait.ge [sflag:s15], $0x2000  }
0x62: {  	[sflag:s15] =	ssyncset.done $0x0  }
0x63: {  	[sflag:s15] =	ssyncadd.s32 $0xFFFFE000  }
0x64: {  	_ =	swait.ge [sflag:s16], $0x2000  }
0x65: {  	[sflag:s16] =	ssyncset.done $0x0  }
0x66: {  	[sflag:s16] =	ssyncadd.s32 $0xFFFFE000  }
0x67: {  	_ =	swait.ge [sflag:s17], $0x2000  }
0x68: {  	[sflag:s17] =	ssyncset.done $0x0  }
0x69: {  	[sflag:s17] =	ssyncadd.s32 $0xFFFFE000  }
0x6a: {  	_ =	swait.ge [sflag:s14], $0x2000  }
0x6b: {  	[sflag:s14] =	ssyncset.done $0x0  }
0x6c: {  	s1 =	rddreg [dreg:$0x6];
	[sflag:s14] =	ssyncadd.s32 $0xFFFFE000  }
0x6d: {  	[hbm4b:s1+s2] =	stream.linear.scatter [tilespmem:s13], [sflag:$0x5], $0x2000, $0x38;
	[tilespmem:$0x11000] =	vst v63  }
0x6e: {  	_ =	swait.ge [sflag:s3], $0x2000  }
0x6f: {  	[sflag:s3] =	ssyncset.done $0x0  }
0x70: {  	s1 =	rddreg [dreg:$0x7];
	[sflag:s3] =	ssyncadd.s32 $0xFFFFE000  }
0x71: {  	[hbm4b:s1+s2] =	stream.linear.scatter [tilespmem:s12], [sflag:$0x5], $0x2000, $0x38;
	[tilespmem:$0x11000] =	vst v63  }
0x72: {  	_ =	swait.ge [sflag:s3], $0x2000  }
0x73: {  	[sflag:s3] =	ssyncset.done $0x0  }
0x74: {  	s1 =	rddreg [dreg:$0x8];
	[sflag:s3] =	ssyncadd.s32 $0xFFFFE000  }
0x75: {  	[hbm4b:s1+s2] =	stream.linear.scatter [tilespmem:s11], [sflag:$0x5], $0x2000, $0x38;
	[tilespmem:$0x11000] =	vst v63  }
0x76: {  	_ =	swait.ge [sflag:s3], $0x2000  }
0x77: {  	[sflag:s3] =	ssyncset.done $0x0  }
0x78: {  	s1 =	rddreg [dreg:$0x9];
	[sflag:s3] =	ssyncadd.s32 $0xFFFFE000  }
0x79: {  	[hbm4b:s1+s2] =	stream.linear.scatter [tilespmem:s10], [sflag:$0x5], $0x2000, $0x38;
	[tilespmem:$0x11000] =	vst v63  }
0x7a: {  	_ =	swait.ge [sflag:s3], $0x2000  }
0x7b: {  	s0 =	sld [smem:$0x7EF]  }
0x7c: {  	[sflag:s3] =	ssyncset.done $0x0  }
0x7d: {  	s1 =	sld [smem:$0x7F0];
	[sflag:s3] =	ssyncadd.s32 $0xFFFFE000  }
0x7e: {  	[tilespmem:s13], [sflag:$0x1] =	stream.indirect.gather [hbm4b:s8+s18], $0x80, s0, s18, $0xb8;
	[tilespmem:$0x11000] =	vst v63  }
0x7f: {  	s0 =	sld [smem:$0x7F1]  }
0x80: {  	[tilespmem:s12], [sflag:$0x2] =	stream.indirect.gather [hbm4b:s8+s18], $0x80, s1, s18, $0xb8;
	[tilespmem:$0x11000] =	vst v63  }
0x81: {  	s1 =	sld [smem:$0x7F2]  }
0x82: {  	[tilespmem:s11], [sflag:$0x3] =	stream.indirect.gather [hbm4b:s9+s18], $0x80, s0, s18, $0xb8;
	[tilespmem:$0x11000] =	vst v63  }
0x83: {  	_ = 	snop  }
0x84: {  	[tilespmem:s10], [sflag:$0x4] =	stream.indirect.gather [hbm4b:s9+s18], $0x80, s1, s18, $0xb8;
	[tilespmem:$0x11000] =	vst v63  }
0x85: {  	_ =	swait.ge [sflag:s15], $0x2000  }
0x86: {  	[sflag:s15] =	ssyncset.done $0x0  }
0x87: {  	[sflag:s15] =	ssyncadd.s32 $0xFFFFE000  }
0x88: {  	_ =	swait.ge [sflag:s16], $0x2000  }
0x89: {  	[sflag:s16] =	ssyncset.done $0x0  }
0x8a: {  	[sflag:s16] =	ssyncadd.s32 $0xFFFFE000  }
0x8b: {  	_ =	swait.ge [sflag:s17], $0x2000  }
0x8c: {  	[sflag:s17] =	ssyncset.done $0x0  }
0x8d: {  	[sflag:s17] =	ssyncadd.s32 $0xFFFFE000  }
0x8e: {  	_ =	swait.ge [sflag:s14], $0x2000  }
0x8f: {  	[sflag:s14] =	ssyncset.done $0x0  }
0x90: {  	s1 =	rddreg [dreg:$0xa];
	[sflag:s14] =	ssyncadd.s32 $0xFFFFE000  }
0x91: {  	[hbm4b:s1+s2] =	stream.linear.scatter [tilespmem:s7], [sflag:$0x5], $0x2000, $0x38;
	[tilespmem:$0x11000] =	vst v63  }
0x92: {  	_ =	swait.ge [sflag:s3], $0x2000  }
0x93: {  	[sflag:s3] =	ssyncset.done $0x0  }
0x94: {  	s1 =	rddreg [dreg:$0xb];
	[sflag:s3] =	ssyncadd.s32 $0xFFFFE000  }
0x95: {  	[hbm4b:s1+s2] =	stream.linear.scatter [tilespmem:s6], [sflag:$0x5], $0x2000, $0x38;
	[tilespmem:$0x11000] =	vst v63  }
0x96: {  	_ =	swait.ge [sflag:s3], $0x2000  }
0x97: {  	[sflag:s3] =	ssyncset.done $0x0  }
0x98: {  	s1 =	rddreg [dreg:$0xc];
	[sflag:s3] =	ssyncadd.s32 $0xFFFFE000  }
0x99: {  	[hbm4b:s1+s2] =	stream.linear.scatter [tilespmem:s5], [sflag:$0x5], $0x2000, $0x38;
	[tilespmem:$0x11000] =	vst v63  }
0x9a: {  	_ =	swait.ge [sflag:s3], $0x2000  }
0x9b: {  	[sflag:s3] =	ssyncset.done $0x0  }
0x9c: {  	s1 =	rddreg [dreg:$0xd];
	[sflag:s3] =	ssyncadd.s32 $0xFFFFE000  }
0x9d: {  	[hbm4b:s1+s2] =	stream.linear.scatter [tilespmem:s4], [sflag:$0x5], $0x2000, $0x38;
	[tilespmem:$0x11000] =	vst v63  }
0x9e: {  	_ =	swait.ge [sflag:s3], $0x2000  }
0x9f: {  	s0 =	sld [smem:$0x7F3]  }
0xa0: {  	[sflag:s3] =	ssyncset.done $0x0  }
0xa1: {  	s1 =	sld [smem:$0x7F4];
	[sflag:s3] =	ssyncadd.s32 $0xFFFFE000  }
0xa2: {  	[tilespmem:s7], [sflag:$0x1] =	stream.indirect.gather [hbm4b:s8+s18], $0x80, s0, s18, $0xb8;
	[tilespmem:$0x11000] =	vst v63  }
0xa3: {  	s0 =	sld [smem:$0x7F5]  }
0xa4: {  	[tilespmem:s6], [sflag:$0x2] =	stream.indirect.gather [hbm4b:s8+s18], $0x80, s1, s18, $0xb8;
	[tilespmem:$0x11000] =	vst v63  }
0xa5: {  	s1 =	sld [smem:$0x7F6]  }
0xa6: {  	[tilespmem:s5], [sflag:$0x3] =	stream.indirect.gather [hbm4b:s9+s18], $0x80, s0, s18, $0xb8;
	[tilespmem:$0x11000] =	vst v63  }
0xa7: {  	_ = 	snop  }
0xa8: {  	[tilespmem:s4], [sflag:$0x4] =	stream.indirect.gather [hbm4b:s9+s18], $0x80, s1, s18, $0xb8;
	[tilespmem:$0x11000] =	vst v63  }
0xa9: {  	_ =	swait.ge [sflag:s15], $0x2000  }
0xaa: {  	[sflag:s15] =	ssyncset.done $0x0  }
0xab: {  	[sflag:s15] =	ssyncadd.s32 $0xFFFFE000  }
0xac: {  	_ =	swait.ge [sflag:s16], $0x2000  }
0xad: {  	[sflag:s16] =	ssyncset.done $0x0  }
0xae: {  	[sflag:s16] =	ssyncadd.s32 $0xFFFFE000  }
0xaf: {  	_ =	swait.ge [sflag:s17], $0x2000  }
0xb0: {  	[sflag:s17] =	ssyncset.done $0x0  }
0xb1: {  	[sflag:s17] =	ssyncadd.s32 $0xFFFFE000  }
0xb2: {  	_ =	swait.ge [sflag:s14], $0x2000  }
0xb3: {  	[sflag:s14] =	ssyncset.done $0x0  }
0xb4: {  	s1 =	rddreg [dreg:$0xe];
	[sflag:s14] =	ssyncadd.s32 $0xFFFFE000  }
0xb5: {  	[hbm4b:s1+s2] =	stream.linear.scatter [tilespmem:s13], [sflag:$0x5], $0x2000, $0x38;
	[tilespmem:$0x11000] =	vst v63  }
0xb6: {  	_ =	swait.ge [sflag:s3], $0x2000  }
0xb7: {  	[sflag:s3] =	ssyncset.done $0x0  }
0xb8: {  	s1 =	rddreg [dreg:$0xf];
	[sflag:s3] =	ssyncadd.s32 $0xFFFFE000  }
0xb9: {  	[hbm4b:s1+s2] =	stream.linear.scatter [tilespmem:s12], [sflag:$0x5], $0x2000, $0x38;
	[tilespmem:$0x11000] =	vst v63  }
0xba: {  	_ =	swait.ge [sflag:s3], $0x2000  }
0xbb: {  	[sflag:s3] =	ssyncset.done $0x0  }
0xbc: {  	s1 =	rddreg [dreg:$0x10];
	[sflag:s3] =	ssyncadd.s32 $0xFFFFE000  }
0xbd: {  	[hbm4b:s1+s2] =	stream.linear.scatter [tilespmem:s11], [sflag:$0x5], $0x2000, $0x38;
	[tilespmem:$0x11000] =	vst v63  }
0xbe: {  	_ =	swait.ge [sflag:s3], $0x2000  }
0xbf: {  	[sflag:s3] =	ssyncset.done $0x0  }
0xc0: {  	s1 =	rddreg [dreg:$0x11];
	[sflag:s3] =	ssyncadd.s32 $0xFFFFE000  }
0xc1: {  	[hbm4b:s1+s2] =	stream.linear.scatter [tilespmem:s10], [sflag:$0x5], $0x2000, $0x38;
	[tilespmem:$0x11000] =	vst v63  }
0xc2: {  	_ =	swait.ge [sflag:s3], $0x2000  }
0xc3: {  	s0 =	sld [smem:$0x7F7]  }
0xc4: {  	[sflag:s3] =	ssyncset.done $0x0  }
0xc5: {  	s1 =	sld [smem:$0x7F8];
	[sflag:s3] =	ssyncadd.s32 $0xFFFFE000  }
0xc6: {  	[tilespmem:s13], [sflag:$0x1] =	stream.indirect.gather [hbm4b:s8+s18], $0x80, s0, s18, $0xb8;
	[tilespmem:$0x11000] =	vst v63  }
0xc7: {  	s0 =	sld [smem:$0x7F9]  }
0xc8: {  	[tilespmem:s12], [sflag:$0x2] =	stream.indirect.gather [hbm4b:s8+s18], $0x80, s1, s18, $0xb8;
	[tilespmem:$0x11000] =	vst v63  }
0xc9: {  	s1 =	sld [smem:$0x7FA]  }
0xca: {  	[tilespmem:s11], [sflag:$0x3] =	stream.indirect.gather [hbm4b:s9+s18], $0x80, s0, s18, $0xb8;
	[tilespmem:$0x11000] =	vst v63  }
0xcb: {  	_ = 	snop  }
0xcc: {  	[tilespmem:s10], [sflag:$0x4] =	stream.indirect.gather [hbm4b:s9+s18], $0x80, s1, s18, $0xb8;
	[tilespmem:$0x11000] =	vst v63  }
0xcd: {  	_ =	swait.ge [sflag:s15], $0x2000  }
0xce: {  	[sflag:s15] =	ssyncset.done $0x0  }
0xcf: {  	[sflag:s15] =	ssyncadd.s32 $0xFFFFE000  }
0xd0: {  	_ =	swait.ge [sflag:s16], $0x2000  }
0xd1: {  	[sflag:s16] =	ssyncset.done $0x0  }
0xd2: {  	[sflag:s16] =	ssyncadd.s32 $0xFFFFE000  }
0xd3: {  	_ =	swait.ge [sflag:s17], $0x2000  }
0xd4: {  	[sflag:s17] =	ssyncset.done $0x0  }
0xd5: {  	[sflag:s17] =	ssyncadd.s32 $0xFFFFE000  }
0xd6: {  	_ =	swait.ge [sflag:s14], $0x2000  }
0xd7: {  	[sflag:s14] =	ssyncset.done $0x0  }
0xd8: {  	s1 =	rddreg [dreg:$0x12];
	[sflag:s14] =	ssyncadd.s32 $0xFFFFE000  }
0xd9: {  	[hbm4b:s1+s2] =	stream.linear.scatter [tilespmem:s7], [sflag:$0x5], $0x2000, $0x38;
	[tilespmem:$0x11000] =	vst v63  }
0xda: {  	_ =	swait.ge [sflag:s3], $0x2000  }
0xdb: {  	[sflag:s3] =	ssyncset.done $0x0  }
0xdc: {  	s1 =	rddreg [dreg:$0x13];
	[sflag:s3] =	ssyncadd.s32 $0xFFFFE000  }
0xdd: {  	[hbm4b:s1+s2] =	stream.linear.scatter [tilespmem:s6], [sflag:$0x5], $0x2000, $0x38;
	[tilespmem:$0x11000] =	vst v63  }
0xde: {  	_ =	swait.ge [sflag:s3], $0x2000  }
0xdf: {  	[sflag:s3] =	ssyncset.done $0x0  }
0xe0: {  	s1 =	rddreg [dreg:$0x14];
	[sflag:s3] =	ssyncadd.s32 $0xFFFFE000  }
0xe1: {  	[hbm4b:s1+s2] =	stream.linear.scatter [tilespmem:s5], [sflag:$0x5], $0x2000, $0x38;
	[tilespmem:$0x11000] =	vst v63  }
0xe2: {  	_ =	swait.ge [sflag:s3], $0x2000  }
0xe3: {  	[sflag:s3] =	ssyncset.done $0x0  }
0xe4: {  	s1 =	rddreg [dreg:$0x15];
	[sflag:s3] =	ssyncadd.s32 $0xFFFFE000  }
0xe5: {  	[hbm4b:s1+s2] =	stream.linear.scatter [tilespmem:s4], [sflag:$0x5], $0x2000, $0x38;
	[tilespmem:$0x11000] =	vst v63  }
0xe6: {  	_ =	swait.ge [sflag:s3], $0x2000  }
0xe7: {  	s0 =	sld [smem:$0x7FB]  }
0xe8: {  	[sflag:s3] =	ssyncset.done $0x0  }
0xe9: {  	s1 =	sld [smem:$0x7FC];
	[sflag:s3] =	ssyncadd.s32 $0xFFFFE000  }
0xea: {  	[tilespmem:s7], [sflag:$0x1] =	stream.indirect.gather [hbm4b:s8+s18], $0x80, s0, s18, $0xb8;
	[tilespmem:$0x11000] =	vst v63  }
0xeb: {  	s0 =	sld [smem:$0x7FD]  }
0xec: {  	[tilespmem:s6], [sflag:$0x2] =	stream.indirect.gather [hbm4b:s8+s18], $0x80, s1, s18, $0xb8;
	[tilespmem:$0x11000] =	vst v63  }
0xed: {  	_ = 	snop  }
0xee: {  	[tilespmem:s5], [sflag:$0x3] =	stream.indirect.gather [hbm4b:s9+s18], $0x80, s0, s18, $0xb8;
	[tilespmem:$0x11000] =	vst v63  }
0xef: {  	_ = 	snop  }
0xf0: {  	[tilespmem:s4], [sflag:$0x4] =	stream.indirect.gather [hbm4b:s9+s18], $0x80, s24, s18, $0xb8;
	[tilespmem:$0x11000] =	vst v63  }
0xf1: {  	_ =	swait.ge [sflag:s15], $0x2000  }
0xf2: {  	[sflag:s15] =	ssyncset.done $0x0  }
0xf3: {  	[sflag:s15] =	ssyncadd.s32 $0xFFFFE000  }
0xf4: {  	_ =	swait.ge [sflag:s16], $0x2000  }
0xf5: {  	[sflag:s16] =	ssyncset.done $0x0  }
0xf6: {  	[sflag:s16] =	ssyncadd.s32 $0xFFFFE000  }
0xf7: {  	_ =	swait.ge [sflag:s17], $0x2000  }
0xf8: {  	[sflag:s17] =	ssyncset.done $0x0  }
0xf9: {  	[sflag:s17] =	ssyncadd.s32 $0xFFFFE000  }
0xfa: {  	_ =	swait.ge [sflag:s14], $0x2000  }
0xfb: {  	[sflag:s14] =	ssyncset.done $0x0  }
0xfc: {  	s1 =	rddreg [dreg:$0x16];
	[sflag:s14] =	ssyncadd.s32 $0xFFFFE000  }
0xfd: {  	[hbm4b:s1+s2] =	stream.linear.scatter [tilespmem:s13], [sflag:$0x5], $0x2000, $0x38;
	[tilespmem:$0x11000] =	vst v63  }
0xfe: {  	_ =	swait.ge [sflag:s3], $0x2000  }
0xff: {  	[sflag:s3] =	ssyncset.done $0x0  }
0x100: {  	s1 =	rddreg [dreg:$0x17];
	[sflag:s3] =	ssyncadd.s32 $0xFFFFE000  }
0x101: {  	[hbm4b:s1+s2] =	stream.linear.scatter [tilespmem:s12], [sflag:$0x5], $0x2000, $0x38;
	[tilespmem:$0x11000] =	vst v63  }
0x102: {  	_ =	swait.ge [sflag:s3], $0x2000  }
0x103: {  	[sflag:s3] =	ssyncset.done $0x0  }
0x104: {  	s1 =	rddreg [dreg:$0x18];
	[sflag:s3] =	ssyncadd.s32 $0xFFFFE000  }
0x105: {  	[hbm4b:s1+s2] =	stream.linear.scatter [tilespmem:s11], [sflag:$0x5], $0x2000, $0x38;
	[tilespmem:$0x11000] =	vst v63  }
0x106: {  	_ =	swait.ge [sflag:s3], $0x2000  }
0x107: {  	[sflag:s3] =	ssyncset.done $0x0  }
0x108: {  	s1 =	rddreg [dreg:$0x19];
	[sflag:s3] =	ssyncadd.s32 $0xFFFFE000  }
0x109: {  	[hbm4b:s1+s2] =	stream.linear.scatter [tilespmem:s10], [sflag:$0x5], $0x2000, $0x38;
	[tilespmem:$0x11000] =	vst v63  }
0x10a: {  	_ =	swait.ge [sflag:s3], $0x2000  }
0x10b: {  	[sflag:s3] =	ssyncset.done $0x0  }
0x10c: {  	s1 =	simm.s32 $0x300;
	[sflag:s3] =	ssyncadd.s32 $0xFFFFE000  }
0x10d: {  	[tilespmem:s13], [sflag:$0x1] =	stream.indirect.gather [hbm4b:s8+s18], $0x80, s1, s18, $0xb8;
	[tilespmem:$0x11000] =	vst v63  }
0x10e: {  	_ = 	snop  }
0x10f: {  	[tilespmem:s12], [sflag:$0x2] =	stream.indirect.gather [hbm4b:s8+s18], $0x80, s25, s18, $0xb8;
	[tilespmem:$0x11000] =	vst v63  }
0x110: {  	_ = 	snop  }
0x111: {  	[tilespmem:s11], [sflag:$0x3] =	stream.indirect.gather [hbm4b:s9+s18], $0x80, s26, s18, $0xb8;
	[tilespmem:$0x11000] =	vst v63  }
0x112: {  	_ = 	snop  }
0x113: {  	[tilespmem:s10], [sflag:$0x4] =	stream.indirect.gather [hbm4b:s9+s18], $0x80, s28, s18, $0xb8;
	[tilespmem:$0x11000] =	vst v63  }
0x114: {  	_ =	swait.ge [sflag:s15], $0x2000  }
0x115: {  	[sflag:s15] =	ssyncset.done $0x0  }
0x116: {  	[sflag:s15] =	ssyncadd.s32 $0xFFFFE000  }
0x117: {  	_ =	swait.ge [sflag:s16], $0x2000  }
0x118: {  	[sflag:s16] =	ssyncset.done $0x0  }
0x119: {  	[sflag:s16] =	ssyncadd.s32 $0xFFFFE000  }
0x11a: {  	_ =	swait.ge [sflag:s17], $0x2000  }
0x11b: {  	[sflag:s17] =	ssyncset.done $0x0  }
0x11c: {  	[sflag:s17] =	ssyncadd.s32 $0xFFFFE000  }
0x11d: {  	_ =	swait.ge [sflag:s14], $0x2000  }
0x11e: {  	[sflag:s14] =	ssyncset.done $0x0  }
0x11f: {  	s1 =	rddreg [dreg:$0x1a];
	[sflag:s14] =	ssyncadd.s32 $0xFFFFE000  }
0x120: {  	[hbm4b:s1+s2] =	stream.linear.scatter [tilespmem:s7], [sflag:$0x5], $0x2000, $0x38;
	[tilespmem:$0x11000] =	vst v63  }
0x121: {  	_ =	swait.ge [sflag:s3], $0x2000  }
0x122: {  	[sflag:s3] =	ssyncset.done $0x0  }
0x123: {  	s1 =	rddreg [dreg:$0x1b];
	[sflag:s3] =	ssyncadd.s32 $0xFFFFE000  }
0x124: {  	[hbm4b:s1+s2] =	stream.linear.scatter [tilespmem:s6], [sflag:$0x5], $0x2000, $0x38;
	[tilespmem:$0x11000] =	vst v63  }
0x125: {  	_ =	swait.ge [sflag:s3], $0x2000  }
0x126: {  	[sflag:s3] =	ssyncset.done $0x0  }
0x127: {  	s1 =	rddreg [dreg:$0x1c];
	[sflag:s3] =	ssyncadd.s32 $0xFFFFE000  }
0x128: {  	[hbm4b:s1+s2] =	stream.linear.scatter [tilespmem:s5], [sflag:$0x5], $0x2000, $0x38;
	[tilespmem:$0x11000] =	vst v63  }
0x129: {  	_ =	swait.ge [sflag:s3], $0x2000  }
0x12a: {  	[sflag:s3] =	ssyncset.done $0x0  }
0x12b: {  	s1 =	rddreg [dreg:$0x1d];
	[sflag:s3] =	ssyncadd.s32 $0xFFFFE000  }
0x12c: {  	[hbm4b:s1+s2] =	stream.linear.scatter [tilespmem:s4], [sflag:$0x5], $0x2000, $0x38;
	[tilespmem:$0x11000] =	vst v63  }
0x12d: {  	_ =	swait.ge [sflag:s3], $0x2000  }
0x12e: {  	[sflag:s3] =	ssyncset.done $0x0  }
0x12f: {  	[sflag:s3] =	ssyncadd.s32 $0xFFFFE000  }
0x130: {  	[tilespmem:s7], [sflag:$0x1] =	stream.indirect.gather [hbm4b:s8+s18], $0x80, s20, s18, $0xb8;
	[tilespmem:$0x11000] =	vst v63  }
0x131: {  	_ = 	snop  }
0x132: {  	[tilespmem:s6], [sflag:$0x2] =	stream.indirect.gather [hbm4b:s8+s18], $0x80, s21, s18, $0xb8;
	[tilespmem:$0x11000] =	vst v63  }
0x133: {  	_ = 	snop  }
0x134: {  	[tilespmem:s5], [sflag:$0x3] =	stream.indirect.gather [hbm4b:s9+s18], $0x80, s22, s18, $0xb8;
	[tilespmem:$0x11000] =	vst v63  }
0x135: {  	_ = 	snop  }
0x136: {  	[tilespmem:s4], [sflag:$0x4] =	stream.indirect.gather [hbm4b:s9+s18], $0x80, s23, s18, $0xb8;
	[tilespmem:$0x11000] =	vst v63  }
0x137: {  	_ =	swait.ge [sflag:s15], $0x2000  }
0x138: {  	[sflag:s15] =	ssyncset.done $0x0  }
0x139: {  	[sflag:s15] =	ssyncadd.s32 $0xFFFFE000  }
0x13a: {  	_ =	swait.ge [sflag:s16], $0x2000  }
0x13b: {  	[sflag:s16] =	ssyncset.done $0x0  }
0x13c: {  	[sflag:s16] =	ssyncadd.s32 $0xFFFFE000  }
0x13d: {  	_ =	swait.ge [sflag:s17], $0x2000  }
0x13e: {  	[sflag:s17] =	ssyncset.done $0x0  }
0x13f: {  	[sflag:s17] =	ssyncadd.s32 $0xFFFFE000  }
0x140: {  	_ =	swait.ge [sflag:s14], $0x2000  }
0x141: {  	[sflag:s14] =	ssyncset.done $0x0  }
0x142: {  	s1 =	rddreg [dreg:$0x1e];
	[sflag:s14] =	ssyncadd.s32 $0xFFFFE000  }
0x143: {  	[hbm4b:s1+s2] =	stream.linear.scatter [tilespmem:s13], [sflag:$0x5], $0x2000, $0x38;
	[tilespmem:$0x11000] =	vst v63  }
0x144: {  	_ =	swait.ge [sflag:s3], $0x2000  }
0x145: {  	[sflag:s3] =	ssyncset.done $0x0  }
0x146: {  	s1 =	rddreg [dreg:$0x1f];
	[sflag:s3] =	ssyncadd.s32 $0xFFFFE000  }
0x147: {  	[hbm4b:s1+s2] =	stream.linear.scatter [tilespmem:s12], [sflag:$0x5], $0x2000, $0x38;
	[tilespmem:$0x11000] =	vst v63  }
0x148: {  	_ =	swait.ge [sflag:s3], $0x2000  }
0x149: {  	s1 =	sld [smem:$0x7E5]  }
0x14a: {  	[sflag:s3] =	ssyncset.done $0x0  }
0x14b: {  	[sflag:s3] =	ssyncadd.s32 $0xFFFFE000  }
0x14c: {  	[hbm4b:s1+s2] =	stream.linear.scatter [tilespmem:s11], [sflag:$0x5], $0x2000, $0x38;
	[tilespmem:$0x11000] =	vst v63  }
0x14d: {  	_ =	swait.ge [sflag:s3], $0x2000  }
0x14e: {  	s1 =	sld [smem:$0x7E6]  }
0x14f: {  	[sflag:s3] =	ssyncset.done $0x0  }
0x150: {  	[sflag:s3] =	ssyncadd.s32 $0xFFFFE000  }
0x151: {  	[hbm4b:s1+s2] =	stream.linear.scatter [tilespmem:s10], [sflag:$0x5], $0x2000, $0x38;
	[tilespmem:$0x11000] =	vst v63  }
0x152: {  	_ =	swait.ge [sflag:s3], $0x2000  }
0x153: {  	[sflag:s3] =	ssyncset.done $0x0  }
0x154: {  	[sflag:s3] =	ssyncadd.s32 $0xFFFFE000  }
0x155: {  	_ =	swait.ge [sflag:s15], $0x2000  }
0x156: {  	[sflag:s15] =	ssyncset.done $0x0  }
0x157: {  	[sflag:s15] =	ssyncadd.s32 $0xFFFFE000  }
0x158: {  	_ =	swait.ge [sflag:s16], $0x2000  }
0x159: {  	[sflag:s16] =	ssyncset.done $0x0  }
0x15a: {  	[sflag:s16] =	ssyncadd.s32 $0xFFFFE000  }
0x15b: {  	_ =	swait.ge [sflag:s17], $0x2000  }
0x15c: {  	[sflag:s17] =	ssyncset.done $0x0  }
0x15d: {  	[sflag:s17] =	ssyncadd.s32 $0xFFFFE000  }
0x15e: {  	_ =	swait.ge [sflag:s14], $0x2000  }
0x15f: {  	s1 =	sld [smem:$0x7E7]  }
0x160: {  	[sflag:s14] =	ssyncset.done $0x0  }
0x161: {  	[sflag:s14] =	ssyncadd.s32 $0xFFFFE000  }
0x162: {  	[hbm4b:s1+s2] =	stream.linear.scatter [tilespmem:s7], [sflag:$0x5], $0x2000, $0x38;
	[tilespmem:$0x11000] =	vst v63  }
0x163: {  	_ =	swait.ge [sflag:s3], $0x2000  }
0x164: {  	s1 =	sld [smem:$0x7E8]  }
0x165: {  	[sflag:s3] =	ssyncset.done $0x0  }
0x166: {  	[sflag:s3] =	ssyncadd.s32 $0xFFFFE000  }
0x167: {  	[hbm4b:s1+s2] =	stream.linear.scatter [tilespmem:s6], [sflag:$0x5], $0x2000, $0x38;
	[tilespmem:$0x11000] =	vst v63  }
0x168: {  	_ =	swait.ge [sflag:s3], $0x2000  }
0x169: {  	s1 =	sld [smem:$0x7E9]  }
0x16a: {  	[sflag:s3] =	ssyncset.done $0x0  }
0x16b: {  	[sflag:s3] =	ssyncadd.s32 $0xFFFFE000  }
0x16c: {  	[hbm4b:s1+s2] =	stream.linear.scatter [tilespmem:s5], [sflag:$0x5], $0x2000, $0x38;
	[tilespmem:$0x11000] =	vst v63  }
0x16d: {  	_ =	swait.ge [sflag:s3], $0x2000  }
0x16e: {  	p1 =	sne.s32 s19, $0x1;
	s1 =	sld [smem:$0x7EA]  }
.Ltmp1:
0x16f: {  	[sflag:s3] =	ssyncset.done $0x0;
	(pc) =	sbr.rel @!p1 .LBB2_3-.Ltmp1, $4  }
0x170: {  	[sflag:s3] =	ssyncadd.s32 $0xFFFFE000  }
0x171: {  	[hbm4b:s1+s2] =	stream.linear.scatter [tilespmem:s4], [sflag:$0x5], $0x2000, $0x38;
	[tilespmem:$0x11000] =	vst v63  }
0x172: {  	p0 =	por $0x1, $0x1;
	_ =	swait.ge [sflag:s3], $0x2000  }
0x173: {  	s1 =	sadd.s32 $0xFFFFFFFF, s19;
	s0 =	rddreg [dreg:$0x2];
	[sflag:s3] =	ssyncset.done $0x0  }
.LBB2_4:
0x174: {  	[sflag:s3] =	ssyncadd.s32 $0xFFFFE000  }
0x175: {  	[tilespmem:s2], [sflag:$0x5] =	stream.linear.gather [hbm4b:s0+s2], $0x400, $0x38;
	[tilespmem:$0x11000] =	vst v63  }
0x176: {  	_ =	swait.ge [sflag:s3], $0x400  }
0x177: {  	[sflag:s3] =	ssyncset.done $0x0  }
0x178: {  	s19 =	rddreg [dreg:$0x3];
	[sflag:s3] =	ssyncadd.s32 $0xFFFFFC00  }
0x179: {  	[tilespmem:s29], [sflag:$0x5] =	stream.linear.gather [hbm4b:s19+s2], $0x400, $0x38;
	[tilespmem:$0x11000] =	vst v63  }
0x17a: {  	_ =	swait.ge [sflag:s3], $0x400  }
0x17b: {  	[sflag:s3] =	ssyncset.done $0x0  }
0x17c: {  	s19 =	rddreg [dreg:$0x4];
	[sflag:s3] =	ssyncadd.s32 $0xFFFFFC00  }
0x17d: {  	[tilespmem:s30], [sflag:$0x5] =	stream.linear.gather [hbm4b:s19+s2], $0x400, $0x38;
	[tilespmem:$0x11000] =	vst v63  }
0x17e: {  	_ =	swait.ge [sflag:s3], $0x400  }
0x17f: {  	[sflag:s3] =	ssyncset.done $0x0  }
0x180: {  	s19 =	rddreg [dreg:$0x5];
	[sflag:s3] =	ssyncadd.s32 $0xFFFFFC00  }
0x181: {  	[tilespmem:s31], [sflag:$0x5] =	stream.linear.gather [hbm4b:s19+s2], $0x400, $0x38;
	[tilespmem:$0x11000] =	vst v63  }
0x182: {  	_ =	swait.ge [sflag:s3], $0x400  }
0x183: {  	[sflag:s3] =	ssyncset.done $0x0  }
0x184: {  	[sflag:s3] =	ssyncadd.s32 $0xFFFFFC00  }
0x185: {  	[tilespmem:s13], [sflag:$0x1] =	stream.indirect.gather [hbm4b:s8+s18], $0x80, s2, s18, $0xb8;
	[tilespmem:$0x11000] =	vst v63  }
0x186: {  	_ = 	snop  }
0x187: {  	[tilespmem:s12], [sflag:$0x2] =	stream.indirect.gather [hbm4b:s8+s18], $0x80, s29, s18, $0xb8;
	[tilespmem:$0x11000] =	vst v63  }
0x188: {  	_ = 	snop  }
0x189: {  	[tilespmem:s11], [sflag:$0x3] =	stream.indirect.gather [hbm4b:s9+s18], $0x80, s30, s18, $0xb8;
	[tilespmem:$0x11000] =	vst v63  }
0x18a: {  	s0 =	sld [smem:$0x7EB]  }
0x18b: {  	[tilespmem:s10], [sflag:$0x4] =	stream.indirect.gather [hbm4b:s9+s18], $0x80, s31, s18, $0xb8;
	[tilespmem:$0x11000] =	vst v63  }
0x18c: {  	s19 =	sld [smem:$0x7EC]  }
0x18d: {  	[tilespmem:s7], [sflag:$0x1] =	stream.indirect.gather [hbm4b:s8+s18], $0x80, s0, s18, $0xb8;
	[tilespmem:$0x11000] =	vst v63  }
0x18e: {  	s0 =	sld [smem:$0x7ED]  }
0x18f: {  	[tilespmem:s6], [sflag:$0x2] =	stream.indirect.gather [hbm4b:s8+s18], $0x80, s19, s18, $0xb8;
	[tilespmem:$0x11000] =	vst v63  }
0x190: {  	s19 =	sld [smem:$0x7EE]  }
0x191: {  	[tilespmem:s5], [sflag:$0x3] =	stream.indirect.gather [hbm4b:s9+s18], $0x80, s0, s18, $0xb8;
	[tilespmem:$0x11000] =	vst v63  }
0x192: {  	_ = 	snop  }
0x193: {  	[tilespmem:s4], [sflag:$0x4] =	stream.indirect.gather [hbm4b:s9+s18], $0x80, s19, s18, $0xb8;
	[tilespmem:$0x11000] =	vst v63  }
0x194: {  	_ =	swait.ge [sflag:s15], $0x2000  }
0x195: {  	[sflag:s15] =	ssyncset.done $0x0  }
0x196: {  	[sflag:s15] =	ssyncadd.s32 $0xFFFFE000  }
0x197: {  	_ =	swait.ge [sflag:s16], $0x2000  }
0x198: {  	[sflag:s16] =	ssyncset.done $0x0  }
0x199: {  	[sflag:s16] =	ssyncadd.s32 $0xFFFFE000  }
0x19a: {  	_ =	swait.ge [sflag:s17], $0x2000  }
0x19b: {  	[sflag:s17] =	ssyncset.done $0x0  }
0x19c: {  	[sflag:s17] =	ssyncadd.s32 $0xFFFFE000  }
0x19d: {  	_ =	swait.ge [sflag:s14], $0x2000  }
0x19e: {  	[sflag:s14] =	ssyncset.done $0x0  }
0x19f: {  	s19 =	rddreg [dreg:$0x6];
	[sflag:s14] =	ssyncadd.s32 $0xFFFFE000  }
0x1a0: {  	[hbm4b:s19+s2] =	stream.linear.scatter [tilespmem:s13], [sflag:$0x5], $0x2000, $0x38;
	[tilespmem:$0x11000] =	vst v63  }
0x1a1: {  	_ =	swait.ge [sflag:s3], $0x2000  }
0x1a2: {  	[sflag:s3] =	ssyncset.done $0x0  }
0x1a3: {  	s19 =	rddreg [dreg:$0x7];
	[sflag:s3] =	ssyncadd.s32 $0xFFFFE000  }
0x1a4: {  	[hbm4b:s19+s2] =	stream.linear.scatter [tilespmem:s12], [sflag:$0x5], $0x2000, $0x38;
	[tilespmem:$0x11000] =	vst v63  }
0x1a5: {  	_ =	swait.ge [sflag:s3], $0x2000  }
0x1a6: {  	[sflag:s3] =	ssyncset.done $0x0  }
0x1a7: {  	s19 =	rddreg [dreg:$0x8];
	[sflag:s3] =	ssyncadd.s32 $0xFFFFE000  }
0x1a8: {  	[hbm4b:s19+s2] =	stream.linear.scatter [tilespmem:s11], [sflag:$0x5], $0x2000, $0x38;
	[tilespmem:$0x11000] =	vst v63  }
0x1a9: {  	_ =	swait.ge [sflag:s3], $0x2000  }
0x1aa: {  	[sflag:s3] =	ssyncset.done $0x0  }
0x1ab: {  	s19 =	rddreg [dreg:$0x9];
	[sflag:s3] =	ssyncadd.s32 $0xFFFFE000  }
0x1ac: {  	[hbm4b:s19+s2] =	stream.linear.scatter [tilespmem:s10], [sflag:$0x5], $0x2000, $0x38;
	[tilespmem:$0x11000] =	vst v63  }
0x1ad: {  	_ =	swait.ge [sflag:s3], $0x2000  }
0x1ae: {  	s0 =	sld [smem:$0x7EF]  }
0x1af: {  	[sflag:s3] =	ssyncset.done $0x0  }
0x1b0: {  	s19 =	sld [smem:$0x7F0];
	[sflag:s3] =	ssyncadd.s32 $0xFFFFE000  }
0x1b1: {  	[tilespmem:s13], [sflag:$0x1] =	stream.indirect.gather [hbm4b:s8+s18], $0x80, s0, s18, $0xb8;
	[tilespmem:$0x11000] =	vst v63  }
0x1b2: {  	s0 =	sld [smem:$0x7F1]  }
0x1b3: {  	[tilespmem:s12], [sflag:$0x2] =	stream.indirect.gather [hbm4b:s8+s18], $0x80, s19, s18, $0xb8;
	[tilespmem:$0x11000] =	vst v63  }
0x1b4: {  	s19 =	sld [smem:$0x7F2]  }
0x1b5: {  	[tilespmem:s11], [sflag:$0x3] =	stream.indirect.gather [hbm4b:s9+s18], $0x80, s0, s18, $0xb8;
	[tilespmem:$0x11000] =	vst v63  }
0x1b6: {  	_ = 	snop  }
0x1b7: {  	[tilespmem:s10], [sflag:$0x4] =	stream.indirect.gather [hbm4b:s9+s18], $0x80, s19, s18, $0xb8;
	[tilespmem:$0x11000] =	vst v63  }
0x1b8: {  	_ =	swait.ge [sflag:s15], $0x2000  }
0x1b9: {  	[sflag:s15] =	ssyncset.done $0x0  }
0x1ba: {  	[sflag:s15] =	ssyncadd.s32 $0xFFFFE000  }
0x1bb: {  	_ =	swait.ge [sflag:s16], $0x2000  }
0x1bc: {  	[sflag:s16] =	ssyncset.done $0x0  }
0x1bd: {  	[sflag:s16] =	ssyncadd.s32 $0xFFFFE000  }
0x1be: {  	_ =	swait.ge [sflag:s17], $0x2000  }
0x1bf: {  	[sflag:s17] =	ssyncset.done $0x0  }
0x1c0: {  	[sflag:s17] =	ssyncadd.s32 $0xFFFFE000  }
0x1c1: {  	_ =	swait.ge [sflag:s14], $0x2000  }
0x1c2: {  	[sflag:s14] =	ssyncset.done $0x0  }
0x1c3: {  	s19 =	rddreg [dreg:$0xa];
	[sflag:s14] =	ssyncadd.s32 $0xFFFFE000  }
0x1c4: {  	[hbm4b:s19+s2] =	stream.linear.scatter [tilespmem:s7], [sflag:$0x5], $0x2000, $0x38;
	[tilespmem:$0x11000] =	vst v63  }
0x1c5: {  	_ =	swait.ge [sflag:s3], $0x2000  }
0x1c6: {  	[sflag:s3] =	ssyncset.done $0x0  }
0x1c7: {  	s19 =	rddreg [dreg:$0xb];
	[sflag:s3] =	ssyncadd.s32 $0xFFFFE000  }
0x1c8: {  	[hbm4b:s19+s2] =	stream.linear.scatter [tilespmem:s6], [sflag:$0x5], $0x2000, $0x38;
	[tilespmem:$0x11000] =	vst v63  }
0x1c9: {  	_ =	swait.ge [sflag:s3], $0x2000  }
0x1ca: {  	[sflag:s3] =	ssyncset.done $0x0  }
0x1cb: {  	s19 =	rddreg [dreg:$0xc];
	[sflag:s3] =	ssyncadd.s32 $0xFFFFE000  }
0x1cc: {  	[hbm4b:s19+s2] =	stream.linear.scatter [tilespmem:s5], [sflag:$0x5], $0x2000, $0x38;
	[tilespmem:$0x11000] =	vst v63  }
0x1cd: {  	_ =	swait.ge [sflag:s3], $0x2000  }
0x1ce: {  	[sflag:s3] =	ssyncset.done $0x0  }
0x1cf: {  	s19 =	rddreg [dreg:$0xd];
	[sflag:s3] =	ssyncadd.s32 $0xFFFFE000  }
0x1d0: {  	[hbm4b:s19+s2] =	stream.linear.scatter [tilespmem:s4], [sflag:$0x5], $0x2000, $0x38;
	[tilespmem:$0x11000] =	vst v63  }
0x1d1: {  	_ =	swait.ge [sflag:s3], $0x2000  }
0x1d2: {  	s0 =	sld [smem:$0x7F3]  }
0x1d3: {  	[sflag:s3] =	ssyncset.done $0x0  }
0x1d4: {  	s19 =	sld [smem:$0x7F4];
	[sflag:s3] =	ssyncadd.s32 $0xFFFFE000  }
0x1d5: {  	[tilespmem:s7], [sflag:$0x1] =	stream.indirect.gather [hbm4b:s8+s18], $0x80, s0, s18, $0xb8;
	[tilespmem:$0x11000] =	vst v63  }
0x1d6: {  	s0 =	sld [smem:$0x7F5]  }
0x1d7: {  	[tilespmem:s6], [sflag:$0x2] =	stream.indirect.gather [hbm4b:s8+s18], $0x80, s19, s18, $0xb8;
	[tilespmem:$0x11000] =	vst v63  }
0x1d8: {  	s19 =	sld [smem:$0x7F6]  }
0x1d9: {  	[tilespmem:s5], [sflag:$0x3] =	stream.indirect.gather [hbm4b:s9+s18], $0x80, s0, s18, $0xb8;
	[tilespmem:$0x11000] =	vst v63  }
0x1da: {  	_ = 	snop  }
0x1db: {  	[tilespmem:s4], [sflag:$0x4] =	stream.indirect.gather [hbm4b:s9+s18], $0x80, s19, s18, $0xb8;
	[tilespmem:$0x11000] =	vst v63  }
0x1dc: {  	_ =	swait.ge [sflag:s15], $0x2000  }
0x1dd: {  	[sflag:s15] =	ssyncset.done $0x0  }
0x1de: {  	[sflag:s15] =	ssyncadd.s32 $0xFFFFE000  }
0x1df: {  	_ =	swait.ge [sflag:s16], $0x2000  }
0x1e0: {  	[sflag:s16] =	ssyncset.done $0x0  }
0x1e1: {  	[sflag:s16] =	ssyncadd.s32 $0xFFFFE000  }
0x1e2: {  	_ =	swait.ge [sflag:s17], $0x2000  }
0x1e3: {  	[sflag:s17] =	ssyncset.done $0x0  }
0x1e4: {  	[sflag:s17] =	ssyncadd.s32 $0xFFFFE000  }
0x1e5: {  	_ =	swait.ge [sflag:s14], $0x2000  }
0x1e6: {  	[sflag:s14] =	ssyncset.done $0x0  }
0x1e7: {  	s19 =	rddreg [dreg:$0xe];
	[sflag:s14] =	ssyncadd.s32 $0xFFFFE000  }
0x1e8: {  	[hbm4b:s19+s2] =	stream.linear.scatter [tilespmem:s13], [sflag:$0x5], $0x2000, $0x38;
	[tilespmem:$0x11000] =	vst v63  }
0x1e9: {  	_ =	swait.ge [sflag:s3], $0x2000  }
0x1ea: {  	[sflag:s3] =	ssyncset.done $0x0  }
0x1eb: {  	s19 =	rddreg [dreg:$0xf];
	[sflag:s3] =	ssyncadd.s32 $0xFFFFE000  }
0x1ec: {  	[hbm4b:s19+s2] =	stream.linear.scatter [tilespmem:s12], [sflag:$0x5], $0x2000, $0x38;
	[tilespmem:$0x11000] =	vst v63  }
0x1ed: {  	_ =	swait.ge [sflag:s3], $0x2000  }
0x1ee: {  	[sflag:s3] =	ssyncset.done $0x0  }
0x1ef: {  	s19 =	rddreg [dreg:$0x10];
	[sflag:s3] =	ssyncadd.s32 $0xFFFFE000  }
0x1f0: {  	[hbm4b:s19+s2] =	stream.linear.scatter [tilespmem:s11], [sflag:$0x5], $0x2000, $0x38;
	[tilespmem:$0x11000] =	vst v63  }
0x1f1: {  	_ =	swait.ge [sflag:s3], $0x2000  }
0x1f2: {  	[sflag:s3] =	ssyncset.done $0x0  }
0x1f3: {  	s19 =	rddreg [dreg:$0x11];
	[sflag:s3] =	ssyncadd.s32 $0xFFFFE000  }
0x1f4: {  	[hbm4b:s19+s2] =	stream.linear.scatter [tilespmem:s10], [sflag:$0x5], $0x2000, $0x38;
	[tilespmem:$0x11000] =	vst v63  }
0x1f5: {  	_ =	swait.ge [sflag:s3], $0x2000  }
0x1f6: {  	s0 =	sld [smem:$0x7F7]  }
0x1f7: {  	[sflag:s3] =	ssyncset.done $0x0  }
0x1f8: {  	s19 =	sld [smem:$0x7F8];
	[sflag:s3] =	ssyncadd.s32 $0xFFFFE000  }
0x1f9: {  	[tilespmem:s13], [sflag:$0x1] =	stream.indirect.gather [hbm4b:s8+s18], $0x80, s0, s18, $0xb8;
	[tilespmem:$0x11000] =	vst v63  }
0x1fa: {  	s0 =	sld [smem:$0x7F9]  }
0x1fb: {  	[tilespmem:s12], [sflag:$0x2] =	stream.indirect.gather [hbm4b:s8+s18], $0x80, s19, s18, $0xb8;
	[tilespmem:$0x11000] =	vst v63  }
0x1fc: {  	s19 =	sld [smem:$0x7FA]  }
0x1fd: {  	[tilespmem:s11], [sflag:$0x3] =	stream.indirect.gather [hbm4b:s9+s18], $0x80, s0, s18, $0xb8;
	[tilespmem:$0x11000] =	vst v63  }
0x1fe: {  	_ = 	snop  }
0x1ff: {  	[tilespmem:s10], [sflag:$0x4] =	stream.indirect.gather [hbm4b:s9+s18], $0x80, s19, s18, $0xb8;
	[tilespmem:$0x11000] =	vst v63  }
0x200: {  	_ =	swait.ge [sflag:s15], $0x2000  }
0x201: {  	[sflag:s15] =	ssyncset.done $0x0  }
0x202: {  	[sflag:s15] =	ssyncadd.s32 $0xFFFFE000  }
0x203: {  	_ =	swait.ge [sflag:s16], $0x2000  }
0x204: {  	[sflag:s16] =	ssyncset.done $0x0  }
0x205: {  	[sflag:s16] =	ssyncadd.s32 $0xFFFFE000  }
0x206: {  	_ =	swait.ge [sflag:s17], $0x2000  }
0x207: {  	[sflag:s17] =	ssyncset.done $0x0  }
0x208: {  	[sflag:s17] =	ssyncadd.s32 $0xFFFFE000  }
0x209: {  	_ =	swait.ge [sflag:s14], $0x2000  }
0x20a: {  	[sflag:s14] =	ssyncset.done $0x0  }
0x20b: {  	s19 =	rddreg [dreg:$0x12];
	[sflag:s14] =	ssyncadd.s32 $0xFFFFE000  }
0x20c: {  	[hbm4b:s19+s2] =	stream.linear.scatter [tilespmem:s7], [sflag:$0x5], $0x2000, $0x38;
	[tilespmem:$0x11000] =	vst v63  }
0x20d: {  	_ =	swait.ge [sflag:s3], $0x2000  }
0x20e: {  	[sflag:s3] =	ssyncset.done $0x0  }
0x20f: {  	s19 =	rddreg [dreg:$0x13];
	[sflag:s3] =	ssyncadd.s32 $0xFFFFE000  }
0x210: {  	[hbm4b:s19+s2] =	stream.linear.scatter [tilespmem:s6], [sflag:$0x5], $0x2000, $0x38;
	[tilespmem:$0x11000] =	vst v63  }
0x211: {  	_ =	swait.ge [sflag:s3], $0x2000  }
0x212: {  	[sflag:s3] =	ssyncset.done $0x0  }
0x213: {  	s19 =	rddreg [dreg:$0x14];
	[sflag:s3] =	ssyncadd.s32 $0xFFFFE000  }
0x214: {  	[hbm4b:s19+s2] =	stream.linear.scatter [tilespmem:s5], [sflag:$0x5], $0x2000, $0x38;
	[tilespmem:$0x11000] =	vst v63  }
0x215: {  	_ =	swait.ge [sflag:s3], $0x2000  }
0x216: {  	[sflag:s3] =	ssyncset.done $0x0  }
0x217: {  	s19 =	rddreg [dreg:$0x15];
	[sflag:s3] =	ssyncadd.s32 $0xFFFFE000  }
0x218: {  	[hbm4b:s19+s2] =	stream.linear.scatter [tilespmem:s4], [sflag:$0x5], $0x2000, $0x38;
	[tilespmem:$0x11000] =	vst v63  }
0x219: {  	_ =	swait.ge [sflag:s3], $0x2000  }
0x21a: {  	s0 =	sld [smem:$0x7FB]  }
0x21b: {  	[sflag:s3] =	ssyncset.done $0x0  }
0x21c: {  	s19 =	sld [smem:$0x7FC];
	[sflag:s3] =	ssyncadd.s32 $0xFFFFE000  }
0x21d: {  	[tilespmem:s7], [sflag:$0x1] =	stream.indirect.gather [hbm4b:s8+s18], $0x80, s0, s18, $0xb8;
	[tilespmem:$0x11000] =	vst v63  }
0x21e: {  	s0 =	sld [smem:$0x7FD]  }
0x21f: {  	[tilespmem:s6], [sflag:$0x2] =	stream.indirect.gather [hbm4b:s8+s18], $0x80, s19, s18, $0xb8;
	[tilespmem:$0x11000] =	vst v63  }
0x220: {  	_ = 	snop  }
0x221: {  	[tilespmem:s5], [sflag:$0x3] =	stream.indirect.gather [hbm4b:s9+s18], $0x80, s0, s18, $0xb8;
	[tilespmem:$0x11000] =	vst v63  }
0x222: {  	_ = 	snop  }
0x223: {  	[tilespmem:s4], [sflag:$0x4] =	stream.indirect.gather [hbm4b:s9+s18], $0x80, s24, s18, $0xb8;
	[tilespmem:$0x11000] =	vst v63  }
0x224: {  	_ =	swait.ge [sflag:s15], $0x2000  }
0x225: {  	[sflag:s15] =	ssyncset.done $0x0  }
0x226: {  	[sflag:s15] =	ssyncadd.s32 $0xFFFFE000  }
0x227: {  	_ =	swait.ge [sflag:s16], $0x2000  }
0x228: {  	[sflag:s16] =	ssyncset.done $0x0  }
0x229: {  	[sflag:s16] =	ssyncadd.s32 $0xFFFFE000  }
0x22a: {  	_ =	swait.ge [sflag:s17], $0x2000  }
0x22b: {  	[sflag:s17] =	ssyncset.done $0x0  }
0x22c: {  	[sflag:s17] =	ssyncadd.s32 $0xFFFFE000  }
0x22d: {  	_ =	swait.ge [sflag:s14], $0x2000  }
0x22e: {  	[sflag:s14] =	ssyncset.done $0x0  }
0x22f: {  	s19 =	rddreg [dreg:$0x16];
	[sflag:s14] =	ssyncadd.s32 $0xFFFFE000  }
0x230: {  	[hbm4b:s19+s2] =	stream.linear.scatter [tilespmem:s13], [sflag:$0x5], $0x2000, $0x38;
	[tilespmem:$0x11000] =	vst v63  }
0x231: {  	_ =	swait.ge [sflag:s3], $0x2000  }
0x232: {  	[sflag:s3] =	ssyncset.done $0x0  }
0x233: {  	s19 =	rddreg [dreg:$0x17];
	[sflag:s3] =	ssyncadd.s32 $0xFFFFE000  }
0x234: {  	[hbm4b:s19+s2] =	stream.linear.scatter [tilespmem:s12], [sflag:$0x5], $0x2000, $0x38;
	[tilespmem:$0x11000] =	vst v63  }
0x235: {  	_ =	swait.ge [sflag:s3], $0x2000  }
0x236: {  	[sflag:s3] =	ssyncset.done $0x0  }
0x237: {  	s19 =	rddreg [dreg:$0x18];
	[sflag:s3] =	ssyncadd.s32 $0xFFFFE000  }
0x238: {  	[hbm4b:s19+s2] =	stream.linear.scatter [tilespmem:s11], [sflag:$0x5], $0x2000, $0x38;
	[tilespmem:$0x11000] =	vst v63  }
0x239: {  	_ =	swait.ge [sflag:s3], $0x2000  }
0x23a: {  	[sflag:s3] =	ssyncset.done $0x0  }
0x23b: {  	s19 =	rddreg [dreg:$0x19];
	[sflag:s3] =	ssyncadd.s32 $0xFFFFE000  }
0x23c: {  	[hbm4b:s19+s2] =	stream.linear.scatter [tilespmem:s10], [sflag:$0x5], $0x2000, $0x38;
	[tilespmem:$0x11000] =	vst v63  }
0x23d: {  	_ =	swait.ge [sflag:s3], $0x2000  }
0x23e: {  	[sflag:s3] =	ssyncset.done $0x0  }
0x23f: {  	s19 =	simm.s32 $0x300;
	[sflag:s3] =	ssyncadd.s32 $0xFFFFE000  }
0x240: {  	[tilespmem:s13], [sflag:$0x1] =	stream.indirect.gather [hbm4b:s8+s18], $0x80, s19, s18, $0xb8;
	[tilespmem:$0x11000] =	vst v63  }
0x241: {  	_ = 	snop  }
0x242: {  	[tilespmem:s12], [sflag:$0x2] =	stream.indirect.gather [hbm4b:s8+s18], $0x80, s25, s18, $0xb8;
	[tilespmem:$0x11000] =	vst v63  }
0x243: {  	_ = 	snop  }
0x244: {  	[tilespmem:s11], [sflag:$0x3] =	stream.indirect.gather [hbm4b:s9+s18], $0x80, s26, s18, $0xb8;
	[tilespmem:$0x11000] =	vst v63  }
0x245: {  	_ = 	snop  }
0x246: {  	[tilespmem:s10], [sflag:$0x4] =	stream.indirect.gather [hbm4b:s9+s18], $0x80, s28, s18, $0xb8;
	[tilespmem:$0x11000] =	vst v63  }
0x247: {  	_ =	swait.ge [sflag:s15], $0x2000  }
0x248: {  	[sflag:s15] =	ssyncset.done $0x0  }
0x249: {  	[sflag:s15] =	ssyncadd.s32 $0xFFFFE000  }
0x24a: {  	_ =	swait.ge [sflag:s16], $0x2000  }
0x24b: {  	[sflag:s16] =	ssyncset.done $0x0  }
0x24c: {  	[sflag:s16] =	ssyncadd.s32 $0xFFFFE000  }
0x24d: {  	_ =	swait.ge [sflag:s17], $0x2000  }
0x24e: {  	[sflag:s17] =	ssyncset.done $0x0  }
0x24f: {  	[sflag:s17] =	ssyncadd.s32 $0xFFFFE000  }
0x250: {  	_ =	swait.ge [sflag:s14], $0x2000  }
0x251: {  	[sflag:s14] =	ssyncset.done $0x0  }
0x252: {  	s19 =	rddreg [dreg:$0x1a];
	[sflag:s14] =	ssyncadd.s32 $0xFFFFE000  }
0x253: {  	[hbm4b:s19+s2] =	stream.linear.scatter [tilespmem:s7], [sflag:$0x5], $0x2000, $0x38;
	[tilespmem:$0x11000] =	vst v63  }
0x254: {  	_ =	swait.ge [sflag:s3], $0x2000  }
0x255: {  	[sflag:s3] =	ssyncset.done $0x0  }
0x256: {  	s19 =	rddreg [dreg:$0x1b];
	[sflag:s3] =	ssyncadd.s32 $0xFFFFE000  }
0x257: {  	[hbm4b:s19+s2] =	stream.linear.scatter [tilespmem:s6], [sflag:$0x5], $0x2000, $0x38;
	[tilespmem:$0x11000] =	vst v63  }
0x258: {  	_ =	swait.ge [sflag:s3], $0x2000  }
0x259: {  	[sflag:s3] =	ssyncset.done $0x0  }
0x25a: {  	s19 =	rddreg [dreg:$0x1c];
	[sflag:s3] =	ssyncadd.s32 $0xFFFFE000  }
0x25b: {  	[hbm4b:s19+s2] =	stream.linear.scatter [tilespmem:s5], [sflag:$0x5], $0x2000, $0x38;
	[tilespmem:$0x11000] =	vst v63  }
0x25c: {  	_ =	swait.ge [sflag:s3], $0x2000  }
0x25d: {  	[sflag:s3] =	ssyncset.done $0x0  }
0x25e: {  	s19 =	rddreg [dreg:$0x1d];
	[sflag:s3] =	ssyncadd.s32 $0xFFFFE000  }
0x25f: {  	[hbm4b:s19+s2] =	stream.linear.scatter [tilespmem:s4], [sflag:$0x5], $0x2000, $0x38;
	[tilespmem:$0x11000] =	vst v63  }
0x260: {  	_ =	swait.ge [sflag:s3], $0x2000  }
0x261: {  	[sflag:s3] =	ssyncset.done $0x0  }
0x262: {  	[sflag:s3] =	ssyncadd.s32 $0xFFFFE000  }
0x263: {  	[tilespmem:s7], [sflag:$0x1] =	stream.indirect.gather [hbm4b:s8+s18], $0x80, s20, s18, $0xb8;
	[tilespmem:$0x11000] =	vst v63  }
0x264: {  	_ = 	snop  }
0x265: {  	[tilespmem:s6], [sflag:$0x2] =	stream.indirect.gather [hbm4b:s8+s18], $0x80, s21, s18, $0xb8;
	[tilespmem:$0x11000] =	vst v63  }
0x266: {  	_ = 	snop  }
0x267: {  	[tilespmem:s5], [sflag:$0x3] =	stream.indirect.gather [hbm4b:s9+s18], $0x80, s22, s18, $0xb8;
	[tilespmem:$0x11000] =	vst v63  }
0x268: {  	_ = 	snop  }
0x269: {  	[tilespmem:s4], [sflag:$0x4] =	stream.indirect.gather [hbm4b:s9+s18], $0x80, s23, s18, $0xb8;
	[tilespmem:$0x11000] =	vst v63  }
0x26a: {  	_ =	swait.ge [sflag:s15], $0x2000  }
0x26b: {  	[sflag:s15] =	ssyncset.done $0x0  }
0x26c: {  	[sflag:s15] =	ssyncadd.s32 $0xFFFFE000  }
0x26d: {  	_ =	swait.ge [sflag:s16], $0x2000  }
0x26e: {  	[sflag:s16] =	ssyncset.done $0x0  }
0x26f: {  	[sflag:s16] =	ssyncadd.s32 $0xFFFFE000  }
0x270: {  	_ =	swait.ge [sflag:s17], $0x2000  }
0x271: {  	[sflag:s17] =	ssyncset.done $0x0  }
0x272: {  	[sflag:s17] =	ssyncadd.s32 $0xFFFFE000  }
0x273: {  	_ =	swait.ge [sflag:s14], $0x2000  }
0x274: {  	[sflag:s14] =	ssyncset.done $0x0  }
0x275: {  	s19 =	rddreg [dreg:$0x1e];
	[sflag:s14] =	ssyncadd.s32 $0xFFFFE000  }
0x276: {  	[hbm4b:s19+s2] =	stream.linear.scatter [tilespmem:s13], [sflag:$0x5], $0x2000, $0x38;
	[tilespmem:$0x11000] =	vst v63  }
0x277: {  	_ =	swait.ge [sflag:s3], $0x2000  }
0x278: {  	[sflag:s3] =	ssyncset.done $0x0  }
0x279: {  	s19 =	rddreg [dreg:$0x1f];
	[sflag:s3] =	ssyncadd.s32 $0xFFFFE000  }
0x27a: {  	[hbm4b:s19+s2] =	stream.linear.scatter [tilespmem:s12], [sflag:$0x5], $0x2000, $0x38;
	[tilespmem:$0x11000] =	vst v63  }
0x27b: {  	_ =	swait.ge [sflag:s3], $0x2000  }
0x27c: {  	s19 =	sld [smem:$0x7E5]  }
0x27d: {  	[sflag:s3] =	ssyncset.done $0x0  }
0x27e: {  	[sflag:s3] =	ssyncadd.s32 $0xFFFFE000  }
0x27f: {  	[hbm4b:s19+s2] =	stream.linear.scatter [tilespmem:s11], [sflag:$0x5], $0x2000, $0x38;
	[tilespmem:$0x11000] =	vst v63  }
0x280: {  	_ =	swait.ge [sflag:s3], $0x2000  }
0x281: {  	s19 =	sld [smem:$0x7E6]  }
0x282: {  	[sflag:s3] =	ssyncset.done $0x0  }
0x283: {  	[sflag:s3] =	ssyncadd.s32 $0xFFFFE000  }
0x284: {  	[hbm4b:s19+s2] =	stream.linear.scatter [tilespmem:s10], [sflag:$0x5], $0x2000, $0x38;
	[tilespmem:$0x11000] =	vst v63  }
0x285: {  	_ =	swait.ge [sflag:s3], $0x2000  }
0x286: {  	[sflag:s3] =	ssyncset.done $0x0  }
0x287: {  	[sflag:s3] =	ssyncadd.s32 $0xFFFFE000  }
0x288: {  	_ =	swait.ge [sflag:s15], $0x2000  }
0x289: {  	[sflag:s15] =	ssyncset.done $0x0  }
0x28a: {  	[sflag:s15] =	ssyncadd.s32 $0xFFFFE000  }
0x28b: {  	_ =	swait.ge [sflag:s16], $0x2000  }
0x28c: {  	[sflag:s16] =	ssyncset.done $0x0  }
0x28d: {  	[sflag:s16] =	ssyncadd.s32 $0xFFFFE000  }
0x28e: {  	_ =	swait.ge [sflag:s17], $0x2000  }
0x28f: {  	[sflag:s17] =	ssyncset.done $0x0  }
0x290: {  	[sflag:s17] =	ssyncadd.s32 $0xFFFFE000  }
0x291: {  	_ =	swait.ge [sflag:s14], $0x2000  }
0x292: {  	s19 =	sld [smem:$0x7E7]  }
0x293: {  	[sflag:s14] =	ssyncset.done $0x0  }
0x294: {  	[sflag:s14] =	ssyncadd.s32 $0xFFFFE000  }
0x295: {  	[hbm4b:s19+s2] =	stream.linear.scatter [tilespmem:s7], [sflag:$0x5], $0x2000, $0x38;
	[tilespmem:$0x11000] =	vst v63  }
0x296: {  	_ =	swait.ge [sflag:s3], $0x2000  }
0x297: {  	s19 =	sld [smem:$0x7E8]  }
0x298: {  	[sflag:s3] =	ssyncset.done $0x0  }
0x299: {  	[sflag:s3] =	ssyncadd.s32 $0xFFFFE000  }
0x29a: {  	[hbm4b:s19+s2] =	stream.linear.scatter [tilespmem:s6], [sflag:$0x5], $0x2000, $0x38;
	[tilespmem:$0x11000] =	vst v63  }
0x29b: {  	_ =	swait.ge [sflag:s3], $0x2000  }
0x29c: {  	s19 =	sld [smem:$0x7E9]  }
0x29d: {  	[sflag:s3] =	ssyncset.done $0x0  }
0x29e: {  	[sflag:s3] =	ssyncadd.s32 $0xFFFFE000  }
0x29f: {  	[hbm4b:s19+s2] =	stream.linear.scatter [tilespmem:s5], [sflag:$0x5], $0x2000, $0x38;
	[tilespmem:$0x11000] =	vst v63  }
0x2a0: {  	_ =	swait.ge [sflag:s3], $0x2000  }
0x2a1: {  	p1 =	sne.s32 s1, $0x1;
	s19 =	sld [smem:$0x7EA]  }
.Ltmp2:
0x2a2: {  	[sflag:s3] =	ssyncset.done $0x0;
	(pc) =	sbr.rel @p1 .LBB2_4-.Ltmp2, $4  }
0x2a3: {  	[sflag:s3] =	ssyncadd.s32 $0xFFFFE000  }
0x2a4: {  	[hbm4b:s19+s2] =	stream.linear.scatter [tilespmem:s4], [sflag:$0x5], $0x2000, $0x38;
	[tilespmem:$0x11000] =	vst v63  }
0x2a5: {  	_ =	swait.ge [sflag:s3], $0x2000  }
0x2a6: {  	s1 =	sadd.s32 $0xFFFFFFFF, s1;
	s0 =	rddreg [dreg:$0x2];
	[sflag:s3] =	ssyncset.done $0x0  }
0x2a7: {  	s23 =	simm.s32 $0xE80;
	s28 =	simm.s32 $0xF00;
	s26 =	simm.s32 $0xB00  }
0x2a8: {  	s25 =	simm.s32 $0x700;
	s24 =	simm.s32 $0x300;
	s22 =	simm.s32 $0xB80  }
0x2a9: {  	s21 =	simm.s32 $0x780;
	s20 =	simm.s32 $0x380;
	s19 =	stileid.u32  }
.LBB2_6:
0x2aa: {  	[sflag:s3] =	ssyncadd.s32 @p0 $0xFFFFE000  }
0x2ab: {  	[tilespmem:s2], [sflag:$0x5] =	stream.linear.gather [hbm4b:s0+s2], $0x400, $0x38;
	[tilespmem:$0x11000] =	vst v63  }
0x2ac: {  	_ =	swait.ge [sflag:s3], $0x400  }
0x2ad: {  	[sflag:s3] =	ssyncset.done $0x0  }
0x2ae: {  	s1 =	rddreg [dreg:$0x3];
	[sflag:s3] =	ssyncadd.s32 $0xFFFFFC00  }
0x2af: {  	[tilespmem:s29], [sflag:$0x5] =	stream.linear.gather [hbm4b:s1+s2], $0x400, $0x38;
	[tilespmem:$0x11000] =	vst v63  }
0x2b0: {  	_ =	swait.ge [sflag:s3], $0x400  }
0x2b1: {  	[sflag:s3] =	ssyncset.done $0x0  }
0x2b2: {  	s1 =	rddreg [dreg:$0x4];
	[sflag:s3] =	ssyncadd.s32 $0xFFFFFC00  }
0x2b3: {  	[tilespmem:s30], [sflag:$0x5] =	stream.linear.gather [hbm4b:s1+s2], $0x400, $0x38;
	[tilespmem:$0x11000] =	vst v63  }
0x2b4: {  	_ =	swait.ge [sflag:s3], $0x400  }
0x2b5: {  	[sflag:s3] =	ssyncset.done $0x0  }
0x2b6: {  	s1 =	rddreg [dreg:$0x5];
	[sflag:s3] =	ssyncadd.s32 $0xFFFFFC00  }
0x2b7: {  	[tilespmem:s31], [sflag:$0x5] =	stream.linear.gather [hbm4b:s1+s2], $0x400, $0x38;
	[tilespmem:$0x11000] =	vst v63  }
0x2b8: {  	_ =	swait.ge [sflag:s3], $0x400  }
0x2b9: {  	[sflag:s3] =	ssyncset.done $0x0  }
0x2ba: {  	[sflag:s3] =	ssyncadd.s32 $0xFFFFFC00  }
0x2bb: {  	[tilespmem:s13], [sflag:$0x1] =	stream.indirect.gather [hbm4b:s8+s18], $0x80, s2, s18, $0xb8;
	[tilespmem:$0x11000] =	vst v63  }
0x2bc: {  	_ = 	snop  }
0x2bd: {  	[tilespmem:s12], [sflag:$0x2] =	stream.indirect.gather [hbm4b:s8+s18], $0x80, s29, s18, $0xb8;
	[tilespmem:$0x11000] =	vst v63  }
0x2be: {  	_ = 	snop  }
0x2bf: {  	[tilespmem:s11], [sflag:$0x3] =	stream.indirect.gather [hbm4b:s9+s18], $0x80, s30, s18, $0xb8;
	[tilespmem:$0x11000] =	vst v63  }
0x2c0: {  	s29 =	sld [smem:$0x7EB]  }
0x2c1: {  	[tilespmem:s10], [sflag:$0x4] =	stream.indirect.gather [hbm4b:s9+s18], $0x80, s31, s18, $0xb8;
	[tilespmem:$0x11000] =	vst v63  }
0x2c2: {  	s1 =	sld [smem:$0x7EC]  }
0x2c3: {  	[tilespmem:s7], [sflag:$0x1] =	stream.indirect.gather [hbm4b:s8+s18], $0x80, s29, s18, $0xb8;
	[tilespmem:$0x11000] =	vst v63  }
0x2c4: {  	s30 =	sld [smem:$0x7ED]  }
0x2c5: {  	[tilespmem:s6], [sflag:$0x2] =	stream.indirect.gather [hbm4b:s8+s18], $0x80, s1, s18, $0xb8;
	[tilespmem:$0x11000] =	vst v63  }
0x2c6: {  	s31 =	sld [smem:$0x7EE]  }
0x2c7: {  	[tilespmem:s5], [sflag:$0x3] =	stream.indirect.gather [hbm4b:s9+s18], $0x80, s30, s18, $0xb8;
	[tilespmem:$0x11000] =	vst v63  }
0x2c8: {  	_ = 	snop  }
0x2c9: {  	[tilespmem:s4], [sflag:$0x4] =	stream.indirect.gather [hbm4b:s9+s18], $0x80, s31, s18, $0xb8;
	[tilespmem:$0x11000] =	vst v63  }
0x2ca: {  	_ =	swait.ge [sflag:s15], $0x2000  }
0x2cb: {  	[sflag:s15] =	ssyncset.done $0x0  }
0x2cc: {  	[sflag:s15] =	ssyncadd.s32 $0xFFFFE000  }
0x2cd: {  	_ =	swait.ge [sflag:s16], $0x2000  }
0x2ce: {  	[sflag:s16] =	ssyncset.done $0x0  }
0x2cf: {  	[sflag:s16] =	ssyncadd.s32 $0xFFFFE000  }
0x2d0: {  	_ =	swait.ge [sflag:s17], $0x2000  }
0x2d1: {  	[sflag:s17] =	ssyncset.done $0x0  }
0x2d2: {  	[sflag:s17] =	ssyncadd.s32 $0xFFFFE000  }
0x2d3: {  	_ =	swait.ge [sflag:s14], $0x2000  }
0x2d4: {  	[sflag:s14] =	ssyncset.done $0x0  }
0x2d5: {  	s1 =	rddreg [dreg:$0x6];
	[sflag:s14] =	ssyncadd.s32 $0xFFFFE000  }
0x2d6: {  	[hbm4b:s1+s2] =	stream.linear.scatter [tilespmem:s13], [sflag:$0x5], $0x2000, $0x38;
	[tilespmem:$0x11000] =	vst v63  }
0x2d7: {  	_ =	swait.ge [sflag:s3], $0x2000  }
0x2d8: {  	[sflag:s3] =	ssyncset.done $0x0  }
0x2d9: {  	s29 =	rddreg [dreg:$0x7];
	[sflag:s3] =	ssyncadd.s32 $0xFFFFE000  }
0x2da: {  	[hbm4b:s29+s2] =	stream.linear.scatter [tilespmem:s12], [sflag:$0x5], $0x2000, $0x38;
	[tilespmem:$0x11000] =	vst v63  }
0x2db: {  	_ =	swait.ge [sflag:s3], $0x2000  }
0x2dc: {  	[sflag:s3] =	ssyncset.done $0x0  }
0x2dd: {  	s30 =	rddreg [dreg:$0x8];
	[sflag:s3] =	ssyncadd.s32 $0xFFFFE000  }
0x2de: {  	[hbm4b:s30+s2] =	stream.linear.scatter [tilespmem:s11], [sflag:$0x5], $0x2000, $0x38;
	[tilespmem:$0x11000] =	vst v63  }
0x2df: {  	_ =	swait.ge [sflag:s3], $0x2000  }
0x2e0: {  	[sflag:s3] =	ssyncset.done $0x0  }
0x2e1: {  	s31 =	rddreg [dreg:$0x9];
	[sflag:s3] =	ssyncadd.s32 $0xFFFFE000  }
0x2e2: {  	[hbm4b:s31+s2] =	stream.linear.scatter [tilespmem:s10], [sflag:$0x5], $0x2000, $0x38;
	[tilespmem:$0x11000] =	vst v63  }
0x2e3: {  	_ =	swait.ge [sflag:s3], $0x2000  }
0x2e4: {  	s1 =	sld [smem:$0x7EF]  }
0x2e5: {  	[sflag:s3] =	ssyncset.done $0x0  }
0x2e6: {  	s29 =	sld [smem:$0x7F0];
	[sflag:s3] =	ssyncadd.s32 $0xFFFFE000  }
0x2e7: {  	[tilespmem:s13], [sflag:$0x1] =	stream.indirect.gather [hbm4b:s8+s18], $0x80, s1, s18, $0xb8;
	[tilespmem:$0x11000] =	vst v63  }
0x2e8: {  	s30 =	sld [smem:$0x7F1]  }
0x2e9: {  	[tilespmem:s12], [sflag:$0x2] =	stream.indirect.gather [hbm4b:s8+s18], $0x80, s29, s18, $0xb8;
	[tilespmem:$0x11000] =	vst v63  }
0x2ea: {  	s31 =	sld [smem:$0x7F2]  }
0x2eb: {  	[tilespmem:s11], [sflag:$0x3] =	stream.indirect.gather [hbm4b:s9+s18], $0x80, s30, s18, $0xb8;
	[tilespmem:$0x11000] =	vst v63  }
0x2ec: {  	_ = 	snop  }
0x2ed: {  	[tilespmem:s10], [sflag:$0x4] =	stream.indirect.gather [hbm4b:s9+s18], $0x80, s31, s18, $0xb8;
	[tilespmem:$0x11000] =	vst v63  }
0x2ee: {  	_ =	swait.ge [sflag:s15], $0x2000  }
0x2ef: {  	[sflag:s15] =	ssyncset.done $0x0  }
0x2f0: {  	[sflag:s15] =	ssyncadd.s32 $0xFFFFE000  }
0x2f1: {  	_ =	swait.ge [sflag:s16], $0x2000  }
0x2f2: {  	[sflag:s16] =	ssyncset.done $0x0  }
0x2f3: {  	[sflag:s16] =	ssyncadd.s32 $0xFFFFE000  }
0x2f4: {  	_ =	swait.ge [sflag:s17], $0x2000  }
0x2f5: {  	[sflag:s17] =	ssyncset.done $0x0  }
0x2f6: {  	[sflag:s17] =	ssyncadd.s32 $0xFFFFE000  }
0x2f7: {  	_ =	swait.ge [sflag:s14], $0x2000  }
0x2f8: {  	[sflag:s14] =	ssyncset.done $0x0  }
0x2f9: {  	s1 =	rddreg [dreg:$0xa];
	[sflag:s14] =	ssyncadd.s32 $0xFFFFE000  }
0x2fa: {  	[hbm4b:s1+s2] =	stream.linear.scatter [tilespmem:s7], [sflag:$0x5], $0x2000, $0x38;
	[tilespmem:$0x11000] =	vst v63  }
0x2fb: {  	_ =	swait.ge [sflag:s3], $0x2000  }
0x2fc: {  	[sflag:s3] =	ssyncset.done $0x0  }
0x2fd: {  	s29 =	rddreg [dreg:$0xb];
	[sflag:s3] =	ssyncadd.s32 $0xFFFFE000  }
0x2fe: {  	[hbm4b:s29+s2] =	stream.linear.scatter [tilespmem:s6], [sflag:$0x5], $0x2000, $0x38;
	[tilespmem:$0x11000] =	vst v63  }
0x2ff: {  	_ =	swait.ge [sflag:s3], $0x2000  }
0x300: {  	[sflag:s3] =	ssyncset.done $0x0  }
0x301: {  	s30 =	rddreg [dreg:$0xc];
	[sflag:s3] =	ssyncadd.s32 $0xFFFFE000  }
0x302: {  	[hbm4b:s30+s2] =	stream.linear.scatter [tilespmem:s5], [sflag:$0x5], $0x2000, $0x38;
	[tilespmem:$0x11000] =	vst v63  }
0x303: {  	_ =	swait.ge [sflag:s3], $0x2000  }
0x304: {  	[sflag:s3] =	ssyncset.done $0x0  }
0x305: {  	s31 =	rddreg [dreg:$0xd];
	[sflag:s3] =	ssyncadd.s32 $0xFFFFE000  }
0x306: {  	[hbm4b:s31+s2] =	stream.linear.scatter [tilespmem:s4], [sflag:$0x5], $0x2000, $0x38;
	[tilespmem:$0x11000] =	vst v63  }
0x307: {  	_ =	swait.ge [sflag:s3], $0x2000  }
0x308: {  	s1 =	sld [smem:$0x7F3]  }
0x309: {  	[sflag:s3] =	ssyncset.done $0x0  }
0x30a: {  	s29 =	sld [smem:$0x7F4];
	[sflag:s3] =	ssyncadd.s32 $0xFFFFE000  }
0x30b: {  	[tilespmem:s7], [sflag:$0x1] =	stream.indirect.gather [hbm4b:s8+s18], $0x80, s1, s18, $0xb8;
	[tilespmem:$0x11000] =	vst v63  }
0x30c: {  	s30 =	sld [smem:$0x7F5]  }
0x30d: {  	[tilespmem:s6], [sflag:$0x2] =	stream.indirect.gather [hbm4b:s8+s18], $0x80, s29, s18, $0xb8;
	[tilespmem:$0x11000] =	vst v63  }
0x30e: {  	s31 =	sld [smem:$0x7F6]  }
0x30f: {  	[tilespmem:s5], [sflag:$0x3] =	stream.indirect.gather [hbm4b:s9+s18], $0x80, s30, s18, $0xb8;
	[tilespmem:$0x11000] =	vst v63  }
0x310: {  	_ = 	snop  }
0x311: {  	[tilespmem:s4], [sflag:$0x4] =	stream.indirect.gather [hbm4b:s9+s18], $0x80, s31, s18, $0xb8;
	[tilespmem:$0x11000] =	vst v63  }
0x312: {  	_ =	swait.ge [sflag:s15], $0x2000  }
0x313: {  	[sflag:s15] =	ssyncset.done $0x0  }
0x314: {  	[sflag:s15] =	ssyncadd.s32 $0xFFFFE000  }
0x315: {  	_ =	swait.ge [sflag:s16], $0x2000  }
0x316: {  	[sflag:s16] =	ssyncset.done $0x0  }
0x317: {  	[sflag:s16] =	ssyncadd.s32 $0xFFFFE000  }
0x318: {  	_ =	swait.ge [sflag:s17], $0x2000  }
0x319: {  	[sflag:s17] =	ssyncset.done $0x0  }
0x31a: {  	[sflag:s17] =	ssyncadd.s32 $0xFFFFE000  }
0x31b: {  	_ =	swait.ge [sflag:s14], $0x2000  }
0x31c: {  	[sflag:s14] =	ssyncset.done $0x0  }
0x31d: {  	s29 =	rddreg [dreg:$0xe];
	[sflag:s14] =	ssyncadd.s32 $0xFFFFE000  }
0x31e: {  	[hbm4b:s29+s2] =	stream.linear.scatter [tilespmem:s13], [sflag:$0x5], $0x2000, $0x38;
	[tilespmem:$0x11000] =	vst v63  }
0x31f: {  	_ =	swait.ge [sflag:s3], $0x2000  }
0x320: {  	[sflag:s3] =	ssyncset.done $0x0  }
0x321: {  	s30 =	rddreg [dreg:$0xf];
	[sflag:s3] =	ssyncadd.s32 $0xFFFFE000  }
0x322: {  	[hbm4b:s30+s2] =	stream.linear.scatter [tilespmem:s12], [sflag:$0x5], $0x2000, $0x38;
	[tilespmem:$0x11000] =	vst v63  }
0x323: {  	_ =	swait.ge [sflag:s3], $0x2000  }
0x324: {  	[sflag:s3] =	ssyncset.done $0x0  }
0x325: {  	s31 =	rddreg [dreg:$0x10];
	[sflag:s3] =	ssyncadd.s32 $0xFFFFE000  }
0x326: {  	[hbm4b:s31+s2] =	stream.linear.scatter [tilespmem:s11], [sflag:$0x5], $0x2000, $0x38;
	[tilespmem:$0x11000] =	vst v63  }
0x327: {  	_ =	swait.ge [sflag:s3], $0x2000  }
0x328: {  	[sflag:s3] =	ssyncset.done $0x0  }
0x329: {  	s1 =	rddreg [dreg:$0x11];
	[sflag:s3] =	ssyncadd.s32 $0xFFFFE000  }
0x32a: {  	[hbm4b:s1+s2] =	stream.linear.scatter [tilespmem:s10], [sflag:$0x5], $0x2000, $0x38;
	[tilespmem:$0x11000] =	vst v63  }
0x32b: {  	_ =	swait.ge [sflag:s3], $0x2000  }
0x32c: {  	s29 =	sld [smem:$0x7F7]  }
0x32d: {  	[sflag:s3] =	ssyncset.done $0x0  }
0x32e: {  	s30 =	sld [smem:$0x7F8];
	[sflag:s3] =	ssyncadd.s32 $0xFFFFE000  }
0x32f: {  	[tilespmem:s13], [sflag:$0x1] =	stream.indirect.gather [hbm4b:s8+s18], $0x80, s29, s18, $0xb8;
	[tilespmem:$0x11000] =	vst v63  }
0x330: {  	s31 =	sld [smem:$0x7F9]  }
0x331: {  	[tilespmem:s12], [sflag:$0x2] =	stream.indirect.gather [hbm4b:s8+s18], $0x80, s30, s18, $0xb8;
	[tilespmem:$0x11000] =	vst v63  }
0x332: {  	s29 =	sld [smem:$0x7FA]  }
0x333: {  	[tilespmem:s11], [sflag:$0x3] =	stream.indirect.gather [hbm4b:s9+s18], $0x80, s31, s18, $0xb8;
	[tilespmem:$0x11000] =	vst v63  }
0x334: {  	_ = 	snop  }
0x335: {  	[tilespmem:s10], [sflag:$0x4] =	stream.indirect.gather [hbm4b:s9+s18], $0x80, s29, s18, $0xb8;
	[tilespmem:$0x11000] =	vst v63  }
0x336: {  	_ =	swait.ge [sflag:s15], $0x2000  }
0x337: {  	[sflag:s15] =	ssyncset.done $0x0  }
0x338: {  	[sflag:s15] =	ssyncadd.s32 $0xFFFFE000  }
0x339: {  	_ =	swait.ge [sflag:s16], $0x2000  }
0x33a: {  	[sflag:s16] =	ssyncset.done $0x0  }
0x33b: {  	[sflag:s16] =	ssyncadd.s32 $0xFFFFE000  }
0x33c: {  	_ =	swait.ge [sflag:s17], $0x2000  }
0x33d: {  	[sflag:s17] =	ssyncset.done $0x0  }
0x33e: {  	[sflag:s17] =	ssyncadd.s32 $0xFFFFE000  }
0x33f: {  	_ =	swait.ge [sflag:s14], $0x2000  }
0x340: {  	[sflag:s14] =	ssyncset.done $0x0  }
0x341: {  	s30 =	rddreg [dreg:$0x12];
	[sflag:s14] =	ssyncadd.s32 $0xFFFFE000  }
0x342: {  	[hbm4b:s30+s2] =	stream.linear.scatter [tilespmem:s7], [sflag:$0x5], $0x2000, $0x38;
	[tilespmem:$0x11000] =	vst v63  }
0x343: {  	_ =	swait.ge [sflag:s3], $0x2000  }
0x344: {  	[sflag:s3] =	ssyncset.done $0x0  }
0x345: {  	s31 =	rddreg [dreg:$0x13];
	[sflag:s3] =	ssyncadd.s32 $0xFFFFE000  }
0x346: {  	[hbm4b:s31+s2] =	stream.linear.scatter [tilespmem:s6], [sflag:$0x5], $0x2000, $0x38;
	[tilespmem:$0x11000] =	vst v63  }
0x347: {  	_ =	swait.ge [sflag:s3], $0x2000  }
0x348: {  	[sflag:s3] =	ssyncset.done $0x0  }
0x349: {  	s1 =	rddreg [dreg:$0x14];
	[sflag:s3] =	ssyncadd.s32 $0xFFFFE000  }
0x34a: {  	[hbm4b:s1+s2] =	stream.linear.scatter [tilespmem:s5], [sflag:$0x5], $0x2000, $0x38;
	[tilespmem:$0x11000] =	vst v63  }
0x34b: {  	_ =	swait.ge [sflag:s3], $0x2000  }
0x34c: {  	[sflag:s3] =	ssyncset.done $0x0  }
0x34d: {  	s29 =	rddreg [dreg:$0x15];
	[sflag:s3] =	ssyncadd.s32 $0xFFFFE000  }
0x34e: {  	[hbm4b:s29+s2] =	stream.linear.scatter [tilespmem:s4], [sflag:$0x5], $0x2000, $0x38;
	[tilespmem:$0x11000] =	vst v63  }
0x34f: {  	_ =	swait.ge [sflag:s3], $0x2000  }
0x350: {  	s30 =	sld [smem:$0x7FB]  }
0x351: {  	[sflag:s3] =	ssyncset.done $0x0  }
0x352: {  	s31 =	sld [smem:$0x7FC];
	[sflag:s3] =	ssyncadd.s32 $0xFFFFE000  }
0x353: {  	[tilespmem:s7], [sflag:$0x1] =	stream.indirect.gather [hbm4b:s8+s18], $0x80, s30, s18, $0xb8;
	[tilespmem:$0x11000] =	vst v63  }
0x354: {  	s29 =	sld [smem:$0x7FD]  }
0x355: {  	[tilespmem:s6], [sflag:$0x2] =	stream.indirect.gather [hbm4b:s8+s18], $0x80, s31, s18, $0xb8;
	[tilespmem:$0x11000] =	vst v63  }
0x356: {  	_ = 	snop  }
0x357: {  	[tilespmem:s5], [sflag:$0x3] =	stream.indirect.gather [hbm4b:s9+s18], $0x80, s29, s18, $0xb8;
	[tilespmem:$0x11000] =	vst v63  }
0x358: {  	_ = 	snop  }
0x359: {  	[tilespmem:s4], [sflag:$0x4] =	stream.indirect.gather [hbm4b:s9+s18], $0x80, s23, s18, $0xb8;
	[tilespmem:$0x11000] =	vst v63  }
0x35a: {  	_ =	swait.ge [sflag:s15], $0x2000  }
0x35b: {  	[sflag:s15] =	ssyncset.done $0x0  }
0x35c: {  	[sflag:s15] =	ssyncadd.s32 $0xFFFFE000  }
0x35d: {  	_ =	swait.ge [sflag:s16], $0x2000  }
0x35e: {  	[sflag:s16] =	ssyncset.done $0x0  }
0x35f: {  	[sflag:s16] =	ssyncadd.s32 $0xFFFFE000  }
0x360: {  	_ =	swait.ge [sflag:s17], $0x2000  }
0x361: {  	[sflag:s17] =	ssyncset.done $0x0  }
0x362: {  	[sflag:s17] =	ssyncadd.s32 $0xFFFFE000  }
0x363: {  	_ =	swait.ge [sflag:s14], $0x2000  }
0x364: {  	[sflag:s14] =	ssyncset.done $0x0  }
0x365: {  	s30 =	rddreg [dreg:$0x16];
	[sflag:s14] =	ssyncadd.s32 $0xFFFFE000  }
0x366: {  	[hbm4b:s30+s2] =	stream.linear.scatter [tilespmem:s13], [sflag:$0x5], $0x2000, $0x38;
	[tilespmem:$0x11000] =	vst v63  }
0x367: {  	_ =	swait.ge [sflag:s3], $0x2000  }
0x368: {  	[sflag:s3] =	ssyncset.done $0x0  }
0x369: {  	s31 =	rddreg [dreg:$0x17];
	[sflag:s3] =	ssyncadd.s32 $0xFFFFE000  }
0x36a: {  	[hbm4b:s31+s2] =	stream.linear.scatter [tilespmem:s12], [sflag:$0x5], $0x2000, $0x38;
	[tilespmem:$0x11000] =	vst v63  }
0x36b: {  	_ =	swait.ge [sflag:s3], $0x2000  }
0x36c: {  	[sflag:s3] =	ssyncset.done $0x0  }
0x36d: {  	s1 =	rddreg [dreg:$0x18];
	[sflag:s3] =	ssyncadd.s32 $0xFFFFE000  }
0x36e: {  	[hbm4b:s1+s2] =	stream.linear.scatter [tilespmem:s11], [sflag:$0x5], $0x2000, $0x38;
	[tilespmem:$0x11000] =	vst v63  }
0x36f: {  	_ =	swait.ge [sflag:s3], $0x2000  }
0x370: {  	[sflag:s3] =	ssyncset.done $0x0  }
0x371: {  	s23 =	rddreg [dreg:$0x19];
	[sflag:s3] =	ssyncadd.s32 $0xFFFFE000  }
0x372: {  	[hbm4b:s23+s2] =	stream.linear.scatter [tilespmem:s10], [sflag:$0x5], $0x2000, $0x38;
	[tilespmem:$0x11000] =	vst v63  }
0x373: {  	_ =	swait.ge [sflag:s3], $0x2000  }
0x374: {  	[sflag:s3] =	ssyncset.done $0x0  }
0x375: {  	[sflag:s3] =	ssyncadd.s32 $0xFFFFE000  }
0x376: {  	[tilespmem:s13], [sflag:$0x1] =	stream.indirect.gather [hbm4b:s8+s18], $0x80, s24, s18, $0xb8;
	[tilespmem:$0x11000] =	vst v63  }
0x377: {  	_ = 	snop  }
0x378: {  	[tilespmem:s12], [sflag:$0x2] =	stream.indirect.gather [hbm4b:s8+s18], $0x80, s25, s18, $0xb8;
	[tilespmem:$0x11000] =	vst v63  }
0x379: {  	_ = 	snop  }
0x37a: {  	[tilespmem:s11], [sflag:$0x3] =	stream.indirect.gather [hbm4b:s9+s18], $0x80, s26, s18, $0xb8;
	[tilespmem:$0x11000] =	vst v63  }
0x37b: {  	_ = 	snop  }
0x37c: {  	[tilespmem:s10], [sflag:$0x4] =	stream.indirect.gather [hbm4b:s9+s18], $0x80, s28, s18, $0xb8;
	[tilespmem:$0x11000] =	vst v63  }
0x37d: {  	_ =	swait.ge [sflag:s15], $0x2000  }
0x37e: {  	[sflag:s15] =	ssyncset.done $0x0  }
0x37f: {  	[sflag:s15] =	ssyncadd.s32 $0xFFFFE000  }
0x380: {  	_ =	swait.ge [sflag:s16], $0x2000  }
0x381: {  	[sflag:s16] =	ssyncset.done $0x0  }
0x382: {  	[sflag:s16] =	ssyncadd.s32 $0xFFFFE000  }
0x383: {  	_ =	swait.ge [sflag:s17], $0x2000  }
0x384: {  	[sflag:s17] =	ssyncset.done $0x0  }
0x385: {  	[sflag:s17] =	ssyncadd.s32 $0xFFFFE000  }
0x386: {  	_ =	swait.ge [sflag:s14], $0x2000  }
0x387: {  	[sflag:s14] =	ssyncset.done $0x0  }
0x388: {  	s29 =	rddreg [dreg:$0x1a];
	[sflag:s14] =	ssyncadd.s32 $0xFFFFE000  }
0x389: {  	[hbm4b:s29+s2] =	stream.linear.scatter [tilespmem:s7], [sflag:$0x5], $0x2000, $0x38;
	[tilespmem:$0x11000] =	vst v63  }
0x38a: {  	_ =	swait.ge [sflag:s3], $0x2000  }
0x38b: {  	[sflag:s3] =	ssyncset.done $0x0  }
0x38c: {  	s30 =	rddreg [dreg:$0x1b];
	[sflag:s3] =	ssyncadd.s32 $0xFFFFE000  }
0x38d: {  	[hbm4b:s30+s2] =	stream.linear.scatter [tilespmem:s6], [sflag:$0x5], $0x2000, $0x38;
	[tilespmem:$0x11000] =	vst v63  }
0x38e: {  	_ =	swait.ge [sflag:s3], $0x2000  }
0x38f: {  	[sflag:s3] =	ssyncset.done $0x0  }
0x390: {  	s31 =	rddreg [dreg:$0x1c];
	[sflag:s3] =	ssyncadd.s32 $0xFFFFE000  }
0x391: {  	[hbm4b:s31+s2] =	stream.linear.scatter [tilespmem:s5], [sflag:$0x5], $0x2000, $0x38;
	[tilespmem:$0x11000] =	vst v63  }
0x392: {  	_ =	swait.ge [sflag:s3], $0x2000  }
0x393: {  	[sflag:s3] =	ssyncset.done $0x0  }
0x394: {  	s1 =	rddreg [dreg:$0x1d];
	[sflag:s3] =	ssyncadd.s32 $0xFFFFE000  }
0x395: {  	[hbm4b:s1+s2] =	stream.linear.scatter [tilespmem:s4], [sflag:$0x5], $0x2000, $0x38;
	[tilespmem:$0x11000] =	vst v63  }
0x396: {  	_ =	swait.ge [sflag:s3], $0x2000  }
0x397: {  	[sflag:s3] =	ssyncset.done $0x0  }
0x398: {  	[sflag:s3] =	ssyncadd.s32 $0xFFFFE000  }
0x399: {  	[tilespmem:s7], [sflag:$0x1] =	stream.indirect.gather [hbm4b:s8+s18], $0x80, s20, s18, $0xb8;
	[tilespmem:$0x11000] =	vst v63  }
0x39a: {  	_ = 	snop  }
0x39b: {  	[tilespmem:s6], [sflag:$0x2] =	stream.indirect.gather [hbm4b:s8+s18], $0x80, s21, s18, $0xb8;
	[tilespmem:$0x11000] =	vst v63  }
0x39c: {  	_ = 	snop  }
0x39d: {  	[tilespmem:s5], [sflag:$0x3] =	stream.indirect.gather [hbm4b:s9+s18], $0x80, s22, s18, $0xb8;
	[tilespmem:$0x11000] =	vst v63  }
0x39e: {  	s22 =	simm.s32 $0xF80  }
0x39f: {  	[tilespmem:s4], [sflag:$0x4] =	stream.indirect.gather [hbm4b:s9+s18], $0x80, s22, s18, $0xb8;
	[tilespmem:$0x11000] =	vst v63  }
0x3a0: {  	_ =	swait.ge [sflag:s15], $0x2000  }
0x3a1: {  	[sflag:s15] =	ssyncset.done $0x0  }
0x3a2: {  	[sflag:s15] =	ssyncadd.s32 $0xFFFFE000  }
0x3a3: {  	_ =	swait.ge [sflag:s16], $0x2000  }
0x3a4: {  	[sflag:s16] =	ssyncset.done $0x0  }
0x3a5: {  	[sflag:s16] =	ssyncadd.s32 $0xFFFFE000  }
0x3a6: {  	_ =	swait.ge [sflag:s17], $0x2000  }
0x3a7: {  	[sflag:s17] =	ssyncset.done $0x0  }
0x3a8: {  	[sflag:s17] =	ssyncadd.s32 $0xFFFFE000  }
0x3a9: {  	_ =	swait.ge [sflag:s14], $0x2000  }
0x3aa: {  	[sflag:s14] =	ssyncset.done $0x0  }
0x3ab: {  	s23 =	rddreg [dreg:$0x1e];
	[sflag:s14] =	ssyncadd.s32 $0xFFFFE000  }
0x3ac: {  	[hbm4b:s23+s2] =	stream.linear.scatter [tilespmem:s13], [sflag:$0x5], $0x2000, $0x38;
	[tilespmem:$0x11000] =	vst v63  }
0x3ad: {  	_ =	swait.ge [sflag:s3], $0x2000  }
0x3ae: {  	[sflag:s3] =	ssyncset.done $0x0  }
0x3af: {  	s24 =	rddreg [dreg:$0x1f];
	[sflag:s3] =	ssyncadd.s32 $0xFFFFE000  }
0x3b0: {  	[hbm4b:s24+s2] =	stream.linear.scatter [tilespmem:s12], [sflag:$0x5], $0x2000, $0x38;
	[tilespmem:$0x11000] =	vst v63  }
0x3b1: {  	_ =	swait.ge [sflag:s3], $0x2000  }
0x3b2: {  	s25 =	sld [smem:$0x7E5]  }
0x3b3: {  	[sflag:s3] =	ssyncset.done $0x0  }
0x3b4: {  	[sflag:s3] =	ssyncadd.s32 $0xFFFFE000  }
0x3b5: {  	[hbm4b:s25+s2] =	stream.linear.scatter [tilespmem:s11], [sflag:$0x5], $0x2000, $0x38;
	[tilespmem:$0x11000] =	vst v63  }
0x3b6: {  	_ =	swait.ge [sflag:s3], $0x2000  }
0x3b7: {  	s26 =	sld [smem:$0x7E6]  }
0x3b8: {  	[sflag:s3] =	ssyncset.done $0x0  }
0x3b9: {  	[sflag:s3] =	ssyncadd.s32 $0xFFFFE000  }
0x3ba: {  	[hbm4b:s26+s2] =	stream.linear.scatter [tilespmem:s10], [sflag:$0x5], $0x2000, $0x38;
	[tilespmem:$0x11000] =	vst v63  }
0x3bb: {  	_ =	swait.ge [sflag:s3], $0x2000  }
0x3bc: {  	[sflag:s3] =	ssyncset.done $0x0  }
0x3bd: {  	[sflag:s3] =	ssyncadd.s32 $0xFFFFE000  }
0x3be: {  	_ =	swait.ge [sflag:s15], $0x2000  }
0x3bf: {  	[sflag:s15] =	ssyncset.done $0x0  }
0x3c0: {  	[sflag:s15] =	ssyncadd.s32 $0xFFFFE000  }
0x3c1: {  	_ =	swait.ge [sflag:s16], $0x2000  }
0x3c2: {  	[sflag:s16] =	ssyncset.done $0x0  }
0x3c3: {  	[sflag:s16] =	ssyncadd.s32 $0xFFFFE000  }
0x3c4: {  	_ =	swait.ge [sflag:s17], $0x2000  }
0x3c5: {  	[sflag:s17] =	ssyncset.done $0x0  }
0x3c6: {  	[sflag:s17] =	ssyncadd.s32 $0xFFFFE000  }
0x3c7: {  	_ =	swait.ge [sflag:s14], $0x2000  }
0x3c8: {  	s28 =	sld [smem:$0x7E7]  }
0x3c9: {  	[sflag:s14] =	ssyncset.done $0x0  }
0x3ca: {  	[sflag:s14] =	ssyncadd.s32 $0xFFFFE000  }
0x3cb: {  	[hbm4b:s28+s2] =	stream.linear.scatter [tilespmem:s7], [sflag:$0x5], $0x2000, $0x38;
	[tilespmem:$0x11000] =	vst v63  }
0x3cc: {  	_ =	swait.ge [sflag:s3], $0x2000  }
0x3cd: {  	s29 =	sld [smem:$0x7E8]  }
0x3ce: {  	[sflag:s3] =	ssyncset.done $0x0  }
0x3cf: {  	[sflag:s3] =	ssyncadd.s32 $0xFFFFE000  }
0x3d0: {  	[hbm4b:s29+s2] =	stream.linear.scatter [tilespmem:s6], [sflag:$0x5], $0x2000, $0x38;
	[tilespmem:$0x11000] =	vst v63  }
0x3d1: {  	_ =	swait.ge [sflag:s3], $0x2000  }
0x3d2: {  	s30 =	sld [smem:$0x7E9]  }
0x3d3: {  	[sflag:s3] =	ssyncset.done $0x0  }
0x3d4: {  	[sflag:s3] =	ssyncadd.s32 $0xFFFFE000  }
0x3d5: {  	[hbm4b:s30+s2] =	stream.linear.scatter [tilespmem:s5], [sflag:$0x5], $0x2000, $0x38;
	[tilespmem:$0x11000] =	vst v63  }
0x3d6: {  	_ =	swait.ge [sflag:s3], $0x2000  }
0x3d7: {  	s31 =	sld [smem:$0x7EA]  }
0x3d8: {  	[sflag:s3] =	ssyncset.done $0x0  }
0x3d9: {  	[sflag:s3] =	ssyncadd.s32 $0xFFFFE000  }
0x3da: {  	[hbm4b:s31+s2] =	stream.linear.scatter [tilespmem:s4], [sflag:$0x5], $0x2000, $0x38;
	[tilespmem:$0x11000] =	vst v63  }
0x3db: {  	_ =	swait.ge [sflag:s3], $0x2000  }
0x3dc: {  	[sflag:s3] =	ssyncset.done $0x0  }
0x3dd: {  	[sflag:s3] =	ssyncadd.s32 $0xFFFFE000  }
0x3de: {  	_ =	sfence.sel $0x180000  }
0x3df: {  	[bflag:$0x0] =	sbarrier.arrive $0xFFFF  }
0x3e0: {  	_ =	strace $0x90000047  }
0x3e1: {  	[bflag:$0x2] =	sbarrier.arrive $0xFFFF  }
0x3e2: {  	p0 =	sne.s32 s19, $0x0;
	s0 =	rddreg [dreg:$0x1]  }
0x3e3: {  	s0 =	sadd.s32 @!p0 $0x100000, s0  }
0x3e4: {  	[sflag:s0] =	ssyncadd.tile.s32 @!p0 $0x1;
	_ =	shalt  }
.LBB2_1:
.Ltmp3:
0x3e5: {  	(pc) =	sbr.rel .LBB2_6-.Ltmp3, $4  }
0x3e6: {  	_ = 	snop  }
0x3e7: {  	s23 =	simm.s32 $0xE80;
	s28 =	simm.s32 $0xF00  }
0x3e8: {  	s26 =	simm.s32 $0xB00;
	s25 =	simm.s32 $0x700;
	s24 =	simm.s32 $0x300  }
0x3e9: {  	s22 =	simm.s32 $0xB80;
	s21 =	simm.s32 $0x780;
	s20 =	simm.s32 $0x380  }
.LBB2_3:
.Ltmp4:
0x3ea: {  	(pc) =	sbr.rel .LBB2_6-.Ltmp4, $4  }
0x3eb: {  	_ = 	snop  }
0x3ec: {  	s23 =	simm.s32 $0xE80;
	s28 =	simm.s32 $0xF00;
	s26 =	simm.s32 $0xB00  }
0x3ed: {  	s25 =	simm.s32 $0x700;
	s24 =	simm.s32 $0x300;
	s22 =	simm.s32 $0xB80  }
0x3ee: {  	s21 =	simm.s32 $0x780;
	s20 =	simm.s32 $0x380;
	s19 =	stileid.u32  }
.Lfunc_end2:
_tile_overlayer_lowered:
.L_overlay_start_2:
0x3ef: {  	(tag) =	ssettag $0x2  }
0x3f0: {  	s0 =	rddreg [dreg:$0x0];
	s2 =	stileid.u32  }
0x3f1: {  	s1 =	rddreg [dreg:$0x1];
	p0 =	sne.s32 s2, $0x0  }
0x3f2: {  	s3 =	rddreg [dreg:$0x2];
	[bflag:$0x3] =	sbarrier.arrive $0xFFFF;
	s2 =	simm.s32 @!p0 $0x1C05  }
0x3f3: {  	[timem:s3], [sflag:s2] =	dma.local @!p0 [hbm:s0], s1  }
0x3f4: {  	s0 =	simm.s32 @!p0 $0x5  }
0x3f5: {  	_ =	swait.ge @!p0 [sflag:s0], s1  }
0x3f6: {  	s1 =	ssub.s32 @!p0 $0x0, s1;
	[sflag:s0] =	ssyncset.done @!p0 $0x0  }
0x3f7: {  	[sflag:s0] =	ssyncadd.s32 @!p0 s1  }
0x3f8: {  	[bflag:$0x3] =	sbarrier.arrive $0xFFFF  }
0x3f9: {  	_ =	shalt  }

</sc_bundles>
